<compile_context>
chip_gen: v7x
topology: tpu7x:2x2x1
jax: 0.10.2.dev20260603
libtpu: 0.0.44.dev20260713+nightly
codegen_flags: <defaults>
</compile_context>

<pallas_src>
import functools

import jax
import jax.numpy as jnp
from jax import lax
from jax.experimental import pallas as pl
from jax.experimental.pallas import tpu as pltpu
from jax.experimental.pallas import tpu_sc as plsc

NN = 10000
EE = 160000
IN_D = 256
HID_D = 128
OUT_D = 128
KK = 2

NC, NS, LANES = 2, 16, 16
NW = NC * NS
BB = 128
E_PAD = 163840
EPT = E_PAD // NW
NB = EPT // BB
N_PAD = 10112
RPT = N_PAD // NS

_mesh = plsc.VectorSubcoreMesh(core_axis_name="c", subcore_axis_name="s")


def _zero_rows(buf, nrows, ncols):
    def body(i, _):
        for j in range(ncols // LANES):
            buf[i, pl.ds(j * LANES, LANES)] = jnp.zeros((LANES,), jnp.float32)
        return 0
    lax.fori_loop(0, nrows, body, 0)


def _zero_acc_slice(zbuf, acc, r0):
    off = 0
    while off < RPT:
        ln = min(BB, RPT - off)
        pltpu.sync_copy(zbuf.at[pl.ds(0, ln)], acc.at[pl.ds(r0 + off, ln)])
        off += ln



def _deg_body(cols_hbm, out_hbm, acc, ones_v, cols_v):
    c = lax.axis_index("c")
    s = lax.axis_index("s")
    wid = c * NS + s
    pltpu.sync_copy(cols_hbm.at[wid], cols_v)
    _zero_rows(ones_v, BB, HID_D)
    _zero_acc_slice(ones_v, acc, s * RPT)
    def fill(i, _):
        ones_v[i, pl.ds(0, LANES)] = jnp.ones((LANES,), jnp.float32)
        return 0
    lax.fori_loop(0, BB, fill, 0)
    plsc.subcore_barrier()
    for b in range(NB):
        pltpu.sync_copy(ones_v, acc.at[cols_v.at[b]], add=True)
    plsc.subcore_barrier()
    r0 = s * RPT
    pltpu.sync_copy(acc.at[pl.ds(r0, RPT)], out_hbm.at[c, pl.ds(r0, RPT)])



DEPTH = 2
NQ = NB // DEPTH


def _prop_body(y_hbm, rows_hbm, cols_hbm, out_hbm, acc,
               g0, g1, rows_v, cols_v, *sems):
    gb = (g0, g1)
    gsems = sems[:DEPTH]
    ssems = sems[DEPTH:]
    c = lax.axis_index("c")
    s = lax.axis_index("s")
    r0 = s * RPT
    wid = c * NS + s
    pltpu.sync_copy(rows_hbm.at[wid], rows_v)
    pltpu.sync_copy(cols_hbm.at[wid], cols_v)
    _zero_rows(g1, BB, HID_D)
    pltpu.async_copy(y_hbm.at[rows_v.at[0]], g0, gsems[0])
    _zero_acc_slice(g1, acc, r0)
    pltpu.async_copy(y_hbm.at[rows_v.at[1]], g1, gsems[1])
    plsc.subcore_barrier()

    def body(q, _):
        for j in range(DEPTH):
            b = q * DEPTH + j
            pltpu.make_async_copy(y_hbm.at[rows_v.at[b]], gb[j],
                                  gsems[j]).wait()
            pltpu.async_copy(gb[j], acc.at[cols_v.at[b]], ssems[j],
                             add=True)
        for j in range(DEPTH):
            b = q * DEPTH + j
            pltpu.make_async_copy(gb[j], acc.at[cols_v.at[b]],
                                  ssems[j]).wait()
            @pl.when(q + 1 < NQ)
            def _():
                pltpu.async_copy(y_hbm.at[rows_v.at[(q + 1) * DEPTH + j]],
                                 gb[j], gsems[j])
        return 0

    lax.fori_loop(0, NQ, body, 0)
    plsc.subcore_barrier()
    pltpu.sync_copy(acc.at[pl.ds(r0, RPT)], out_hbm.at[c, pl.ds(r0, RPT)])


_deg_call = functools.partial(
    pl.kernel,
    _deg_body,
    out_type=jax.ShapeDtypeStruct((NC, N_PAD, HID_D), jnp.float32),
    mesh=_mesh,
    scratch_types=[
        pltpu.VMEM_SHARED((N_PAD, HID_D), jnp.float32),
        pltpu.VMEM((BB, HID_D), jnp.float32),
        pltpu.VMEM((NB, BB), jnp.int32),
    ],
)()

_prop_call = functools.partial(
    pl.kernel,
    _prop_body,
    out_type=jax.ShapeDtypeStruct((NC, N_PAD, HID_D), jnp.float32),
    mesh=_mesh,
    scratch_types=[
        pltpu.VMEM_SHARED((N_PAD, HID_D), jnp.float32),
        pltpu.VMEM((BB, HID_D), jnp.float32),
        pltpu.VMEM((BB, HID_D), jnp.float32),
        pltpu.VMEM((NB, BB), jnp.int32),
        pltpu.VMEM((NB, BB), jnp.int32),
    ] + [pltpu.SemaphoreType.DMA] * (2 * DEPTH),
)()



BR = 1000
GRID = NN // BR


def _dinv_block(dp):
    deg = dp[0, :, 0:1] + dp[1, :, 0:1] + 1.0
    return lax.rsqrt(deg)


def _mlp_kern(x_ref, w1_ref, b1_ref, g_ref, be_ref, w2_ref, b2_ref,
              temp_ref, h_ref, hid_ref):
    h = jnp.dot(x_ref[:], w1_ref[:], preferred_element_type=jnp.float32)
    h = h + b1_ref[:]
    h = 0.5 * h * (1.0 + lax.erf(h * 0.7071067811865476))
    mu = jnp.mean(h, axis=-1, keepdims=True)
    d = h - mu
    var = jnp.mean(d * d, axis=-1, keepdims=True)
    h = d * lax.rsqrt(var + 1e-5) * g_ref[:] + be_ref[:]
    h = jnp.dot(h, w2_ref[:], preferred_element_type=jnp.float32) + b2_ref[:]
    h_ref[:] = h
    hid_ref[:] = temp_ref[0] * h


def _scale_kern(h_ref, dp_ref, y_ref, dinv_ref):
    dinv = _dinv_block(dp_ref[:])
    y_ref[:] = h_ref[:] * dinv
    dinv_ref[:] = jnp.broadcast_to(dinv, (BR, 8))


def _comb_kern(step, pp_ref, y_ref, dinv_in_ref, hid_in_ref, temp_ref,
               *out_refs):
    p = pp_ref[0] + pp_ref[1]
    dinv = dinv_in_ref[:, 0:1]
    hn = dinv * (p + y_ref[:])
    hid = hid_in_ref[:] + temp_ref[step] * hn
    if step < KK:
        out_refs[0][:] = hn * dinv
        out_refs[1][:] = hid
    else:
        out_refs[0][:] = hid


def _row_spec(cols):
    return pl.BlockSpec((BR, cols), lambda i: (i, 0))


_full128 = pl.BlockSpec((HID_D,), lambda i: (0,))
_dp_spec = pl.BlockSpec((NC, BR, HID_D), lambda i: (0, i, 0))
_dinv_spec = pl.BlockSpec((BR, 8), lambda i: (i, 0))
_pp_spec = pl.BlockSpec((NC, BR, HID_D), lambda i: (0, i, 0))
_temp_spec = pl.BlockSpec(memory_space=pltpu.SMEM)
_row128 = _row_spec(HID_D)

_mlp_call = pl.pallas_call(
    _mlp_kern,
    grid=(GRID,),
    in_specs=[
        _row_spec(IN_D),
        pl.BlockSpec((IN_D, HID_D), lambda i: (0, 0)),
        _full128, _full128, _full128,
        pl.BlockSpec((HID_D, OUT_D), lambda i: (0, 0)),
        _full128,
        _temp_spec,
    ],
    out_specs=[_row128, _row128],
    out_shape=[
        jax.ShapeDtypeStruct((NN, HID_D), jnp.float32),
        jax.ShapeDtypeStruct((NN, HID_D), jnp.float32),
    ],
)


_scale_call = pl.pallas_call(
    _scale_kern,
    grid=(GRID,),
    in_specs=[_row128, _dp_spec],
    out_specs=[_row128, _dinv_spec],
    out_shape=[
        jax.ShapeDtypeStruct((NN, HID_D), jnp.float32),
        jax.ShapeDtypeStruct((NN, 8), jnp.float32),
    ],
)


def _make_comb(step):
    last = step == KK
    n_out = 1 if last else 2
    return pl.pallas_call(
        functools.partial(_comb_kern, step),
        grid=(GRID,),
        in_specs=[_pp_spec, _row128, _dinv_spec, _row128, _temp_spec],
        out_specs=[_row128] * n_out,
        out_shape=[jax.ShapeDtypeStruct((NN, HID_D), jnp.float32)] * n_out,
    )


_comb1 = _make_comb(1)
_comb2 = _make_comb(2)


def kernel(x, edge_index, W1, b1, g, beta, W2, b2, temp):
    row = edge_index[0]
    col = edge_index[1]
    pad = E_PAD - EE
    pad_iota = jnp.arange(pad, dtype=jnp.int32)
    rows_p = jnp.concatenate([row, pad_iota % NN])
    cols_p = jnp.concatenate([col, pad_iota % (N_PAD - NN) + NN])
    rows_p = rows_p.reshape(NW, NB, BB)
    cols_p = cols_p.reshape(NW, NB, BB)

    deg_parts = _deg_call(cols_p)
    h, hidden = _mlp_call(x, W1, b1, g, beta, W2, b2, temp)
    y, dinv = _scale_call(h, deg_parts)
    p = _prop_call(y, rows_p, cols_p)
    y, hidden = _comb1(p, y, dinv, hidden, temp)
    p = _prop_call(y, rows_p, cols_p)
    (hidden,) = _comb2(p, y, dinv, hidden, temp)
    return hidden

# --- scband reference (transcript-rebuilt; emitter-appended) ---
"""Pipeline reference for scband-gprgnn-lr-84954453114995 (READ-ONLY COPY).

The authoritative reference and input builder live on the scoring server;
editing this copy changes nothing except your own understanding.
"""

import jax, jax.numpy as jnp
import numpy as np

N = 10000
E = 160000
IN = 256
HID = 128
OUT = 128
K = 2


def setup_inputs(seed: int = 0) -> dict:
    key = jax.random.key(seed)
    ks = jax.random.split(key, 10)
    x = jax.random.normal(ks[0], (N, IN), dtype=jnp.float32)
    edge_index = jax.random.randint(ks[1], (2, E), 0, N, dtype=jnp.int32)
    W1 = jax.random.normal(ks[2], (IN, HID), dtype=jnp.float32) * (1.0 / np.sqrt(IN))
    b1 = jnp.zeros((HID,), dtype=jnp.float32)
    g = jnp.ones((HID,), dtype=jnp.float32)
    beta = jnp.zeros((HID,), dtype=jnp.float32)
    W2 = jax.random.normal(ks[3], (HID, OUT), dtype=jnp.float32) * (1.0 / np.sqrt(HID))
    b2 = jnp.zeros((OUT,), dtype=jnp.float32)
    bound = np.sqrt(3.0 / (K + 1))
    temp = jax.random.uniform(ks[4], (K + 1,), dtype=jnp.float32, minval=-bound, maxval=bound)
    temp = temp / jnp.sum(jnp.abs(temp))
    return {"x": x, "edge_index": edge_index, "W1": W1, "b1": b1, "g": g, "beta": beta, "W2": W2, "b2": b2, "temp": temp}


def _gcn_norm(edge_index, num_nodes):
    row = edge_index[0]
    col = edge_index[1]
    loop = jnp.arange(num_nodes, dtype=row.dtype)
    row = jnp.concatenate([row, loop])
    col = jnp.concatenate([col, loop])
    ew = jnp.ones(row.shape[0], dtype=jnp.float32)
    deg = jax.ops.segment_sum(ew, col, num_segments=num_nodes)
    deg_inv_sqrt = jnp.where(deg > 0, deg ** -0.5, 0.0)
    norm = deg_inv_sqrt[row] * ew * deg_inv_sqrt[col]
    return row, col, norm


def reference(x, edge_index, W1, b1, g, beta, W2, b2, temp):
    # eval mode: dropout is identity
    h = x @ W1 + b1
    h = jax.nn.gelu(h, approximate=False)
    mu = jnp.mean(h, axis=-1, keepdims=True)
    var = jnp.mean((h - mu) ** 2, axis=-1, keepdims=True)
    h = (h - mu) / jnp.sqrt(var + 1e-5) * g + beta
    h = h @ W2 + b2
    row, col, norm = _gcn_norm(edge_index, N)
    hidden = h * temp[0]
    for k in range(K):
        msg = norm[:, None] * h[row]
        h = jax.ops.segment_sum(msg, col, num_segments=N)
        hidden = hidden + temp[k + 1] * h
    return hidden

if __name__ == "__main__":
    import jax
    _d = setup_inputs()
    print(jax.jit(kernel)(*tuple(_d.values())))

</pallas_src>

<mosaic_0001>
#map = affine_map<(d0, d1) -> (0, 0, 0)>
module attributes {stable_mosaic.version = 14 : i64} {
  func.func @_deg_body(%arg0: i32, %arg1: i32, %arg2: memref<32x40x128xi32, #tpu.memory_space<hbm>>, %arg3: memref<2x10112x128xf32, #tpu.memory_space<hbm>>, %arg4: memref<10112x128xf32, #tpu.memory_space<vmem_shared>>, %arg5: memref<128x128xf32, #tpu.memory_space<vmem>>, %arg6: memref<40x128xi32, #tpu.memory_space<vmem>>) attributes {dimension_semantics = [#tpu.dimension_semantics<core_parallel>, #tpu.dimension_semantics<subcore_parallel>], iteration_bounds = array<i64: 2, 16>, scalar_prefetch = 0 : i64, scratch_operands = 3 : i64, tpu.core_type = #tpu.core_type<sc_vector_subcore>, window_params = [{transform_indices = #map}, {transform_indices = #map}]} {
    %mul3A = arith.constant 16 : i32
    %mul3A_0 = arith.muli %arg0, %mul3A : i32
    %add3A = arith.addi %mul3A_0, %arg1 : i32
    "tpu.region"() ({
      %run_scoped3A_68 = tpu.sem_alloc : memref<!tpu.dma_semaphore, #tpu.memory_space<semaphore_mem>>
      %dma_start3A = arith.constant 0 : i32
      %dma_start3A_69 = arith.constant 0 : i32
      %dma_start3A_70 = tpu.memref_slice %arg2[%add3A, %dma_start3A, %dma_start3A_69] : memref<32x40x128xi32, #tpu.memory_space<hbm>> -> memref<1x40x128xi32, #tpu.memory_space<hbm>>
      %dma_start3A_71 = tpu.memref_squeeze %dma_start3A_70 : memref<1x40x128xi32, #tpu.memory_space<hbm>> -> memref<40x128xi32, #tpu.memory_space<hbm>>
      %dma_start3A_72 = arith.constant 0 : i32
      %dma_start3A_73 = arith.constant 0 : i32
      %dma_start3A_74 = tpu.memref_slice %arg2[%add3A, %dma_start3A_72, %dma_start3A_73] : memref<32x40x128xi32, #tpu.memory_space<hbm>> -> memref<1x40x128xi32, #tpu.memory_space<hbm>>
      %dma_start3A_75 = tpu.memref_squeeze %dma_start3A_74 : memref<1x40x128xi32, #tpu.memory_space<hbm>> -> memref<40x128xi32, #tpu.memory_space<hbm>>
      tpu.enqueue_dma source(%dma_start3A_75 : memref<40x128xi32, #tpu.memory_space<hbm>>) target(%arg6 : memref<40x128xi32, #tpu.memory_space<vmem>>) target_semaphore(%run_scoped3A_68 : memref<!tpu.dma_semaphore, #tpu.memory_space<semaphore_mem>>)
      %dma_wait3A = arith.constant 0 : i32
      %dma_wait3A_76 = arith.constant 0 : i32
      %dma_wait3A_77 = tpu.memref_slice %arg2[%add3A, %dma_wait3A, %dma_wait3A_76] : memref<32x40x128xi32, #tpu.memory_space<hbm>> -> memref<1x40x128xi32, #tpu.memory_space<hbm>>
      %dma_wait3A_78 = tpu.memref_squeeze %dma_wait3A_77 : memref<1x40x128xi32, #tpu.memory_space<hbm>> -> memref<40x128xi32, #tpu.memory_space<hbm>>
      %dma_wait3A_79 = arith.constant 0 : i32
      %dma_wait3A_80 = arith.constant 0 : i32
      %dma_wait3A_81 = tpu.memref_slice %arg2[%add3A, %dma_wait3A_79, %dma_wait3A_80] : memref<32x40x128xi32, #tpu.memory_space<hbm>> -> memref<1x40x128xi32, #tpu.memory_space<hbm>>
      %dma_wait3A_82 = tpu.memref_squeeze %dma_wait3A_81 : memref<1x40x128xi32, #tpu.memory_space<hbm>> -> memref<40x128xi32, #tpu.memory_space<hbm>>
      tpu.wait_dma2 semaphore(%run_scoped3A_68 : memref<!tpu.dma_semaphore, #tpu.memory_space<semaphore_mem>>) src(%dma_wait3A_82 : memref<40x128xi32, #tpu.memory_space<hbm>>) dst(%arg6 : memref<40x128xi32, #tpu.memory_space<vmem>>)
      tpu.yield
    }) : () -> ()
    %scan3A = arith.constant 0 : i32
    %scan3A_1 = arith.constant 0 : i32
    %scan3A_2 = arith.constant 128 : i32
    %scan3A_3 = arith.addi %scan3A_1, %scan3A_2 : i32
    %scan3A_4 = arith.constant 1 : i32
    %scan3A_5 = scf.for %scan3A_68 = %scan3A_1 to %scan3A_3 step %scan3A_4 iter_args(%scan3A_69 = %scan3A) -> (i32)  : i32 {
      %broadcast_in_dim3A = arith.constant 0.000000e+00 : f32
      %broadcast_in_dim3A_70 = vector.broadcast %broadcast_in_dim3A : f32 to vector<16xf32>
      %swap3A = arith.index_cast %scan3A_68 : i32 to index
      %swap3A_71 = arith.constant 0 : index
      %swap3A_72 = tpu.vector_load %arg5[%swap3A, %swap3A_71] {strides = array<i32>} : memref<128x128xf32, #tpu.memory_space<vmem>>, vector<1x16xf32>,
      %swap3A_73 = vector.shape_cast %swap3A_72 : vector<1x16xf32> to vector<16xf32>
      %swap3A_74 = vector.shape_cast %broadcast_in_dim3A_70 : vector<16xf32> to vector<1x16xf32>
      tpu.vector_store %arg5[%swap3A, %swap3A_71], %swap3A_74 {strides = array<i32>} : memref<128x128xf32, #tpu.memory_space<vmem>>, vector<1x16xf32>,
      %broadcast_in_dim3A_75 = arith.constant 0.000000e+00 : f32
      %broadcast_in_dim3A_76 = vector.broadcast %broadcast_in_dim3A_75 : f32 to vector<16xf32>
      %swap3A_77 = arith.index_cast %scan3A_68 : i32 to index
      %swap3A_78 = arith.constant 16 : index
      %swap3A_79 = tpu.vector_load %arg5[%swap3A_77, %swap3A_78] {strides = array<i32>} : memref<128x128xf32, #tpu.memory_space<vmem>>, vector<1x16xf32>,
      %swap3A_80 = vector.shape_cast %swap3A_79 : vector<1x16xf32> to vector<16xf32>
      %swap3A_81 = vector.shape_cast %broadcast_in_dim3A_76 : vector<16xf32> to vector<1x16xf32>
      tpu.vector_store %arg5[%swap3A_77, %swap3A_78], %swap3A_81 {strides = array<i32>} : memref<128x128xf32, #tpu.memory_space<vmem>>, vector<1x16xf32>,
      %broadcast_in_dim3A_82 = arith.constant 0.000000e+00 : f32
      %broadcast_in_dim3A_83 = vector.broadcast %broadcast_in_dim3A_82 : f32 to vector<16xf32>
      %swap3A_84 = arith.index_cast %scan3A_68 : i32 to index
      %swap3A_85 = arith.constant 32 : index
      %swap3A_86 = tpu.vector_load %arg5[%swap3A_84, %swap3A_85] {strides = array<i32>} : memref<128x128xf32, #tpu.memory_space<vmem>>, vector<1x16xf32>,
      %swap3A_87 = vector.shape_cast %swap3A_86 : vector<1x16xf32> to vector<16xf32>
      %swap3A_88 = vector.shape_cast %broadcast_in_dim3A_83 : vector<16xf32> to vector<1x16xf32>
      tpu.vector_store %arg5[%swap3A_84, %swap3A_85], %swap3A_88 {strides = array<i32>} : memref<128x128xf32, #tpu.memory_space<vmem>>, vector<1x16xf32>,
      %broadcast_in_dim3A_89 = arith.constant 0.000000e+00 : f32
      %broadcast_in_dim3A_90 = vector.broadcast %broadcast_in_dim3A_89 : f32 to vector<16xf32>
      %swap3A_91 = arith.index_cast %scan3A_68 : i32 to index
      %swap3A_92 = arith.constant 48 : index
      %swap3A_93 = tpu.vector_load %arg5[%swap3A_91, %swap3A_92] {strides = array<i32>} : memref<128x128xf32, #tpu.memory_space<vmem>>, vector<1x16xf32>,
      %swap3A_94 = vector.shape_cast %swap3A_93 : vector<1x16xf32> to vector<16xf32>
      %swap3A_95 = vector.shape_cast %broadcast_in_dim3A_90 : vector<16xf32> to vector<1x16xf32>
      tpu.vector_store %arg5[%swap3A_91, %swap3A_92], %swap3A_95 {strides = array<i32>} : memref<128x128xf32, #tpu.memory_space<vmem>>, vector<1x16xf32>,
      %broadcast_in_dim3A_96 = arith.constant 0.000000e+00 : f32
      %broadcast_in_dim3A_97 = vector.broadcast %broadcast_in_dim3A_96 : f32 to vector<16xf32>
      %swap3A_98 = arith.index_cast %scan3A_68 : i32 to index
      %swap3A_99 = arith.constant 64 : index
      %swap3A_100 = tpu.vector_load %arg5[%swap3A_98, %swap3A_99] {strides = array<i32>} : memref<128x128xf32, #tpu.memory_space<vmem>>, vector<1x16xf32>,
      %swap3A_101 = vector.shape_cast %swap3A_100 : vector<1x16xf32> to vector<16xf32>
      %swap3A_102 = vector.shape_cast %broadcast_in_dim3A_97 : vector<16xf32> to vector<1x16xf32>
      tpu.vector_store %arg5[%swap3A_98, %swap3A_99], %swap3A_102 {strides = array<i32>} : memref<128x128xf32, #tpu.memory_space<vmem>>, vector<1x16xf32>,
      %broadcast_in_dim3A_103 = arith.constant 0.000000e+00 : f32
      %broadcast_in_dim3A_104 = vector.broadcast %broadcast_in_dim3A_103 : f32 to vector<16xf32>
      %swap3A_105 = arith.index_cast %scan3A_68 : i32 to index
      %swap3A_106 = arith.constant 80 : index
      %swap3A_107 = tpu.vector_load %arg5[%swap3A_105, %swap3A_106] {strides = array<i32>} : memref<128x128xf32, #tpu.memory_space<vmem>>, vector<1x16xf32>,
      %swap3A_108 = vector.shape_cast %swap3A_107 : vector<1x16xf32> to vector<16xf32>
      %swap3A_109 = vector.shape_cast %broadcast_in_dim3A_104 : vector<16xf32> to vector<1x16xf32>
      tpu.vector_store %arg5[%swap3A_105, %swap3A_106], %swap3A_109 {strides = array<i32>} : memref<128x128xf32, #tpu.memory_space<vmem>>, vector<1x16xf32>,
      %broadcast_in_dim3A_110 = arith.constant 0.000000e+00 : f32
      %broadcast_in_dim3A_111 = vector.broadcast %broadcast_in_dim3A_110 : f32 to vector<16xf32>
      %swap3A_112 = arith.index_cast %scan3A_68 : i32 to index
      %swap3A_113 = arith.constant 96 : index
      %swap3A_114 = tpu.vector_load %arg5[%swap3A_112, %swap3A_113] {strides = array<i32>} : memref<128x128xf32, #tpu.memory_space<vmem>>, vector<1x16xf32>,
      %swap3A_115 = vector.shape_cast %swap3A_114 : vector<1x16xf32> to vector<16xf32>
      %swap3A_116 = vector.shape_cast %broadcast_in_dim3A_111 : vector<16xf32> to vector<1x16xf32>
      tpu.vector_store %arg5[%swap3A_112, %swap3A_113], %swap3A_116 {strides = array<i32>} : memref<128x128xf32, #tpu.memory_space<vmem>>, vector<1x16xf32>,
      %broadcast_in_dim3A_117 = arith.constant 0.000000e+00 : f32
      %broadcast_in_dim3A_118 = vector.broadcast %broadcast_in_dim3A_117 : f32 to vector<16xf32>
      %swap3A_119 = arith.index_cast %scan3A_68 : i32 to index
      %swap3A_120 = arith.constant 112 : index
      %swap3A_121 = tpu.vector_load %arg5[%swap3A_119, %swap3A_120] {strides = array<i32>} : memref<128x128xf32, #tpu.memory_space<vmem>>, vector<1x16xf32>,
      %swap3A_122 = vector.shape_cast %swap3A_121 : vector<1x16xf32> to vector<16xf32>
      %swap3A_123 = vector.shape_cast %broadcast_in_dim3A_118 : vector<16xf32> to vector<1x16xf32>
      tpu.vector_store %arg5[%swap3A_119, %swap3A_120], %swap3A_123 {strides = array<i32>} : memref<128x128xf32, #tpu.memory_space<vmem>>, vector<1x16xf32>,
      %scan3A_124 = arith.constant 0 : i32
      scf.yield %scan3A_124 : i32
    }
    %scan3A_6 = arith.constant 128 : i32
    %mul3A_7 = arith.constant 632 : i32
    %mul3A_8 = arith.muli %arg1, %mul3A_7 : i32
    %add3A_9 = arith.constant 0 : i32
    %add3A_10 = arith.addi %mul3A_8, %add3A_9 : i32
    "tpu.region"() ({
      %run_scoped3A_68 = tpu.sem_alloc : memref<!tpu.dma_semaphore, #tpu.memory_space<semaphore_mem>>
      %dma_start3A = arith.constant 0 : i32
      %dma_start3A_69 = arith.constant 0 : i32
      %dma_start3A_70 = tpu.memref_slice %arg5[%dma_start3A, %dma_start3A_69] : memref<128x128xf32, #tpu.memory_space<vmem>> -> memref<128x128xf32, #tpu.memory_space<vmem>>
      %dma_start3A_71 = arith.constant 0 : i32
      %dma_start3A_72 = tpu.memref_slice %arg4[%add3A_10, %dma_start3A_71] : memref<10112x128xf32, #tpu.memory_space<vmem_shared>> -> memref<128x128xf32, #tpu.memory_space<vmem_shared>>
      %dma_start3A_73 = arith.constant 0 : i32
      %dma_start3A_74 = tpu.memref_slice %arg4[%add3A_10, %dma_start3A_73] : memref<10112x128xf32, #tpu.memory_space<vmem_shared>> -> memref<128x128xf32, #tpu.memory_space<vmem_shared>>
      %dma_start3A_75 = arith.constant 0 : i32
      %dma_start3A_76 = arith.constant 0 : i32
      %dma_start3A_77 = tpu.memref_slice %arg5[%dma_start3A_75, %dma_start3A_76] : memref<128x128xf32, #tpu.memory_space<vmem>> -> memref<128x128xf32, #tpu.memory_space<vmem>>
      tpu.enqueue_dma source(%dma_start3A_77 : memref<128x128xf32, #tpu.memory_space<vmem>>) target(%dma_start3A_74 : memref<128x128xf32, #tpu.memory_space<vmem_shared>>) target_semaphore(%run_scoped3A_68 : memref<!tpu.dma_semaphore, #tpu.memory_space<semaphore_mem>>)
      %dma_wait3A = arith.constant 0 : i32
      %dma_wait3A_78 = arith.constant 0 : i32
      %dma_wait3A_79 = tpu.memref_slice %arg5[%dma_wait3A, %dma_wait3A_78] : memref<128x128xf32, #tpu.memory_space<vmem>> -> memref<128x128xf32, #tpu.memory_space<vmem>>
      %dma_wait3A_80 = arith.constant 0 : i32
      %dma_wait3A_81 = tpu.memref_slice %arg4[%add3A_10, %dma_wait3A_80] : memref<10112x128xf32, #tpu.memory_space<vmem_shared>> -> memref<128x128xf32, #tpu.memory_space<vmem_shared>>
      %dma_wait3A_82 = arith.constant 0 : i32
      %dma_wait3A_83 = tpu.memref_slice %arg4[%add3A_10, %dma_wait3A_82] : memref<10112x128xf32, #tpu.memory_space<vmem_shared>> -> memref<128x128xf32, #tpu.memory_space<vmem_shared>>
      %dma_wait3A_84 = arith.constant 0 : i32
      %dma_wait3A_85 = arith.constant 0 : i32
      %dma_wait3A_86 = tpu.memref_slice %arg5[%dma_wait3A_84, %dma_wait3A_85] : memref<128x128xf32, #tpu.memory_space<vmem>> -> memref<128x128xf32, #tpu.memory_space<vmem>>
      tpu.wait_dma2 semaphore(%run_scoped3A_68 : memref<!tpu.dma_semaphore, #tpu.memory_space<semaphore_mem>>) src(%dma_wait3A_86 : memref<128x128xf32, #tpu.memory_space<vmem>>) dst(%dma_wait3A_83 : memref<128x128xf32, #tpu.memory_space<vmem_shared>>)
      tpu.yield
    }) : () -> ()
    %add3A_11 = arith.constant 128 : i32
    %add3A_12 = arith.addi %mul3A_8, %add3A_11 : i32
    "tpu.region"() ({
      %run_scoped3A_68 = tpu.sem_alloc : memref<!tpu.dma_semaphore, #tpu.memory_space<semaphore_mem>>
      %dma_start3A = arith.constant 0 : i32
      %dma_start3A_69 = arith.constant 0 : i32
      %dma_start3A_70 = tpu.memref_slice %arg5[%dma_start3A, %dma_start3A_69] : memref<128x128xf32, #tpu.memory_space<vmem>> -> memref<128x128xf32, #tpu.memory_space<vmem>>
      %dma_start3A_71 = arith.constant 0 : i32
      %dma_start3A_72 = tpu.memref_slice %arg4[%add3A_12, %dma_start3A_71] : memref<10112x128xf32, #tpu.memory_space<vmem_shared>> -> memref<128x128xf32, #tpu.memory_space<vmem_shared>>
      %dma_start3A_73 = arith.constant 0 : i32
      %dma_start3A_74 = tpu.memref_slice %arg4[%add3A_12, %dma_start3A_73] : memref<10112x128xf32, #tpu.memory_space<vmem_shared>> -> memref<128x128xf32, #tpu.memory_space<vmem_shared>>
      %dma_start3A_75 = arith.constant 0 : i32
      %dma_start3A_76 = arith.constant 0 : i32
      %dma_start3A_77 = tpu.memref_slice %arg5[%dma_start3A_75, %dma_start3A_76] : memref<128x128xf32, #tpu.memory_space<vmem>> -> memref<128x128xf32, #tpu.memory_space<vmem>>
      tpu.enqueue_dma source(%dma_start3A_77 : memref<128x128xf32, #tpu.memory_space<vmem>>) target(%dma_start3A_74 : memref<128x128xf32, #tpu.memory_space<vmem_shared>>) target_semaphore(%run_scoped3A_68 : memref<!tpu.dma_semaphore, #tpu.memory_space<semaphore_mem>>)
      %dma_wait3A = arith.constant 0 : i32
      %dma_wait3A_78 = arith.constant 0 : i32
      %dma_wait3A_79 = tpu.memref_slice %arg5[%dma_wait3A, %dma_wait3A_78] : memref<128x128xf32, #tpu.memory_space<vmem>> -> memref<128x128xf32, #tpu.memory_space<vmem>>
      %dma_wait3A_80 = arith.constant 0 : i32
      %dma_wait3A_81 = tpu.memref_slice %arg4[%add3A_12, %dma_wait3A_80] : memref<10112x128xf32, #tpu.memory_space<vmem_shared>> -> memref<128x128xf32, #tpu.memory_space<vmem_shared>>
      %dma_wait3A_82 = arith.constant 0 : i32
      %dma_wait3A_83 = tpu.memref_slice %arg4[%add3A_12, %dma_wait3A_82] : memref<10112x128xf32, #tpu.memory_space<vmem_shared>> -> memref<128x128xf32, #tpu.memory_space<vmem_shared>>
      %dma_wait3A_84 = arith.constant 0 : i32
      %dma_wait3A_85 = arith.constant 0 : i32
      %dma_wait3A_86 = tpu.memref_slice %arg5[%dma_wait3A_84, %dma_wait3A_85] : memref<128x128xf32, #tpu.memory_space<vmem>> -> memref<128x128xf32, #tpu.memory_space<vmem>>
      tpu.wait_dma2 semaphore(%run_scoped3A_68 : memref<!tpu.dma_semaphore, #tpu.memory_space<semaphore_mem>>) src(%dma_wait3A_86 : memref<128x128xf32, #tpu.memory_space<vmem>>) dst(%dma_wait3A_83 : memref<128x128xf32, #tpu.memory_space<vmem_shared>>)
      tpu.yield
    }) : () -> ()
    %add3A_13 = arith.constant 256 : i32
    %add3A_14 = arith.addi %mul3A_8, %add3A_13 : i32
    "tpu.region"() ({
      %run_scoped3A_68 = tpu.sem_alloc : memref<!tpu.dma_semaphore, #tpu.memory_space<semaphore_mem>>
      %dma_start3A = arith.constant 0 : i32
      %dma_start3A_69 = arith.constant 0 : i32
      %dma_start3A_70 = tpu.memref_slice %arg5[%dma_start3A, %dma_start3A_69] : memref<128x128xf32, #tpu.memory_space<vmem>> -> memref<128x128xf32, #tpu.memory_space<vmem>>
      %dma_start3A_71 = arith.constant 0 : i32
      %dma_start3A_72 = tpu.memref_slice %arg4[%add3A_14, %dma_start3A_71] : memref<10112x128xf32, #tpu.memory_space<vmem_shared>> -> memref<128x128xf32, #tpu.memory_space<vmem_shared>>
      %dma_start3A_73 = arith.constant 0 : i32
      %dma_start3A_74 = tpu.memref_slice %arg4[%add3A_14, %dma_start3A_73] : memref<10112x128xf32, #tpu.memory_space<vmem_shared>> -> memref<128x128xf32, #tpu.memory_space<vmem_shared>>
      %dma_start3A_75 = arith.constant 0 : i32
      %dma_start3A_76 = arith.constant 0 : i32
      %dma_start3A_77 = tpu.memref_slice %arg5[%dma_start3A_75, %dma_start3A_76] : memref<128x128xf32, #tpu.memory_space<vmem>> -> memref<128x128xf32, #tpu.memory_space<vmem>>
      tpu.enqueue_dma source(%dma_start3A_77 : memref<128x128xf32, #tpu.memory_space<vmem>>) target(%dma_start3A_74 : memref<128x128xf32, #tpu.memory_space<vmem_shared>>) target_semaphore(%run_scoped3A_68 : memref<!tpu.dma_semaphore, #tpu.memory_space<semaphore_mem>>)
      %dma_wait3A = arith.constant 0 : i32
      %dma_wait3A_78 = arith.constant 0 : i32
      %dma_wait3A_79 = tpu.memref_slice %arg5[%dma_wait3A, %dma_wait3A_78] : memref<128x128xf32, #tpu.memory_space<vmem>> -> memref<128x128xf32, #tpu.memory_space<vmem>>
      %dma_wait3A_80 = arith.constant 0 : i32
      %dma_wait3A_81 = tpu.memref_slice %arg4[%add3A_14, %dma_wait3A_80] : memref<10112x128xf32, #tpu.memory_space<vmem_shared>> -> memref<128x128xf32, #tpu.memory_space<vmem_shared>>
      %dma_wait3A_82 = arith.constant 0 : i32
      %dma_wait3A_83 = tpu.memref_slice %arg4[%add3A_14, %dma_wait3A_82] : memref<10112x128xf32, #tpu.memory_space<vmem_shared>> -> memref<128x128xf32, #tpu.memory_space<vmem_shared>>
      %dma_wait3A_84 = arith.constant 0 : i32
      %dma_wait3A_85 = arith.constant 0 : i32
      %dma_wait3A_86 = tpu.memref_slice %arg5[%dma_wait3A_84, %dma_wait3A_85] : memref<128x128xf32, #tpu.memory_space<vmem>> -> memref<128x128xf32, #tpu.memory_space<vmem>>
      tpu.wait_dma2 semaphore(%run_scoped3A_68 : memref<!tpu.dma_semaphore, #tpu.memory_space<semaphore_mem>>) src(%dma_wait3A_86 : memref<128x128xf32, #tpu.memory_space<vmem>>) dst(%dma_wait3A_83 : memref<128x128xf32, #tpu.memory_space<vmem_shared>>)
      tpu.yield
    }) : () -> ()
    %add3A_15 = arith.constant 384 : i32
    %add3A_16 = arith.addi %mul3A_8, %add3A_15 : i32
    "tpu.region"() ({
      %run_scoped3A_68 = tpu.sem_alloc : memref<!tpu.dma_semaphore, #tpu.memory_space<semaphore_mem>>
      %dma_start3A = arith.constant 0 : i32
      %dma_start3A_69 = arith.constant 0 : i32
      %dma_start3A_70 = tpu.memref_slice %arg5[%dma_start3A, %dma_start3A_69] : memref<128x128xf32, #tpu.memory_space<vmem>> -> memref<128x128xf32, #tpu.memory_space<vmem>>
      %dma_start3A_71 = arith.constant 0 : i32
      %dma_start3A_72 = tpu.memref_slice %arg4[%add3A_16, %dma_start3A_71] : memref<10112x128xf32, #tpu.memory_space<vmem_shared>> -> memref<128x128xf32, #tpu.memory_space<vmem_shared>>
      %dma_start3A_73 = arith.constant 0 : i32
      %dma_start3A_74 = tpu.memref_slice %arg4[%add3A_16, %dma_start3A_73] : memref<10112x128xf32, #tpu.memory_space<vmem_shared>> -> memref<128x128xf32, #tpu.memory_space<vmem_shared>>
      %dma_start3A_75 = arith.constant 0 : i32
      %dma_start3A_76 = arith.constant 0 : i32
      %dma_start3A_77 = tpu.memref_slice %arg5[%dma_start3A_75, %dma_start3A_76] : memref<128x128xf32, #tpu.memory_space<vmem>> -> memref<128x128xf32, #tpu.memory_space<vmem>>
      tpu.enqueue_dma source(%dma_start3A_77 : memref<128x128xf32, #tpu.memory_space<vmem>>) target(%dma_start3A_74 : memref<128x128xf32, #tpu.memory_space<vmem_shared>>) target_semaphore(%run_scoped3A_68 : memref<!tpu.dma_semaphore, #tpu.memory_space<semaphore_mem>>)
      %dma_wait3A = arith.constant 0 : i32
      %dma_wait3A_78 = arith.constant 0 : i32
      %dma_wait3A_79 = tpu.memref_slice %arg5[%dma_wait3A, %dma_wait3A_78] : memref<128x128xf32, #tpu.memory_space<vmem>> -> memref<128x128xf32, #tpu.memory_space<vmem>>
      %dma_wait3A_80 = arith.constant 0 : i32
      %dma_wait3A_81 = tpu.memref_slice %arg4[%add3A_16, %dma_wait3A_80] : memref<10112x128xf32, #tpu.memory_space<vmem_shared>> -> memref<128x128xf32, #tpu.memory_space<vmem_shared>>
      %dma_wait3A_82 = arith.constant 0 : i32
      %dma_wait3A_83 = tpu.memref_slice %arg4[%add3A_16, %dma_wait3A_82] : memref<10112x128xf32, #tpu.memory_space<vmem_shared>> -> memref<128x128xf32, #tpu.memory_space<vmem_shared>>
      %dma_wait3A_84 = arith.constant 0 : i32
      %dma_wait3A_85 = arith.constant 0 : i32
      %dma_wait3A_86 = tpu.memref_slice %arg5[%dma_wait3A_84, %dma_wait3A_85] : memref<128x128xf32, #tpu.memory_space<vmem>> -> memref<128x128xf32, #tpu.memory_space<vmem>>
      tpu.wait_dma2 semaphore(%run_scoped3A_68 : memref<!tpu.dma_semaphore, #tpu.memory_space<semaphore_mem>>) src(%dma_wait3A_86 : memref<128x128xf32, #tpu.memory_space<vmem>>) dst(%dma_wait3A_83 : memref<128x128xf32, #tpu.memory_space<vmem_shared>>)
      tpu.yield
    }) : () -> ()
    %add3A_17 = arith.constant 512 : i32
    %add3A_18 = arith.addi %mul3A_8, %add3A_17 : i32
    "tpu.region"() ({
      %run_scoped3A_68 = tpu.sem_alloc : memref<!tpu.dma_semaphore, #tpu.memory_space<semaphore_mem>>
      %dma_start3A = arith.constant 0 : i32
      %dma_start3A_69 = arith.constant 0 : i32
      %dma_start3A_70 = tpu.memref_slice %arg5[%dma_start3A, %dma_start3A_69] : memref<128x128xf32, #tpu.memory_space<vmem>> -> memref<120x128xf32, #tpu.memory_space<vmem>>
      %dma_start3A_71 = arith.constant 0 : i32
      %dma_start3A_72 = tpu.memref_slice %arg4[%add3A_18, %dma_start3A_71] : memref<10112x128xf32, #tpu.memory_space<vmem_shared>> -> memref<120x128xf32, #tpu.memory_space<vmem_shared>>
      %dma_start3A_73 = arith.constant 0 : i32
      %dma_start3A_74 = tpu.memref_slice %arg4[%add3A_18, %dma_start3A_73] : memref<10112x128xf32, #tpu.memory_space<vmem_shared>> -> memref<120x128xf32, #tpu.memory_space<vmem_shared>>
      %dma_start3A_75 = arith.constant 0 : i32
      %dma_start3A_76 = arith.constant 0 : i32
      %dma_start3A_77 = tpu.memref_slice %arg5[%dma_start3A_75, %dma_start3A_76] : memref<128x128xf32, #tpu.memory_space<vmem>> -> memref<120x128xf32, #tpu.memory_space<vmem>>
      tpu.enqueue_dma source(%dma_start3A_77 : memref<120x128xf32, #tpu.memory_space<vmem>>) target(%dma_start3A_74 : memref<120x128xf32, #tpu.memory_space<vmem_shared>>) target_semaphore(%run_scoped3A_68 : memref<!tpu.dma_semaphore, #tpu.memory_space<semaphore_mem>>)
      %dma_wait3A = arith.constant 0 : i32
      %dma_wait3A_78 = arith.constant 0 : i32
      %dma_wait3A_79 = tpu.memref_slice %arg5[%dma_wait3A, %dma_wait3A_78] : memref<128x128xf32, #tpu.memory_space<vmem>> -> memref<120x128xf32, #tpu.memory_space<vmem>>
      %dma_wait3A_80 = arith.constant 0 : i32
      %dma_wait3A_81 = tpu.memref_slice %arg4[%add3A_18, %dma_wait3A_80] : memref<10112x128xf32, #tpu.memory_space<vmem_shared>> -> memref<120x128xf32, #tpu.memory_space<vmem_shared>>
      %dma_wait3A_82 = arith.constant 0 : i32
      %dma_wait3A_83 = tpu.memref_slice %arg4[%add3A_18, %dma_wait3A_82] : memref<10112x128xf32, #tpu.memory_space<vmem_shared>> -> memref<120x128xf32, #tpu.memory_space<vmem_shared>>
      %dma_wait3A_84 = arith.constant 0 : i32
      %dma_wait3A_85 = arith.constant 0 : i32
      %dma_wait3A_86 = tpu.memref_slice %arg5[%dma_wait3A_84, %dma_wait3A_85] : memref<128x128xf32, #tpu.memory_space<vmem>> -> memref<120x128xf32, #tpu.memory_space<vmem>>
      tpu.wait_dma2 semaphore(%run_scoped3A_68 : memref<!tpu.dma_semaphore, #tpu.memory_space<semaphore_mem>>) src(%dma_wait3A_86 : memref<120x128xf32, #tpu.memory_space<vmem>>) dst(%dma_wait3A_83 : memref<120x128xf32, #tpu.memory_space<vmem_shared>>)
      tpu.yield
    }) : () -> ()
    %scan3A_19 = arith.constant 0 : i32
    %scan3A_20 = arith.constant 0 : i32
    %scan3A_21 = arith.constant 128 : i32
    %scan3A_22 = arith.addi %scan3A_20, %scan3A_21 : i32
    %scan3A_23 = arith.constant 1 : i32
    %scan3A_24 = scf.for %scan3A_68 = %scan3A_20 to %scan3A_22 step %scan3A_23 iter_args(%scan3A_69 = %scan3A_19) -> (i32)  : i32 {
      %broadcast_in_dim3A = arith.constant 1.000000e+00 : f32
      %broadcast_in_dim3A_70 = vector.broadcast %broadcast_in_dim3A : f32 to vector<16xf32>
      %swap3A = arith.index_cast %scan3A_68 : i32 to index
      %swap3A_71 = arith.constant 0 : index
      %swap3A_72 = tpu.vector_load %arg5[%swap3A, %swap3A_71] {strides = array<i32>} : memref<128x128xf32, #tpu.memory_space<vmem>>, vector<1x16xf32>,
      %swap3A_73 = vector.shape_cast %swap3A_72 : vector<1x16xf32> to vector<16xf32>
      %swap3A_74 = vector.shape_cast %broadcast_in_dim3A_70 : vector<16xf32> to vector<1x16xf32>
      tpu.vector_store %arg5[%swap3A, %swap3A_71], %swap3A_74 {strides = array<i32>} : memref<128x128xf32, #tpu.memory_space<vmem>>, vector<1x16xf32>,
      %scan3A_75 = arith.constant 0 : i32
      scf.yield %scan3A_75 : i32
    }
    %scan3A_25 = arith.constant 128 : i32
    %barrier3A = arith.constant 0 : index
    tpu.barrier barrier_id(%barrier3A)
    %run_scoped3A = arith.constant 0 : i32
    "tpu.region"() ({
      %run_scoped3A_68 = tpu.sem_alloc : memref<!tpu.dma_semaphore, #tpu.memory_space<semaphore_mem>>
      %dma_start3A = arith.constant 0 : i32
      %dma_start3A_69 = tpu.memref_slice %arg6[%run_scoped3A, %dma_start3A] : memref<40x128xi32, #tpu.memory_space<vmem>> -> memref<1x128xi32, #tpu.memory_space<vmem>>
      %dma_start3A_70 = tpu.memref_squeeze %dma_start3A_69 : memref<1x128xi32, #tpu.memory_space<vmem>> -> memref<128xi32, #tpu.memory_space<vmem>>
      %dma_start3A_71 = arith.constant 0 : i32
      %dma_start3A_72 = arith.constant 0 : i32
      %dma_start3A_73 = tpu.memref_slice %arg4[%dma_start3A_71, %dma_start3A_72] : memref<10112x128xf32, #tpu.memory_space<vmem_shared>> -> memref<10112x128xf32, #tpu.memory_space<vmem_shared>>
      tpu.enqueue_indirect_dma source(%arg5 : memref<128x128xf32, #tpu.memory_space<vmem>>) target(%dma_start3A_73 : memref<10112x128xf32, #tpu.memory_space<vmem_shared>>) offsets(%dma_start3A_70 : memref<128xi32, #tpu.memory_space<vmem>>) semaphore(%run_scoped3A_68 : memref<!tpu.dma_semaphore, #tpu.memory_space<semaphore_mem>>) {add = true}
      %dma_wait3A = arith.constant 0 : i32
      %dma_wait3A_74 = tpu.memref_slice %arg6[%run_scoped3A, %dma_wait3A] : memref<40x128xi32, #tpu.memory_space<vmem>> -> memref<1x128xi32, #tpu.memory_space<vmem>>
      %dma_wait3A_75 = tpu.memref_squeeze %dma_wait3A_74 : memref<1x128xi32, #tpu.memory_space<vmem>> -> memref<128xi32, #tpu.memory_space<vmem>>
      %dma_wait3A_76 = arith.constant 0 : i32
      %dma_wait3A_77 = arith.constant 0 : i32
      %dma_wait3A_78 = tpu.memref_slice %arg4[%dma_wait3A_76, %dma_wait3A_77] : memref<10112x128xf32, #tpu.memory_space<vmem_shared>> -> memref<10112x128xf32, #tpu.memory_space<vmem_shared>>
      tpu.wait_indirect_dma semaphore(%run_scoped3A_68 : memref<!tpu.dma_semaphore, #tpu.memory_space<semaphore_mem>>) src(%arg5 : memref<128x128xf32, #tpu.memory_space<vmem>>) dst(%dma_wait3A_78 : memref<10112x128xf32, #tpu.memory_space<vmem_shared>>)
      tpu.yield
    }) : () -> ()
    %run_scoped3A_26 = arith.constant 1 : i32
    "tpu.region"() ({
      %run_scoped3A_68 = tpu.sem_alloc : memref<!tpu.dma_semaphore, #tpu.memory_space<semaphore_mem>>
      %dma_start3A = arith.constant 0 : i32
      %dma_start3A_69 = tpu.memref_slice %arg6[%run_scoped3A_26, %dma_start3A] : memref<40x128xi32, #tpu.memory_space<vmem>> -> memref<1x128xi32, #tpu.memory_space<vmem>>
      %dma_start3A_70 = tpu.memref_squeeze %dma_start3A_69 : memref<1x128xi32, #tpu.memory_space<vmem>> -> memref<128xi32, #tpu.memory_space<vmem>>
      %dma_start3A_71 = arith.constant 0 : i32
      %dma_start3A_72 = arith.constant 0 : i32
      %dma_start3A_73 = tpu.memref_slice %arg4[%dma_start3A_71, %dma_start3A_72] : memref<10112x128xf32, #tpu.memory_space<vmem_shared>> -> memref<10112x128xf32, #tpu.memory_space<vmem_shared>>
      tpu.enqueue_indirect_dma source(%arg5 : memref<128x128xf32, #tpu.memory_space<vmem>>) target(%dma_start3A_73 : memref<10112x128xf32, #tpu.memory_space<vmem_shared>>) offsets(%dma_start3A_70 : memref<128xi32, #tpu.memory_space<vmem>>) semaphore(%run_scoped3A_68 : memref<!tpu.dma_semaphore, #tpu.memory_space<semaphore_mem>>) {add = true}
      %dma_wait3A = arith.constant 0 : i32
      %dma_wait3A_74 = tpu.memref_slice %arg6[%run_scoped3A_26, %dma_wait3A] : memref<40x128xi32, #tpu.memory_space<vmem>> -> memref<1x128xi32, #tpu.memory_space<vmem>>
      %dma_wait3A_75 = tpu.memref_squeeze %dma_wait3A_74 : memref<1x128xi32, #tpu.memory_space<vmem>> -> memref<128xi32, #tpu.memory_space<vmem>>
      %dma_wait3A_76 = arith.constant 0 : i32
      %dma_wait3A_77 = arith.constant 0 : i32
      %dma_wait3A_78 = tpu.memref_slice %arg4[%dma_wait3A_76, %dma_wait3A_77] : memref<10112x128xf32, #tpu.memory_space<vmem_shared>> -> memref<10112x128xf32, #tpu.memory_space<vmem_shared>>
      tpu.wait_indirect_dma semaphore(%run_scoped3A_68 : memref<!tpu.dma_semaphore, #tpu.memory_space<semaphore_mem>>) src(%arg5 : memref<128x128xf32, #tpu.memory_space<vmem>>) dst(%dma_wait3A_78 : memref<10112x128xf32, #tpu.memory_space<vmem_shared>>)
      tpu.yield
    }) : () -> ()
    %run_scoped3A_27 = arith.constant 2 : i32
    "tpu.region"() ({
      %run_scoped3A_68 = tpu.sem_alloc : memref<!tpu.dma_semaphore, #tpu.memory_space<semaphore_mem>>
      %dma_start3A = arith.constant 0 : i32
      %dma_start3A_69 = tpu.memref_slice %arg6[%run_scoped3A_27, %dma_start3A] : memref<40x128xi32, #tpu.memory_space<vmem>> -> memref<1x128xi32, #tpu.memory_space<vmem>>
      %dma_start3A_70 = tpu.memref_squeeze %dma_start3A_69 : memref<1x128xi32, #tpu.memory_space<vmem>> -> memref<128xi32, #tpu.memory_space<vmem>>
      %dma_start3A_71 = arith.constant 0 : i32
      %dma_start3A_72 = arith.constant 0 : i32
      %dma_start3A_73 = tpu.memref_slice %arg4[%dma_start3A_71, %dma_start3A_72] : memref<10112x128xf32, #tpu.memory_space<vmem_shared>> -> memref<10112x128xf32, #tpu.memory_space<vmem_shared>>
      tpu.enqueue_indirect_dma source(%arg5 : memref<128x128xf32, #tpu.memory_space<vmem>>) target(%dma_start3A_73 : memref<10112x128xf32, #tpu.memory_space<vmem_shared>>) offsets(%dma_start3A_70 : memref<128xi32, #tpu.memory_space<vmem>>) semaphore(%run_scoped3A_68 : memref<!tpu.dma_semaphore, #tpu.memory_space<semaphore_mem>>) {add = true}
      %dma_wait3A = arith.constant 0 : i32
      %dma_wait3A_74 = tpu.memref_slice %arg6[%run_scoped3A_27, %dma_wait3A] : memref<40x128xi32, #tpu.memory_space<vmem>> -> memref<1x128xi32, #tpu.memory_space<vmem>>
      %dma_wait3A_75 = tpu.memref_squeeze %dma_wait3A_74 : memref<1x128xi32, #tpu.memory_space<vmem>> -> memref<128xi32, #tpu.memory_space<vmem>>
      %dma_wait3A_76 = arith.constant 0 : i32
      %dma_wait3A_77 = arith.constant 0 : i32
      %dma_wait3A_78 = tpu.memref_slice %arg4[%dma_wait3A_76, %dma_wait3A_77] : memref<10112x128xf32, #tpu.memory_space<vmem_shared>> -> memref<10112x128xf32, #tpu.memory_space<vmem_shared>>
      tpu.wait_indirect_dma semaphore(%run_scoped3A_68 : memref<!tpu.dma_semaphore, #tpu.memory_space<semaphore_mem>>) src(%arg5 : memref<128x128xf32, #tpu.memory_space<vmem>>) dst(%dma_wait3A_78 : memref<10112x128xf32, #tpu.memory_space<vmem_shared>>)
      tpu.yield
    }) : () -> ()
    %run_scoped3A_28 = arith.constant 3 : i32
    "tpu.region"() ({
      %run_scoped3A_68 = tpu.sem_alloc : memref<!tpu.dma_semaphore, #tpu.memory_space<semaphore_mem>>
      %dma_start3A = arith.constant 0 : i32
      %dma_start3A_69 = tpu.memref_slice %arg6[%run_scoped3A_28, %dma_start3A] : memref<40x128xi32, #tpu.memory_space<vmem>> -> memref<1x128xi32, #tpu.memory_space<vmem>>
      %dma_start3A_70 = tpu.memref_squeeze %dma_start3A_69 : memref<1x128xi32, #tpu.memory_space<vmem>> -> memref<128xi32, #tpu.memory_space<vmem>>
      %dma_start3A_71 = arith.constant 0 : i32
      %dma_start3A_72 = arith.constant 0 : i32
      %dma_start3A_73 = tpu.memref_slice %arg4[%dma_start3A_71, %dma_start3A_72] : memref<10112x128xf32, #tpu.memory_space<vmem_shared>> -> memref<10112x128xf32, #tpu.memory_space<vmem_shared>>
      tpu.enqueue_indirect_dma source(%arg5 : memref<128x128xf32, #tpu.memory_space<vmem>>) target(%dma_start3A_73 : memref<10112x128xf32, #tpu.memory_space<vmem_shared>>) offsets(%dma_start3A_70 : memref<128xi32, #tpu.memory_space<vmem>>) semaphore(%run_scoped3A_68 : memref<!tpu.dma_semaphore, #tpu.memory_space<semaphore_mem>>) {add = true}
      %dma_wait3A = arith.constant 0 : i32
      %dma_wait3A_74 = tpu.memref_slice %arg6[%run_scoped3A_28, %dma_wait3A] : memref<40x128xi32, #tpu.memory_space<vmem>> -> memref<1x128xi32, #tpu.memory_space<vmem>>
      %dma_wait3A_75 = tpu.memref_squeeze %dma_wait3A_74 : memref<1x128xi32, #tpu.memory_space<vmem>> -> memref<128xi32, #tpu.memory_space<vmem>>
      %dma_wait3A_76 = arith.constant 0 : i32
      %dma_wait3A_77 = arith.constant 0 : i32
      %dma_wait3A_78 = tpu.memref_slice %arg4[%dma_wait3A_76, %dma_wait3A_77] : memref<10112x128xf32, #tpu.memory_space<vmem_shared>> -> memref<10112x128xf32, #tpu.memory_space<vmem_shared>>
      tpu.wait_indirect_dma semaphore(%run_scoped3A_68 : memref<!tpu.dma_semaphore, #tpu.memory_space<semaphore_mem>>) src(%arg5 : memref<128x128xf32, #tpu.memory_space<vmem>>) dst(%dma_wait3A_78 : memref<10112x128xf32, #tpu.memory_space<vmem_shared>>)
      tpu.yield
    }) : () -> ()
    %run_scoped3A_29 = arith.constant 4 : i32
    "tpu.region"() ({
      %run_scoped3A_68 = tpu.sem_alloc : memref<!tpu.dma_semaphore, #tpu.memory_space<semaphore_mem>>
      %dma_start3A = arith.constant 0 : i32
      %dma_start3A_69 = tpu.memref_slice %arg6[%run_scoped3A_29, %dma_start3A] : memref<40x128xi32, #tpu.memory_space<vmem>> -> memref<1x128xi32, #tpu.memory_space<vmem>>
      %dma_start3A_70 = tpu.memref_squeeze %dma_start3A_69 : memref<1x128xi32, #tpu.memory_space<vmem>> -> memref<128xi32, #tpu.memory_space<vmem>>
      %dma_start3A_71 = arith.constant 0 : i32
      %dma_start3A_72 = arith.constant 0 : i32
      %dma_start3A_73 = tpu.memref_slice %arg4[%dma_start3A_71, %dma_start3A_72] : memref<10112x128xf32, #tpu.memory_space<vmem_shared>> -> memref<10112x128xf32, #tpu.memory_space<vmem_shared>>
      tpu.enqueue_indirect_dma source(%arg5 : memref<128x128xf32, #tpu.memory_space<vmem>>) target(%dma_start3A_73 : memref<10112x128xf32, #tpu.memory_space<vmem_shared>>) offsets(%dma_start3A_70 : memref<128xi32, #tpu.memory_space<vmem>>) semaphore(%run_scoped3A_68 : memref<!tpu.dma_semaphore, #tpu.memory_space<semaphore_mem>>) {add = true}
      %dma_wait3A = arith.constant 0 : i32
      %dma_wait3A_74 = tpu.memref_slice %arg6[%run_scoped3A_29, %dma_wait3A] : memref<40x128xi32, #tpu.memory_space<vmem>> -> memref<1x128xi32, #tpu.memory_space<vmem>>
      %dma_wait3A_75 = tpu.memref_squeeze %dma_wait3A_74 : memref<1x128xi32, #tpu.memory_space<vmem>> -> memref<128xi32, #tpu.memory_space<vmem>>
      %dma_wait3A_76 = arith.constant 0 : i32
      %dma_wait3A_77 = arith.constant 0 : i32
      %dma_wait3A_78 = tpu.memref_slice %arg4[%dma_wait3A_76, %dma_wait3A_77] : memref<10112x128xf32, #tpu.memory_space<vmem_shared>> -> memref<10112x128xf32, #tpu.memory_space<vmem_shared>>
      tpu.wait_indirect_dma semaphore(%run_scoped3A_68 : memref<!tpu.dma_semaphore, #tpu.memory_space<semaphore_mem>>) src(%arg5 : memref<128x128xf32, #tpu.memory_space<vmem>>) dst(%dma_wait3A_78 : memref<10112x128xf32, #tpu.memory_space<vmem_shared>>)
      tpu.yield
    }) : () -> ()
    %run_scoped3A_30 = arith.constant 5 : i32
    "tpu.region"() ({
      %run_scoped3A_68 = tpu.sem_alloc : memref<!tpu.dma_semaphore, #tpu.memory_space<semaphore_mem>>
      %dma_start3A = arith.constant 0 : i32
      %dma_start3A_69 = tpu.memref_slice %arg6[%run_scoped3A_30, %dma_start3A] : memref<40x128xi32, #tpu.memory_space<vmem>> -> memref<1x128xi32, #tpu.memory_space<vmem>>
      %dma_start3A_70 = tpu.memref_squeeze %dma_start3A_69 : memref<1x128xi32, #tpu.memory_space<vmem>> -> memref<128xi32, #tpu.memory_space<vmem>>
      %dma_start3A_71 = arith.constant 0 : i32
      %dma_start3A_72 = arith.constant 0 : i32
      %dma_start3A_73 = tpu.memref_slice %arg4[%dma_start3A_71, %dma_start3A_72] : memref<10112x128xf32, #tpu.memory_space<vmem_shared>> -> memref<10112x128xf32, #tpu.memory_space<vmem_shared>>
      tpu.enqueue_indirect_dma source(%arg5 : memref<128x128xf32, #tpu.memory_space<vmem>>) target(%dma_start3A_73 : memref<10112x128xf32, #tpu.memory_space<vmem_shared>>) offsets(%dma_start3A_70 : memref<128xi32, #tpu.memory_space<vmem>>) semaphore(%run_scoped3A_68 : memref<!tpu.dma_semaphore, #tpu.memory_space<semaphore_mem>>) {add = true}
      %dma_wait3A = arith.constant 0 : i32
      %dma_wait3A_74 = tpu.memref_slice %arg6[%run_scoped3A_30, %dma_wait3A] : memref<40x128xi32, #tpu.memory_space<vmem>> -> memref<1x128xi32, #tpu.memory_space<vmem>>
      %dma_wait3A_75 = tpu.memref_squeeze %dma_wait3A_74 : memref<1x128xi32, #tpu.memory_space<vmem>> -> memref<128xi32, #tpu.memory_space<vmem>>
      %dma_wait3A_76 = arith.constant 0 : i32
      %dma_wait3A_77 = arith.constant 0 : i32
      %dma_wait3A_78 = tpu.memref_slice %arg4[%dma_wait3A_76, %dma_wait3A_77] : memref<10112x128xf32, #tpu.memory_space<vmem_shared>> -> memref<10112x128xf32, #tpu.memory_space<vmem_shared>>
      tpu.wait_indirect_dma semaphore(%run_scoped3A_68 : memref<!tpu.dma_semaphore, #tpu.memory_space<semaphore_mem>>) src(%arg5 : memref<128x128xf32, #tpu.memory_space<vmem>>) dst(%dma_wait3A_78 : memref<10112x128xf32, #tpu.memory_space<vmem_shared>>)
      tpu.yield
    }) : () -> ()
    %run_scoped3A_31 = arith.constant 6 : i32
    "tpu.region"() ({
      %run_scoped3A_68 = tpu.sem_alloc : memref<!tpu.dma_semaphore, #tpu.memory_space<semaphore_mem>>
      %dma_start3A = arith.constant 0 : i32
      %dma_start3A_69 = tpu.memref_slice %arg6[%run_scoped3A_31, %dma_start3A] : memref<40x128xi32, #tpu.memory_space<vmem>> -> memref<1x128xi32, #tpu.memory_space<vmem>>
      %dma_start3A_70 = tpu.memref_squeeze %dma_start3A_69 : memref<1x128xi32, #tpu.memory_space<vmem>> -> memref<128xi32, #tpu.memory_space<vmem>>
      %dma_start3A_71 = arith.constant 0 : i32
      %dma_start3A_72 = arith.constant 0 : i32
      %dma_start3A_73 = tpu.memref_slice %arg4[%dma_start3A_71, %dma_start3A_72] : memref<10112x128xf32, #tpu.memory_space<vmem_shared>> -> memref<10112x128xf32, #tpu.memory_space<vmem_shared>>
      tpu.enqueue_indirect_dma source(%arg5 : memref<128x128xf32, #tpu.memory_space<vmem>>) target(%dma_start3A_73 : memref<10112x128xf32, #tpu.memory_space<vmem_shared>>) offsets(%dma_start3A_70 : memref<128xi32, #tpu.memory_space<vmem>>) semaphore(%run_scoped3A_68 : memref<!tpu.dma_semaphore, #tpu.memory_space<semaphore_mem>>) {add = true}
      %dma_wait3A = arith.constant 0 : i32
      %dma_wait3A_74 = tpu.memref_slice %arg6[%run_scoped3A_31, %dma_wait3A] : memref<40x128xi32, #tpu.memory_space<vmem>> -> memref<1x128xi32, #tpu.memory_space<vmem>>
      %dma_wait3A_75 = tpu.memref_squeeze %dma_wait3A_74 : memref<1x128xi32, #tpu.memory_space<vmem>> -> memref<128xi32, #tpu.memory_space<vmem>>
      %dma_wait3A_76 = arith.constant 0 : i32
      %dma_wait3A_77 = arith.constant 0 : i32
      %dma_wait3A_78 = tpu.memref_slice %arg4[%dma_wait3A_76, %dma_wait3A_77] : memref<10112x128xf32, #tpu.memory_space<vmem_shared>> -> memref<10112x128xf32, #tpu.memory_space<vmem_shared>>
      tpu.wait_indirect_dma semaphore(%run_scoped3A_68 : memref<!tpu.dma_semaphore, #tpu.memory_space<semaphore_mem>>) src(%arg5 : memref<128x128xf32, #tpu.memory_space<vmem>>) dst(%dma_wait3A_78 : memref<10112x128xf32, #tpu.memory_space<vmem_shared>>)
      tpu.yield
    }) : () -> ()
    %run_scoped3A_32 = arith.constant 7 : i32
    "tpu.region"() ({
      %run_scoped3A_68 = tpu.sem_alloc : memref<!tpu.dma_semaphore, #tpu.memory_space<semaphore_mem>>
      %dma_start3A = arith.constant 0 : i32
      %dma_start3A_69 = tpu.memref_slice %arg6[%run_scoped3A_32, %dma_start3A] : memref<40x128xi32, #tpu.memory_space<vmem>> -> memref<1x128xi32, #tpu.memory_space<vmem>>
      %dma_start3A_70 = tpu.memref_squeeze %dma_start3A_69 : memref<1x128xi32, #tpu.memory_space<vmem>> -> memref<128xi32, #tpu.memory_space<vmem>>
      %dma_start3A_71 = arith.constant 0 : i32
      %dma_start3A_72 = arith.constant 0 : i32
      %dma_start3A_73 = tpu.memref_slice %arg4[%dma_start3A_71, %dma_start3A_72] : memref<10112x128xf32, #tpu.memory_space<vmem_shared>> -> memref<10112x128xf32, #tpu.memory_space<vmem_shared>>
      tpu.enqueue_indirect_dma source(%arg5 : memref<128x128xf32, #tpu.memory_space<vmem>>) target(%dma_start3A_73 : memref<10112x128xf32, #tpu.memory_space<vmem_shared>>) offsets(%dma_start3A_70 : memref<128xi32, #tpu.memory_space<vmem>>) semaphore(%run_scoped3A_68 : memref<!tpu.dma_semaphore, #tpu.memory_space<semaphore_mem>>) {add = true}
      %dma_wait3A = arith.constant 0 : i32
      %dma_wait3A_74 = tpu.memref_slice %arg6[%run_scoped3A_32, %dma_wait3A] : memref<40x128xi32, #tpu.memory_space<vmem>> -> memref<1x128xi32, #tpu.memory_space<vmem>>
      %dma_wait3A_75 = tpu.memref_squeeze %dma_wait3A_74 : memref<1x128xi32, #tpu.memory_space<vmem>> -> memref<128xi32, #tpu.memory_space<vmem>>
      %dma_wait3A_76 = arith.constant 0 : i32
      %dma_wait3A_77 = arith.constant 0 : i32
      %dma_wait3A_78 = tpu.memref_slice %arg4[%dma_wait3A_76, %dma_wait3A_77] : memref<10112x128xf32, #tpu.memory_space<vmem_shared>> -> memref<10112x128xf32, #tpu.memory_space<vmem_shared>>
      tpu.wait_indirect_dma semaphore(%run_scoped3A_68 : memref<!tpu.dma_semaphore, #tpu.memory_space<semaphore_mem>>) src(%arg5 : memref<128x128xf32, #tpu.memory_space<vmem>>) dst(%dma_wait3A_78 : memref<10112x128xf32, #tpu.memory_space<vmem_shared>>)
      tpu.yield
    }) : () -> ()
    %run_scoped3A_33 = arith.constant 8 : i32
    "tpu.region"() ({
      %run_scoped3A_68 = tpu.sem_alloc : memref<!tpu.dma_semaphore, #tpu.memory_space<semaphore_mem>>
      %dma_start3A = arith.constant 0 : i32
      %dma_start3A_69 = tpu.memref_slice %arg6[%run_scoped3A_33, %dma_start3A] : memref<40x128xi32, #tpu.memory_space<vmem>> -> memref<1x128xi32, #tpu.memory_space<vmem>>
      %dma_start3A_70 = tpu.memref_squeeze %dma_start3A_69 : memref<1x128xi32, #tpu.memory_space<vmem>> -> memref<128xi32, #tpu.memory_space<vmem>>
      %dma_start3A_71 = arith.constant 0 : i32
      %dma_start3A_72 = arith.constant 0 : i32
      %dma_start3A_73 = tpu.memref_slice %arg4[%dma_start3A_71, %dma_start3A_72] : memref<10112x128xf32, #tpu.memory_space<vmem_shared>> -> memref<10112x128xf32, #tpu.memory_space<vmem_shared>>
      tpu.enqueue_indirect_dma source(%arg5 : memref<128x128xf32, #tpu.memory_space<vmem>>) target(%dma_start3A_73 : memref<10112x128xf32, #tpu.memory_space<vmem_shared>>) offsets(%dma_start3A_70 : memref<128xi32, #tpu.memory_space<vmem>>) semaphore(%run_scoped3A_68 : memref<!tpu.dma_semaphore, #tpu.memory_space<semaphore_mem>>) {add = true}
      %dma_wait3A = arith.constant 0 : i32
      %dma_wait3A_74 = tpu.memref_slice %arg6[%run_scoped3A_33, %dma_wait3A] : memref<40x128xi32, #tpu.memory_space<vmem>> -> memref<1x128xi32, #tpu.memory_space<vmem>>
      %dma_wait3A_75 = tpu.memref_squeeze %dma_wait3A_74 : memref<1x128xi32, #tpu.memory_space<vmem>> -> memref<128xi32, #tpu.memory_space<vmem>>
      %dma_wait3A_76 = arith.constant 0 : i32
      %dma_wait3A_77 = arith.constant 0 : i32
      %dma_wait3A_78 = tpu.memref_slice %arg4[%dma_wait3A_76, %dma_wait3A_77] : memref<10112x128xf32, #tpu.memory_space<vmem_shared>> -> memref<10112x128xf32, #tpu.memory_space<vmem_shared>>
      tpu.wait_indirect_dma semaphore(%run_scoped3A_68 : memref<!tpu.dma_semaphore, #tpu.memory_space<semaphore_mem>>) src(%arg5 : memref<128x128xf32, #tpu.memory_space<vmem>>) dst(%dma_wait3A_78 : memref<10112x128xf32, #tpu.memory_space<vmem_shared>>)
      tpu.yield
    }) : () -> ()
    %run_scoped3A_34 = arith.constant 9 : i32
    "tpu.region"() ({
      %run_scoped3A_68 = tpu.sem_alloc : memref<!tpu.dma_semaphore, #tpu.memory_space<semaphore_mem>>
      %dma_start3A = arith.constant 0 : i32
      %dma_start3A_69 = tpu.memref_slice %arg6[%run_scoped3A_34, %dma_start3A] : memref<40x128xi32, #tpu.memory_space<vmem>> -> memref<1x128xi32, #tpu.memory_space<vmem>>
      %dma_start3A_70 = tpu.memref_squeeze %dma_start3A_69 : memref<1x128xi32, #tpu.memory_space<vmem>> -> memref<128xi32, #tpu.memory_space<vmem>>
      %dma_start3A_71 = arith.constant 0 : i32
      %dma_start3A_72 = arith.constant 0 : i32
      %dma_start3A_73 = tpu.memref_slice %arg4[%dma_start3A_71, %dma_start3A_72] : memref<10112x128xf32, #tpu.memory_space<vmem_shared>> -> memref<10112x128xf32, #tpu.memory_space<vmem_shared>>
      tpu.enqueue_indirect_dma source(%arg5 : memref<128x128xf32, #tpu.memory_space<vmem>>) target(%dma_start3A_73 : memref<10112x128xf32, #tpu.memory_space<vmem_shared>>) offsets(%dma_start3A_70 : memref<128xi32, #tpu.memory_space<vmem>>) semaphore(%run_scoped3A_68 : memref<!tpu.dma_semaphore, #tpu.memory_space<semaphore_mem>>) {add = true}
      %dma_wait3A = arith.constant 0 : i32
      %dma_wait3A_74 = tpu.memref_slice %arg6[%run_scoped3A_34, %dma_wait3A] : memref<40x128xi32, #tpu.memory_space<vmem>> -> memref<1x128xi32, #tpu.memory_space<vmem>>
      %dma_wait3A_75 = tpu.memref_squeeze %dma_wait3A_74 : memref<1x128xi32, #tpu.memory_space<vmem>> -> memref<128xi32, #tpu.memory_space<vmem>>
      %dma_wait3A_76 = arith.constant 0 : i32
      %dma_wait3A_77 = arith.constant 0 : i32
      %dma_wait3A_78 = tpu.memref_slice %arg4[%dma_wait3A_76, %dma_wait3A_77] : memref<10112x128xf32, #tpu.memory_space<vmem_shared>> -> memref<10112x128xf32, #tpu.memory_space<vmem_shared>>
      tpu.wait_indirect_dma semaphore(%run_scoped3A_68 : memref<!tpu.dma_semaphore, #tpu.memory_space<semaphore_mem>>) src(%arg5 : memref<128x128xf32, #tpu.memory_space<vmem>>) dst(%dma_wait3A_78 : memref<10112x128xf32, #tpu.memory_space<vmem_shared>>)
      tpu.yield
    }) : () -> ()
    %run_scoped3A_35 = arith.constant 10 : i32
    "tpu.region"() ({
      %run_scoped3A_68 = tpu.sem_alloc : memref<!tpu.dma_semaphore, #tpu.memory_space<semaphore_mem>>
      %dma_start3A = arith.constant 0 : i32
      %dma_start3A_69 = tpu.memref_slice %arg6[%run_scoped3A_35, %dma_start3A] : memref<40x128xi32, #tpu.memory_space<vmem>> -> memref<1x128xi32, #tpu.memory_space<vmem>>
      %dma_start3A_70 = tpu.memref_squeeze %dma_start3A_69 : memref<1x128xi32, #tpu.memory_space<vmem>> -> memref<128xi32, #tpu.memory_space<vmem>>
      %dma_start3A_71 = arith.constant 0 : i32
      %dma_start3A_72 = arith.constant 0 : i32
      %dma_start3A_73 = tpu.memref_slice %arg4[%dma_start3A_71, %dma_start3A_72] : memref<10112x128xf32, #tpu.memory_space<vmem_shared>> -> memref<10112x128xf32, #tpu.memory_space<vmem_shared>>
      tpu.enqueue_indirect_dma source(%arg5 : memref<128x128xf32, #tpu.memory_space<vmem>>) target(%dma_start3A_73 : memref<10112x128xf32, #tpu.memory_space<vmem_shared>>) offsets(%dma_start3A_70 : memref<128xi32, #tpu.memory_space<vmem>>) semaphore(%run_scoped3A_68 : memref<!tpu.dma_semaphore, #tpu.memory_space<semaphore_mem>>) {add = true}
      %dma_wait3A = arith.constant 0 : i32
      %dma_wait3A_74 = tpu.memref_slice %arg6[%run_scoped3A_35, %dma_wait3A] : memref<40x128xi32, #tpu.memory_space<vmem>> -> memref<1x128xi32, #tpu.memory_space<vmem>>
      %dma_wait3A_75 = tpu.memref_squeeze %dma_wait3A_74 : memref<1x128xi32, #tpu.memory_space<vmem>> -> memref<128xi32, #tpu.memory_space<vmem>>
      %dma_wait3A_76 = arith.constant 0 : i32
      %dma_wait3A_77 = arith.constant 0 : i32
      %dma_wait3A_78 = tpu.memref_slice %arg4[%dma_wait3A_76, %dma_wait3A_77] : memref<10112x128xf32, #tpu.memory_space<vmem_shared>> -> memref<10112x128xf32, #tpu.memory_space<vmem_shared>>
      tpu.wait_indirect_dma semaphore(%run_scoped3A_68 : memref<!tpu.dma_semaphore, #tpu.memory_space<semaphore_mem>>) src(%arg5 : memref<128x128xf32, #tpu.memory_space<vmem>>) dst(%dma_wait3A_78 : memref<10112x128xf32, #tpu.memory_space<vmem_shared>>)
      tpu.yield
    }) : () -> ()
    %run_scoped3A_36 = arith.constant 11 : i32
    "tpu.region"() ({
      %run_scoped3A_68 = tpu.sem_alloc : memref<!tpu.dma_semaphore, #tpu.memory_space<semaphore_mem>>
      %dma_start3A = arith.constant 0 : i32
      %dma_start3A_69 = tpu.memref_slice %arg6[%run_scoped3A_36, %dma_start3A] : memref<40x128xi32, #tpu.memory_space<vmem>> -> memref<1x128xi32, #tpu.memory_space<vmem>>
      %dma_start3A_70 = tpu.memref_squeeze %dma_start3A_69 : memref<1x128xi32, #tpu.memory_space<vmem>> -> memref<128xi32, #tpu.memory_space<vmem>>
      %dma_start3A_71 = arith.constant 0 : i32
      %dma_start3A_72 = arith.constant 0 : i32
      %dma_start3A_73 = tpu.memref_slice %arg4[%dma_start3A_71, %dma_start3A_72] : memref<10112x128xf32, #tpu.memory_space<vmem_shared>> -> memref<10112x128xf32, #tpu.memory_space<vmem_shared>>
      tpu.enqueue_indirect_dma source(%arg5 : memref<128x128xf32, #tpu.memory_space<vmem>>) target(%dma_start3A_73 : memref<10112x128xf32, #tpu.memory_space<vmem_shared>>) offsets(%dma_start3A_70 : memref<128xi32, #tpu.memory_space<vmem>>) semaphore(%run_scoped3A_68 : memref<!tpu.dma_semaphore, #tpu.memory_space<semaphore_mem>>) {add = true}
      %dma_wait3A = arith.constant 0 : i32
      %dma_wait3A_74 = tpu.memref_slice %arg6[%run_scoped3A_36, %dma_wait3A] : memref<40x128xi32, #tpu.memory_space<vmem>> -> memref<1x128xi32, #tpu.memory_space<vmem>>
      %dma_wait3A_75 = tpu.memref_squeeze %dma_wait3A_74 : memref<1x128xi32, #tpu.memory_space<vmem>> -> memref<128xi32, #tpu.memory_space<vmem>>
      %dma_wait3A_76 = arith.constant 0 : i32
      %dma_wait3A_77 = arith.constant 0 : i32
      %dma_wait3A_78 = tpu.memref_slice %arg4[%dma_wait3A_76, %dma_wait3A_77] : memref<10112x128xf32, #tpu.memory_space<vmem_shared>> -> memref<10112x128xf32, #tpu.memory_space<vmem_shared>>
      tpu.wait_indirect_dma semaphore(%run_scoped3A_68 : memref<!tpu.dma_semaphore, #tpu.memory_space<semaphore_mem>>) src(%arg5 : memref<128x128xf32, #tpu.memory_space<vmem>>) dst(%dma_wait3A_78 : memref<10112x128xf32, #tpu.memory_space<vmem_shared>>)
      tpu.yield
    }) : () -> ()
    %run_scoped3A_37 = arith.constant 12 : i32
    "tpu.region"() ({
      %run_scoped3A_68 = tpu.sem_alloc : memref<!tpu.dma_semaphore, #tpu.memory_space<semaphore_mem>>
      %dma_start3A = arith.constant 0 : i32
      %dma_start3A_69 = tpu.memref_slice %arg6[%run_scoped3A_37, %dma_start3A] : memref<40x128xi32, #tpu.memory_space<vmem>> -> memref<1x128xi32, #tpu.memory_space<vmem>>
      %dma_start3A_70 = tpu.memref_squeeze %dma_start3A_69 : memref<1x128xi32, #tpu.memory_space<vmem>> -> memref<128xi32, #tpu.memory_space<vmem>>
      %dma_start3A_71 = arith.constant 0 : i32
      %dma_start3A_72 = arith.constant 0 : i32
      %dma_start3A_73 = tpu.memref_slice %arg4[%dma_start3A_71, %dma_start3A_72] : memref<10112x128xf32, #tpu.memory_space<vmem_shared>> -> memref<10112x128xf32, #tpu.memory_space<vmem_shared>>
      tpu.enqueue_indirect_dma source(%arg5 : memref<128x128xf32, #tpu.memory_space<vmem>>) target(%dma_start3A_73 : memref<10112x128xf32, #tpu.memory_space<vmem_shared>>) offsets(%dma_start3A_70 : memref<128xi32, #tpu.memory_space<vmem>>) semaphore(%run_scoped3A_68 : memref<!tpu.dma_semaphore, #tpu.memory_space<semaphore_mem>>) {add = true}
      %dma_wait3A = arith.constant 0 : i32
      %dma_wait3A_74 = tpu.memref_slice %arg6[%run_scoped3A_37, %dma_wait3A] : memref<40x128xi32, #tpu.memory_space<vmem>> -> memref<1x128xi32, #tpu.memory_space<vmem>>
      %dma_wait3A_75 = tpu.memref_squeeze %dma_wait3A_74 : memref<1x128xi32, #tpu.memory_space<vmem>> -> memref<128xi32, #tpu.memory_space<vmem>>
      %dma_wait3A_76 = arith.constant 0 : i32
      %dma_wait3A_77 = arith.constant 0 : i32
      %dma_wait3A_78 = tpu.memref_slice %arg4[%dma_wait3A_76, %dma_wait3A_77] : memref<10112x128xf32, #tpu.memory_space<vmem_shared>> -> memref<10112x128xf32, #tpu.memory_space<vmem_shared>>
      tpu.wait_indirect_dma semaphore(%run_scoped3A_68 : memref<!tpu.dma_semaphore, #tpu.memory_space<semaphore_mem>>) src(%arg5 : memref<128x128xf32, #tpu.memory_space<vmem>>) dst(%dma_wait3A_78 : memref<10112x128xf32, #tpu.memory_space<vmem_shared>>)
      tpu.yield
    }) : () -> ()
    %run_scoped3A_38 = arith.constant 13 : i32
    "tpu.region"() ({
      %run_scoped3A_68 = tpu.sem_alloc : memref<!tpu.dma_semaphore, #tpu.memory_space<semaphore_mem>>
      %dma_start3A = arith.constant 0 : i32
      %dma_start3A_69 = tpu.memref_slice %arg6[%run_scoped3A_38, %dma_start3A] : memref<40x128xi32, #tpu.memory_space<vmem>> -> memref<1x128xi32, #tpu.memory_space<vmem>>
      %dma_start3A_70 = tpu.memref_squeeze %dma_start3A_69 : memref<1x128xi32, #tpu.memory_space<vmem>> -> memref<128xi32, #tpu.memory_space<vmem>>
      %dma_start3A_71 = arith.constant 0 : i32
      %dma_start3A_72 = arith.constant 0 : i32
      %dma_start3A_73 = tpu.memref_slice %arg4[%dma_start3A_71, %dma_start3A_72] : memref<10112x128xf32, #tpu.memory_space<vmem_shared>> -> memref<10112x128xf32, #tpu.memory_space<vmem_shared>>
      tpu.enqueue_indirect_dma source(%arg5 : memref<128x128xf32, #tpu.memory_space<vmem>>) target(%dma_start3A_73 : memref<10112x128xf32, #tpu.memory_space<vmem_shared>>) offsets(%dma_start3A_70 : memref<128xi32, #tpu.memory_space<vmem>>) semaphore(%run_scoped3A_68 : memref<!tpu.dma_semaphore, #tpu.memory_space<semaphore_mem>>) {add = true}
      %dma_wait3A = arith.constant 0 : i32
      %dma_wait3A_74 = tpu.memref_slice %arg6[%run_scoped3A_38, %dma_wait3A] : memref<40x128xi32, #tpu.memory_space<vmem>> -> memref<1x128xi32, #tpu.memory_space<vmem>>
      %dma_wait3A_75 = tpu.memref_squeeze %dma_wait3A_74 : memref<1x128xi32, #tpu.memory_space<vmem>> -> memref<128xi32, #tpu.memory_space<vmem>>
      %dma_wait3A_76 = arith.constant 0 : i32
      %dma_wait3A_77 = arith.constant 0 : i32
      %dma_wait3A_78 = tpu.memref_slice %arg4[%dma_wait3A_76, %dma_wait3A_77] : memref<10112x128xf32, #tpu.memory_space<vmem_shared>> -> memref<10112x128xf32, #tpu.memory_space<vmem_shared>>
      tpu.wait_indirect_dma semaphore(%run_scoped3A_68 : memref<!tpu.dma_semaphore, #tpu.memory_space<semaphore_mem>>) src(%arg5 : memref<128x128xf32, #tpu.memory_space<vmem>>) dst(%dma_wait3A_78 : memref<10112x128xf32, #tpu.memory_space<vmem_shared>>)
      tpu.yield
    }) : () -> ()
    %run_scoped3A_39 = arith.constant 14 : i32
    "tpu.region"() ({
      %run_scoped3A_68 = tpu.sem_alloc : memref<!tpu.dma_semaphore, #tpu.memory_space<semaphore_mem>>
      %dma_start3A = arith.constant 0 : i32
      %dma_start3A_69 = tpu.memref_slice %arg6[%run_scoped3A_39, %dma_start3A] : memref<40x128xi32, #tpu.memory_space<vmem>> -> memref<1x128xi32, #tpu.memory_space<vmem>>
      %dma_start3A_70 = tpu.memref_squeeze %dma_start3A_69 : memref<1x128xi32, #tpu.memory_space<vmem>> -> memref<128xi32, #tpu.memory_space<vmem>>
      %dma_start3A_71 = arith.constant 0 : i32
      %dma_start3A_72 = arith.constant 0 : i32
      %dma_start3A_73 = tpu.memref_slice %arg4[%dma_start3A_71, %dma_start3A_72] : memref<10112x128xf32, #tpu.memory_space<vmem_shared>> -> memref<10112x128xf32, #tpu.memory_space<vmem_shared>>
      tpu.enqueue_indirect_dma source(%arg5 : memref<128x128xf32, #tpu.memory_space<vmem>>) target(%dma_start3A_73 : memref<10112x128xf32, #tpu.memory_space<vmem_shared>>) offsets(%dma_start3A_70 : memref<128xi32, #tpu.memory_space<vmem>>) semaphore(%run_scoped3A_68 : memref<!tpu.dma_semaphore, #tpu.memory_space<semaphore_mem>>) {add = true}
      %dma_wait3A = arith.constant 0 : i32
      %dma_wait3A_74 = tpu.memref_slice %arg6[%run_scoped3A_39, %dma_wait3A] : memref<40x128xi32, #tpu.memory_space<vmem>> -> memref<1x128xi32, #tpu.memory_space<vmem>>
      %dma_wait3A_75 = tpu.memref_squeeze %dma_wait3A_74 : memref<1x128xi32, #tpu.memory_space<vmem>> -> memref<128xi32, #tpu.memory_space<vmem>>
      %dma_wait3A_76 = arith.constant 0 : i32
      %dma_wait3A_77 = arith.constant 0 : i32
      %dma_wait3A_78 = tpu.memref_slice %arg4[%dma_wait3A_76, %dma_wait3A_77] : memref<10112x128xf32, #tpu.memory_space<vmem_shared>> -> memref<10112x128xf32, #tpu.memory_space<vmem_shared>>
      tpu.wait_indirect_dma semaphore(%run_scoped3A_68 : memref<!tpu.dma_semaphore, #tpu.memory_space<semaphore_mem>>) src(%arg5 : memref<128x128xf32, #tpu.memory_space<vmem>>) dst(%dma_wait3A_78 : memref<10112x128xf32, #tpu.memory_space<vmem_shared>>)
      tpu.yield
    }) : () -> ()
    %run_scoped3A_40 = arith.constant 15 : i32
    "tpu.region"() ({
      %run_scoped3A_68 = tpu.sem_alloc : memref<!tpu.dma_semaphore, #tpu.memory_space<semaphore_mem>>
      %dma_start3A = arith.constant 0 : i32
      %dma_start3A_69 = tpu.memref_slice %arg6[%run_scoped3A_40, %dma_start3A] : memref<40x128xi32, #tpu.memory_space<vmem>> -> memref<1x128xi32, #tpu.memory_space<vmem>>
      %dma_start3A_70 = tpu.memref_squeeze %dma_start3A_69 : memref<1x128xi32, #tpu.memory_space<vmem>> -> memref<128xi32, #tpu.memory_space<vmem>>
      %dma_start3A_71 = arith.constant 0 : i32
      %dma_start3A_72 = arith.constant 0 : i32
      %dma_start3A_73 = tpu.memref_slice %arg4[%dma_start3A_71, %dma_start3A_72] : memref<10112x128xf32, #tpu.memory_space<vmem_shared>> -> memref<10112x128xf32, #tpu.memory_space<vmem_shared>>
      tpu.enqueue_indirect_dma source(%arg5 : memref<128x128xf32, #tpu.memory_space<vmem>>) target(%dma_start3A_73 : memref<10112x128xf32, #tpu.memory_space<vmem_shared>>) offsets(%dma_start3A_70 : memref<128xi32, #tpu.memory_space<vmem>>) semaphore(%run_scoped3A_68 : memref<!tpu.dma_semaphore, #tpu.memory_space<semaphore_mem>>) {add = true}
      %dma_wait3A = arith.constant 0 : i32
      %dma_wait3A_74 = tpu.memref_slice %arg6[%run_scoped3A_40, %dma_wait3A] : memref<40x128xi32, #tpu.memory_space<vmem>> -> memref<1x128xi32, #tpu.memory_space<vmem>>
      %dma_wait3A_75 = tpu.memref_squeeze %dma_wait3A_74 : memref<1x128xi32, #tpu.memory_space<vmem>> -> memref<128xi32, #tpu.memory_space<vmem>>
      %dma_wait3A_76 = arith.constant 0 : i32
      %dma_wait3A_77 = arith.constant 0 : i32
      %dma_wait3A_78 = tpu.memref_slice %arg4[%dma_wait3A_76, %dma_wait3A_77] : memref<10112x128xf32, #tpu.memory_space<vmem_shared>> -> memref<10112x128xf32, #tpu.memory_space<vmem_shared>>
      tpu.wait_indirect_dma semaphore(%run_scoped3A_68 : memref<!tpu.dma_semaphore, #tpu.memory_space<semaphore_mem>>) src(%arg5 : memref<128x128xf32, #tpu.memory_space<vmem>>) dst(%dma_wait3A_78 : memref<10112x128xf32, #tpu.memory_space<vmem_shared>>)
      tpu.yield
    }) : () -> ()
    %run_scoped3A_41 = arith.constant 16 : i32
    "tpu.region"() ({
      %run_scoped3A_68 = tpu.sem_alloc : memref<!tpu.dma_semaphore, #tpu.memory_space<semaphore_mem>>
      %dma_start3A = arith.constant 0 : i32
      %dma_start3A_69 = tpu.memref_slice %arg6[%run_scoped3A_41, %dma_start3A] : memref<40x128xi32, #tpu.memory_space<vmem>> -> memref<1x128xi32, #tpu.memory_space<vmem>>
      %dma_start3A_70 = tpu.memref_squeeze %dma_start3A_69 : memref<1x128xi32, #tpu.memory_space<vmem>> -> memref<128xi32, #tpu.memory_space<vmem>>
      %dma_start3A_71 = arith.constant 0 : i32
      %dma_start3A_72 = arith.constant 0 : i32
      %dma_start3A_73 = tpu.memref_slice %arg4[%dma_start3A_71, %dma_start3A_72] : memref<10112x128xf32, #tpu.memory_space<vmem_shared>> -> memref<10112x128xf32, #tpu.memory_space<vmem_shared>>
      tpu.enqueue_indirect_dma source(%arg5 : memref<128x128xf32, #tpu.memory_space<vmem>>) target(%dma_start3A_73 : memref<10112x128xf32, #tpu.memory_space<vmem_shared>>) offsets(%dma_start3A_70 : memref<128xi32, #tpu.memory_space<vmem>>) semaphore(%run_scoped3A_68 : memref<!tpu.dma_semaphore, #tpu.memory_space<semaphore_mem>>) {add = true}
      %dma_wait3A = arith.constant 0 : i32
      %dma_wait3A_74 = tpu.memref_slice %arg6[%run_scoped3A_41, %dma_wait3A] : memref<40x128xi32, #tpu.memory_space<vmem>> -> memref<1x128xi32, #tpu.memory_space<vmem>>
      %dma_wait3A_75 = tpu.memref_squeeze %dma_wait3A_74 : memref<1x128xi32, #tpu.memory_space<vmem>> -> memref<128xi32, #tpu.memory_space<vmem>>
      %dma_wait3A_76 = arith.constant 0 : i32
      %dma_wait3A_77 = arith.constant 0 : i32
      %dma_wait3A_78 = tpu.memref_slice %arg4[%dma_wait3A_76, %dma_wait3A_77] : memref<10112x128xf32, #tpu.memory_space<vmem_shared>> -> memref<10112x128xf32, #tpu.memory_space<vmem_shared>>
      tpu.wait_indirect_dma semaphore(%run_scoped3A_68 : memref<!tpu.dma_semaphore, #tpu.memory_space<semaphore_mem>>) src(%arg5 : memref<128x128xf32, #tpu.memory_space<vmem>>) dst(%dma_wait3A_78 : memref<10112x128xf32, #tpu.memory_space<vmem_shared>>)
      tpu.yield
    }) : () -> ()
    %run_scoped3A_42 = arith.constant 17 : i32
    "tpu.region"() ({
      %run_scoped3A_68 = tpu.sem_alloc : memref<!tpu.dma_semaphore, #tpu.memory_space<semaphore_mem>>
      %dma_start3A = arith.constant 0 : i32
      %dma_start3A_69 = tpu.memref_slice %arg6[%run_scoped3A_42, %dma_start3A] : memref<40x128xi32, #tpu.memory_space<vmem>> -> memref<1x128xi32, #tpu.memory_space<vmem>>
      %dma_start3A_70 = tpu.memref_squeeze %dma_start3A_69 : memref<1x128xi32, #tpu.memory_space<vmem>> -> memref<128xi32, #tpu.memory_space<vmem>>
      %dma_start3A_71 = arith.constant 0 : i32
      %dma_start3A_72 = arith.constant 0 : i32
      %dma_start3A_73 = tpu.memref_slice %arg4[%dma_start3A_71, %dma_start3A_72] : memref<10112x128xf32, #tpu.memory_space<vmem_shared>> -> memref<10112x128xf32, #tpu.memory_space<vmem_shared>>
      tpu.enqueue_indirect_dma source(%arg5 : memref<128x128xf32, #tpu.memory_space<vmem>>) target(%dma_start3A_73 : memref<10112x128xf32, #tpu.memory_space<vmem_shared>>) offsets(%dma_start3A_70 : memref<128xi32, #tpu.memory_space<vmem>>) semaphore(%run_scoped3A_68 : memref<!tpu.dma_semaphore, #tpu.memory_space<semaphore_mem>>) {add = true}
      %dma_wait3A = arith.constant 0 : i32
      %dma_wait3A_74 = tpu.memref_slice %arg6[%run_scoped3A_42, %dma_wait3A] : memref<40x128xi32, #tpu.memory_space<vmem>> -> memref<1x128xi32, #tpu.memory_space<vmem>>
      %dma_wait3A_75 = tpu.memref_squeeze %dma_wait3A_74 : memref<1x128xi32, #tpu.memory_space<vmem>> -> memref<128xi32, #tpu.memory_space<vmem>>
      %dma_wait3A_76 = arith.constant 0 : i32
      %dma_wait3A_77 = arith.constant 0 : i32
      %dma_wait3A_78 = tpu.memref_slice %arg4[%dma_wait3A_76, %dma_wait3A_77] : memref<10112x128xf32, #tpu.memory_space<vmem_shared>> -> memref<10112x128xf32, #tpu.memory_space<vmem_shared>>
      tpu.wait_indirect_dma semaphore(%run_scoped3A_68 : memref<!tpu.dma_semaphore, #tpu.memory_space<semaphore_mem>>) src(%arg5 : memref<128x128xf32, #tpu.memory_space<vmem>>) dst(%dma_wait3A_78 : memref<10112x128xf32, #tpu.memory_space<vmem_shared>>)
      tpu.yield
    }) : () -> ()
    %run_scoped3A_43 = arith.constant 18 : i32
    "tpu.region"() ({
      %run_scoped3A_68 = tpu.sem_alloc : memref<!tpu.dma_semaphore, #tpu.memory_space<semaphore_mem>>
      %dma_start3A = arith.constant 0 : i32
      %dma_start3A_69 = tpu.memref_slice %arg6[%run_scoped3A_43, %dma_start3A] : memref<40x128xi32, #tpu.memory_space<vmem>> -> memref<1x128xi32, #tpu.memory_space<vmem>>
      %dma_start3A_70 = tpu.memref_squeeze %dma_start3A_69 : memref<1x128xi32, #tpu.memory_space<vmem>> -> memref<128xi32, #tpu.memory_space<vmem>>
      %dma_start3A_71 = arith.constant 0 : i32
      %dma_start3A_72 = arith.constant 0 : i32
      %dma_start3A_73 = tpu.memref_slice %arg4[%dma_start3A_71, %dma_start3A_72] : memref<10112x128xf32, #tpu.memory_space<vmem_shared>> -> memref<10112x128xf32, #tpu.memory_space<vmem_shared>>
      tpu.enqueue_indirect_dma source(%arg5 : memref<128x128xf32, #tpu.memory_space<vmem>>) target(%dma_start3A_73 : memref<10112x128xf32, #tpu.memory_space<vmem_shared>>) offsets(%dma_start3A_70 : memref<128xi32, #tpu.memory_space<vmem>>) semaphore(%run_scoped3A_68 : memref<!tpu.dma_semaphore, #tpu.memory_space<semaphore_mem>>) {add = true}
      %dma_wait3A = arith.constant 0 : i32
      %dma_wait3A_74 = tpu.memref_slice %arg6[%run_scoped3A_43, %dma_wait3A] : memref<40x128xi32, #tpu.memory_space<vmem>> -> memref<1x128xi32, #tpu.memory_space<vmem>>
      %dma_wait3A_75 = tpu.memref_squeeze %dma_wait3A_74 : memref<1x128xi32, #tpu.memory_space<vmem>> -> memref<128xi32, #tpu.memory_space<vmem>>
      %dma_wait3A_76 = arith.constant 0 : i32
      %dma_wait3A_77 = arith.constant 0 : i32
      %dma_wait3A_78 = tpu.memref_slice %arg4[%dma_wait3A_76, %dma_wait3A_77] : memref<10112x128xf32, #tpu.memory_space<vmem_shared>> -> memref<10112x128xf32, #tpu.memory_space<vmem_shared>>
      tpu.wait_indirect_dma semaphore(%run_scoped3A_68 : memref<!tpu.dma_semaphore, #tpu.memory_space<semaphore_mem>>) src(%arg5 : memref<128x128xf32, #tpu.memory_space<vmem>>) dst(%dma_wait3A_78 : memref<10112x128xf32, #tpu.memory_space<vmem_shared>>)
      tpu.yield
    }) : () -> ()
    %run_scoped3A_44 = arith.constant 19 : i32
    "tpu.region"() ({
      %run_scoped3A_68 = tpu.sem_alloc : memref<!tpu.dma_semaphore, #tpu.memory_space<semaphore_mem>>
      %dma_start3A = arith.constant 0 : i32
      %dma_start3A_69 = tpu.memref_slice %arg6[%run_scoped3A_44, %dma_start3A] : memref<40x128xi32, #tpu.memory_space<vmem>> -> memref<1x128xi32, #tpu.memory_space<vmem>>
      %dma_start3A_70 = tpu.memref_squeeze %dma_start3A_69 : memref<1x128xi32, #tpu.memory_space<vmem>> -> memref<128xi32, #tpu.memory_space<vmem>>
      %dma_start3A_71 = arith.constant 0 : i32
      %dma_start3A_72 = arith.constant 0 : i32
      %dma_start3A_73 = tpu.memref_slice %arg4[%dma_start3A_71, %dma_start3A_72] : memref<10112x128xf32, #tpu.memory_space<vmem_shared>> -> memref<10112x128xf32, #tpu.memory_space<vmem_shared>>
      tpu.enqueue_indirect_dma source(%arg5 : memref<128x128xf32, #tpu.memory_space<vmem>>) target(%dma_start3A_73 : memref<10112x128xf32, #tpu.memory_space<vmem_shared>>) offsets(%dma_start3A_70 : memref<128xi32, #tpu.memory_space<vmem>>) semaphore(%run_scoped3A_68 : memref<!tpu.dma_semaphore, #tpu.memory_space<semaphore_mem>>) {add = true}
      %dma_wait3A = arith.constant 0 : i32
      %dma_wait3A_74 = tpu.memref_slice %arg6[%run_scoped3A_44, %dma_wait3A] : memref<40x128xi32, #tpu.memory_space<vmem>> -> memref<1x128xi32, #tpu.memory_space<vmem>>
      %dma_wait3A_75 = tpu.memref_squeeze %dma_wait3A_74 : memref<1x128xi32, #tpu.memory_space<vmem>> -> memref<128xi32, #tpu.memory_space<vmem>>
      %dma_wait3A_76 = arith.constant 0 : i32
      %dma_wait3A_77 = arith.constant 0 : i32
      %dma_wait3A_78 = tpu.memref_slice %arg4[%dma_wait3A_76, %dma_wait3A_77] : memref<10112x128xf32, #tpu.memory_space<vmem_shared>> -> memref<10112x128xf32, #tpu.memory_space<vmem_shared>>
      tpu.wait_indirect_dma semaphore(%run_scoped3A_68 : memref<!tpu.dma_semaphore, #tpu.memory_space<semaphore_mem>>) src(%arg5 : memref<128x128xf32, #tpu.memory_space<vmem>>) dst(%dma_wait3A_78 : memref<10112x128xf32, #tpu.memory_space<vmem_shared>>)
      tpu.yield
    }) : () -> ()
    %run_scoped3A_45 = arith.constant 20 : i32
    "tpu.region"() ({
      %run_scoped3A_68 = tpu.sem_alloc : memref<!tpu.dma_semaphore, #tpu.memory_space<semaphore_mem>>
      %dma_start3A = arith.constant 0 : i32
      %dma_start3A_69 = tpu.memref_slice %arg6[%run_scoped3A_45, %dma_start3A] : memref<40x128xi32, #tpu.memory_space<vmem>> -> memref<1x128xi32, #tpu.memory_space<vmem>>
      %dma_start3A_70 = tpu.memref_squeeze %dma_start3A_69 : memref<1x128xi32, #tpu.memory_space<vmem>> -> memref<128xi32, #tpu.memory_space<vmem>>
      %dma_start3A_71 = arith.constant 0 : i32
      %dma_start3A_72 = arith.constant 0 : i32
      %dma_start3A_73 = tpu.memref_slice %arg4[%dma_start3A_71, %dma_start3A_72] : memref<10112x128xf32, #tpu.memory_space<vmem_shared>> -> memref<10112x128xf32, #tpu.memory_space<vmem_shared>>
      tpu.enqueue_indirect_dma source(%arg5 : memref<128x128xf32, #tpu.memory_space<vmem>>) target(%dma_start3A_73 : memref<10112x128xf32, #tpu.memory_space<vmem_shared>>) offsets(%dma_start3A_70 : memref<128xi32, #tpu.memory_space<vmem>>) semaphore(%run_scoped3A_68 : memref<!tpu.dma_semaphore, #tpu.memory_space<semaphore_mem>>) {add = true}
      %dma_wait3A = arith.constant 0 : i32
      %dma_wait3A_74 = tpu.memref_slice %arg6[%run_scoped3A_45, %dma_wait3A] : memref<40x128xi32, #tpu.memory_space<vmem>> -> memref<1x128xi32, #tpu.memory_space<vmem>>
      %dma_wait3A_75 = tpu.memref_squeeze %dma_wait3A_74 : memref<1x128xi32, #tpu.memory_space<vmem>> -> memref<128xi32, #tpu.memory_space<vmem>>
      %dma_wait3A_76 = arith.constant 0 : i32
      %dma_wait3A_77 = arith.constant 0 : i32
      %dma_wait3A_78 = tpu.memref_slice %arg4[%dma_wait3A_76, %dma_wait3A_77] : memref<10112x128xf32, #tpu.memory_space<vmem_shared>> -> memref<10112x128xf32, #tpu.memory_space<vmem_shared>>
      tpu.wait_indirect_dma semaphore(%run_scoped3A_68 : memref<!tpu.dma_semaphore, #tpu.memory_space<semaphore_mem>>) src(%arg5 : memref<128x128xf32, #tpu.memory_space<vmem>>) dst(%dma_wait3A_78 : memref<10112x128xf32, #tpu.memory_space<vmem_shared>>)
      tpu.yield
    }) : () -> ()
    %run_scoped3A_46 = arith.constant 21 : i32
    "tpu.region"() ({
      %run_scoped3A_68 = tpu.sem_alloc : memref<!tpu.dma_semaphore, #tpu.memory_space<semaphore_mem>>
      %dma_start3A = arith.constant 0 : i32
      %dma_start3A_69 = tpu.memref_slice %arg6[%run_scoped3A_46, %dma_start3A] : memref<40x128xi32, #tpu.memory_space<vmem>> -> memref<1x128xi32, #tpu.memory_space<vmem>>
      %dma_start3A_70 = tpu.memref_squeeze %dma_start3A_69 : memref<1x128xi32, #tpu.memory_space<vmem>> -> memref<128xi32, #tpu.memory_space<vmem>>
      %dma_start3A_71 = arith.constant 0 : i32
      %dma_start3A_72 = arith.constant 0 : i32
      %dma_start3A_73 = tpu.memref_slice %arg4[%dma_start3A_71, %dma_start3A_72] : memref<10112x128xf32, #tpu.memory_space<vmem_shared>> -> memref<10112x128xf32, #tpu.memory_space<vmem_shared>>
      tpu.enqueue_indirect_dma source(%arg5 : memref<128x128xf32, #tpu.memory_space<vmem>>) target(%dma_start3A_73 : memref<10112x128xf32, #tpu.memory_space<vmem_shared>>) offsets(%dma_start3A_70 : memref<128xi32, #tpu.memory_space<vmem>>) semaphore(%run_scoped3A_68 : memref<!tpu.dma_semaphore, #tpu.memory_space<semaphore_mem>>) {add = true}
      %dma_wait3A = arith.constant 0 : i32
      %dma_wait3A_74 = tpu.memref_slice %arg6[%run_scoped3A_46, %dma_wait3A] : memref<40x128xi32, #tpu.memory_space<vmem>> -> memref<1x128xi32, #tpu.memory_space<vmem>>
      %dma_wait3A_75 = tpu.memref_squeeze %dma_wait3A_74 : memref<1x128xi32, #tpu.memory_space<vmem>> -> memref<128xi32, #tpu.memory_space<vmem>>
      %dma_wait3A_76 = arith.constant 0 : i32
      %dma_wait3A_77 = arith.constant 0 : i32
      %dma_wait3A_78 = tpu.memref_slice %arg4[%dma_wait3A_76, %dma_wait3A_77] : memref<10112x128xf32, #tpu.memory_space<vmem_shared>> -> memref<10112x128xf32, #tpu.memory_space<vmem_shared>>
      tpu.wait_indirect_dma semaphore(%run_scoped3A_68 : memref<!tpu.dma_semaphore, #tpu.memory_space<semaphore_mem>>) src(%arg5 : memref<128x128xf32, #tpu.memory_space<vmem>>) dst(%dma_wait3A_78 : memref<10112x128xf32, #tpu.memory_space<vmem_shared>>)
      tpu.yield
    }) : () -> ()
    %run_scoped3A_47 = arith.constant 22 : i32
    "tpu.region"() ({
      %run_scoped3A_68 = tpu.sem_alloc : memref<!tpu.dma_semaphore, #tpu.memory_space<semaphore_mem>>
      %dma_start3A = arith.constant 0 : i32
      %dma_start3A_69 = tpu.memref_slice %arg6[%run_scoped3A_47, %dma_start3A] : memref<40x128xi32, #tpu.memory_space<vmem>> -> memref<1x128xi32, #tpu.memory_space<vmem>>
      %dma_start3A_70 = tpu.memref_squeeze %dma_start3A_69 : memref<1x128xi32, #tpu.memory_space<vmem>> -> memref<128xi32, #tpu.memory_space<vmem>>
      %dma_start3A_71 = arith.constant 0 : i32
      %dma_start3A_72 = arith.constant 0 : i32
      %dma_start3A_73 = tpu.memref_slice %arg4[%dma_start3A_71, %dma_start3A_72] : memref<10112x128xf32, #tpu.memory_space<vmem_shared>> -> memref<10112x128xf32, #tpu.memory_space<vmem_shared>>
      tpu.enqueue_indirect_dma source(%arg5 : memref<128x128xf32, #tpu.memory_space<vmem>>) target(%dma_start3A_73 : memref<10112x128xf32, #tpu.memory_space<vmem_shared>>) offsets(%dma_start3A_70 : memref<128xi32, #tpu.memory_space<vmem>>) semaphore(%run_scoped3A_68 : memref<!tpu.dma_semaphore, #tpu.memory_space<semaphore_mem>>) {add = true}
      %dma_wait3A = arith.constant 0 : i32
      %dma_wait3A_74 = tpu.memref_slice %arg6[%run_scoped3A_47, %dma_wait3A] : memref<40x128xi32, #tpu.memory_space<vmem>> -> memref<1x128xi32, #tpu.memory_space<vmem>>
      %dma_wait3A_75 = tpu.memref_squeeze %dma_wait3A_74 : memref<1x128xi32, #tpu.memory_space<vmem>> -> memref<128xi32, #tpu.memory_space<vmem>>
      %dma_wait3A_76 = arith.constant 0 : i32
      %dma_wait3A_77 = arith.constant 0 : i32
      %dma_wait3A_78 = tpu.memref_slice %arg4[%dma_wait3A_76, %dma_wait3A_77] : memref<10112x128xf32, #tpu.memory_space<vmem_shared>> -> memref<10112x128xf32, #tpu.memory_space<vmem_shared>>
      tpu.wait_indirect_dma semaphore(%run_scoped3A_68 : memref<!tpu.dma_semaphore, #tpu.memory_space<semaphore_mem>>) src(%arg5 : memref<128x128xf32, #tpu.memory_space<vmem>>) dst(%dma_wait3A_78 : memref<10112x128xf32, #tpu.memory_space<vmem_shared>>)
      tpu.yield
    }) : () -> ()
    %run_scoped3A_48 = arith.constant 23 : i32
    "tpu.region"() ({
      %run_scoped3A_68 = tpu.sem_alloc : memref<!tpu.dma_semaphore, #tpu.memory_space<semaphore_mem>>
      %dma_start3A = arith.constant 0 : i32
      %dma_start3A_69 = tpu.memref_slice %arg6[%run_scoped3A_48, %dma_start3A] : memref<40x128xi32, #tpu.memory_space<vmem>> -> memref<1x128xi32, #tpu.memory_space<vmem>>
      %dma_start3A_70 = tpu.memref_squeeze %dma_start3A_69 : memref<1x128xi32, #tpu.memory_space<vmem>> -> memref<128xi32, #tpu.memory_space<vmem>>
      %dma_start3A_71 = arith.constant 0 : i32
      %dma_start3A_72 = arith.constant 0 : i32
      %dma_start3A_73 = tpu.memref_slice %arg4[%dma_start3A_71, %dma_start3A_72] : memref<10112x128xf32, #tpu.memory_space<vmem_shared>> -> memref<10112x128xf32, #tpu.memory_space<vmem_shared>>
      tpu.enqueue_indirect_dma source(%arg5 : memref<128x128xf32, #tpu.memory_space<vmem>>) target(%dma_start3A_73 : memref<10112x128xf32, #tpu.memory_space<vmem_shared>>) offsets(%dma_start3A_70 : memref<128xi32, #tpu.memory_space<vmem>>) semaphore(%run_scoped3A_68 : memref<!tpu.dma_semaphore, #tpu.memory_space<semaphore_mem>>) {add = true}
      %dma_wait3A = arith.constant 0 : i32
      %dma_wait3A_74 = tpu.memref_slice %arg6[%run_scoped3A_48, %dma_wait3A] : memref<40x128xi32, #tpu.memory_space<vmem>> -> memref<1x128xi32, #tpu.memory_space<vmem>>
      %dma_wait3A_75 = tpu.memref_squeeze %dma_wait3A_74 : memref<1x128xi32, #tpu.memory_space<vmem>> -> memref<128xi32, #tpu.memory_space<vmem>>
      %dma_wait3A_76 = arith.constant 0 : i32
      %dma_wait3A_77 = arith.constant 0 : i32
      %dma_wait3A_78 = tpu.memref_slice %arg4[%dma_wait3A_76, %dma_wait3A_77] : memref<10112x128xf32, #tpu.memory_space<vmem_shared>> -> memref<10112x128xf32, #tpu.memory_space<vmem_shared>>
      tpu.wait_indirect_dma semaphore(%run_scoped3A_68 : memref<!tpu.dma_semaphore, #tpu.memory_space<semaphore_mem>>) src(%arg5 : memref<128x128xf32, #tpu.memory_space<vmem>>) dst(%dma_wait3A_78 : memref<10112x128xf32, #tpu.memory_space<vmem_shared>>)
      tpu.yield
    }) : () -> ()
    %run_scoped3A_49 = arith.constant 24 : i32
    "tpu.region"() ({
      %run_scoped3A_68 = tpu.sem_alloc : memref<!tpu.dma_semaphore, #tpu.memory_space<semaphore_mem>>
      %dma_start3A = arith.constant 0 : i32
      %dma_start3A_69 = tpu.memref_slice %arg6[%run_scoped3A_49, %dma_start3A] : memref<40x128xi32, #tpu.memory_space<vmem>> -> memref<1x128xi32, #tpu.memory_space<vmem>>
      %dma_start3A_70 = tpu.memref_squeeze %dma_start3A_69 : memref<1x128xi32, #tpu.memory_space<vmem>> -> memref<128xi32, #tpu.memory_space<vmem>>
      %dma_start3A_71 = arith.constant 0 : i32
      %dma_start3A_72 = arith.constant 0 : i32
      %dma_start3A_73 = tpu.memref_slice %arg4[%dma_start3A_71, %dma_start3A_72] : memref<10112x128xf32, #tpu.memory_space<vmem_shared>> -> memref<10112x128xf32, #tpu.memory_space<vmem_shared>>
      tpu.enqueue_indirect_dma source(%arg5 : memref<128x128xf32, #tpu.memory_space<vmem>>) target(%dma_start3A_73 : memref<10112x128xf32, #tpu.memory_space<vmem_shared>>) offsets(%dma_start3A_70 : memref<128xi32, #tpu.memory_space<vmem>>) semaphore(%run_scoped3A_68 : memref<!tpu.dma_semaphore, #tpu.memory_space<semaphore_mem>>) {add = true}
      %dma_wait3A = arith.constant 0 : i32
      %dma_wait3A_74 = tpu.memref_slice %arg6[%run_scoped3A_49, %dma_wait3A] : memref<40x128xi32, #tpu.memory_space<vmem>> -> memref<1x128xi32, #tpu.memory_space<vmem>>
      %dma_wait3A_75 = tpu.memref_squeeze %dma_wait3A_74 : memref<1x128xi32, #tpu.memory_space<vmem>> -> memref<128xi32, #tpu.memory_space<vmem>>
      %dma_wait3A_76 = arith.constant 0 : i32
      %dma_wait3A_77 = arith.constant 0 : i32
      %dma_wait3A_78 = tpu.memref_slice %arg4[%dma_wait3A_76, %dma_wait3A_77] : memref<10112x128xf32, #tpu.memory_space<vmem_shared>> -> memref<10112x128xf32, #tpu.memory_space<vmem_shared>>
      tpu.wait_indirect_dma semaphore(%run_scoped3A_68 : memref<!tpu.dma_semaphore, #tpu.memory_space<semaphore_mem>>) src(%arg5 : memref<128x128xf32, #tpu.memory_space<vmem>>) dst(%dma_wait3A_78 : memref<10112x128xf32, #tpu.memory_space<vmem_shared>>)
      tpu.yield
    }) : () -> ()
    %run_scoped3A_50 = arith.constant 25 : i32
    "tpu.region"() ({
      %run_scoped3A_68 = tpu.sem_alloc : memref<!tpu.dma_semaphore, #tpu.memory_space<semaphore_mem>>
      %dma_start3A = arith.constant 0 : i32
      %dma_start3A_69 = tpu.memref_slice %arg6[%run_scoped3A_50, %dma_start3A] : memref<40x128xi32, #tpu.memory_space<vmem>> -> memref<1x128xi32, #tpu.memory_space<vmem>>
      %dma_start3A_70 = tpu.memref_squeeze %dma_start3A_69 : memref<1x128xi32, #tpu.memory_space<vmem>> -> memref<128xi32, #tpu.memory_space<vmem>>
      %dma_start3A_71 = arith.constant 0 : i32
      %dma_start3A_72 = arith.constant 0 : i32
      %dma_start3A_73 = tpu.memref_slice %arg4[%dma_start3A_71, %dma_start3A_72] : memref<10112x128xf32, #tpu.memory_space<vmem_shared>> -> memref<10112x128xf32, #tpu.memory_space<vmem_shared>>
      tpu.enqueue_indirect_dma source(%arg5 : memref<128x128xf32, #tpu.memory_space<vmem>>) target(%dma_start3A_73 : memref<10112x128xf32, #tpu.memory_space<vmem_shared>>) offsets(%dma_start3A_70 : memref<128xi32, #tpu.memory_space<vmem>>) semaphore(%run_scoped3A_68 : memref<!tpu.dma_semaphore, #tpu.memory_space<semaphore_mem>>) {add = true}
      %dma_wait3A = arith.constant 0 : i32
      %dma_wait3A_74 = tpu.memref_slice %arg6[%run_scoped3A_50, %dma_wait3A] : memref<40x128xi32, #tpu.memory_space<vmem>> -> memref<1x128xi32, #tpu.memory_space<vmem>>
      %dma_wait3A_75 = tpu.memref_squeeze %dma_wait3A_74 : memref<1x128xi32, #tpu.memory_space<vmem>> -> memref<128xi32, #tpu.memory_space<vmem>>
      %dma_wait3A_76 = arith.constant 0 : i32
      %dma_wait3A_77 = arith.constant 0 : i32
      %dma_wait3A_78 = tpu.memref_slice %arg4[%dma_wait3A_76, %dma_wait3A_77] : memref<10112x128xf32, #tpu.memory_space<vmem_shared>> -> memref<10112x128xf32, #tpu.memory_space<vmem_shared>>
      tpu.wait_indirect_dma semaphore(%run_scoped3A_68 : memref<!tpu.dma_semaphore, #tpu.memory_space<semaphore_mem>>) src(%arg5 : memref<128x128xf32, #tpu.memory_space<vmem>>) dst(%dma_wait3A_78 : memref<10112x128xf32, #tpu.memory_space<vmem_shared>>)
      tpu.yield
    }) : () -> ()
    %run_scoped3A_51 = arith.constant 26 : i32
    "tpu.region"() ({
      %run_scoped3A_68 = tpu.sem_alloc : memref<!tpu.dma_semaphore, #tpu.memory_space<semaphore_mem>>
      %dma_start3A = arith.constant 0 : i32
      %dma_start3A_69 = tpu.memref_slice %arg6[%run_scoped3A_51, %dma_start3A] : memref<40x128xi32, #tpu.memory_space<vmem>> -> memref<1x128xi32, #tpu.memory_space<vmem>>
      %dma_start3A_70 = tpu.memref_squeeze %dma_start3A_69 : memref<1x128xi32, #tpu.memory_space<vmem>> -> memref<128xi32, #tpu.memory_space<vmem>>
      %dma_start3A_71 = arith.constant 0 : i32
      %dma_start3A_72 = arith.constant 0 : i32
      %dma_start3A_73 = tpu.memref_slice %arg4[%dma_start3A_71, %dma_start3A_72] : memref<10112x128xf32, #tpu.memory_space<vmem_shared>> -> memref<10112x128xf32, #tpu.memory_space<vmem_shared>>
      tpu.enqueue_indirect_dma source(%arg5 : memref<128x128xf32, #tpu.memory_space<vmem>>) target(%dma_start3A_73 : memref<10112x128xf32, #tpu.memory_space<vmem_shared>>) offsets(%dma_start3A_70 : memref<128xi32, #tpu.memory_space<vmem>>) semaphore(%run_scoped3A_68 : memref<!tpu.dma_semaphore, #tpu.memory_space<semaphore_mem>>) {add = true}
      %dma_wait3A = arith.constant 0 : i32
      %dma_wait3A_74 = tpu.memref_slice %arg6[%run_scoped3A_51, %dma_wait3A] : memref<40x128xi32, #tpu.memory_space<vmem>> -> memref<1x128xi32, #tpu.memory_space<vmem>>
      %dma_wait3A_75 = tpu.memref_squeeze %dma_wait3A_74 : memref<1x128xi32, #tpu.memory_space<vmem>> -> memref<128xi32, #tpu.memory_space<vmem>>
      %dma_wait3A_76 = arith.constant 0 : i32
      %dma_wait3A_77 = arith.constant 0 : i32
      %dma_wait3A_78 = tpu.memref_slice %arg4[%dma_wait3A_76, %dma_wait3A_77] : memref<10112x128xf32, #tpu.memory_space<vmem_shared>> -> memref<10112x128xf32, #tpu.memory_space<vmem_shared>>
      tpu.wait_indirect_dma semaphore(%run_scoped3A_68 : memref<!tpu.dma_semaphore, #tpu.memory_space<semaphore_mem>>) src(%arg5 : memref<128x128xf32, #tpu.memory_space<vmem>>) dst(%dma_wait3A_78 : memref<10112x128xf32, #tpu.memory_space<vmem_shared>>)
      tpu.yield
    }) : () -> ()
    %run_scoped3A_52 = arith.constant 27 : i32
    "tpu.region"() ({
      %run_scoped3A_68 = tpu.sem_alloc : memref<!tpu.dma_semaphore, #tpu.memory_space<semaphore_mem>>
      %dma_start3A = arith.constant 0 : i32
      %dma_start3A_69 = tpu.memref_slice %arg6[%run_scoped3A_52, %dma_start3A] : memref<40x128xi32, #tpu.memory_space<vmem>> -> memref<1x128xi32, #tpu.memory_space<vmem>>
      %dma_start3A_70 = tpu.memref_squeeze %dma_start3A_69 : memref<1x128xi32, #tpu.memory_space<vmem>> -> memref<128xi32, #tpu.memory_space<vmem>>
      %dma_start3A_71 = arith.constant 0 : i32
      %dma_start3A_72 = arith.constant 0 : i32
      %dma_start3A_73 = tpu.memref_slice %arg4[%dma_start3A_71, %dma_start3A_72] : memref<10112x128xf32, #tpu.memory_space<vmem_shared>> -> memref<10112x128xf32, #tpu.memory_space<vmem_shared>>
      tpu.enqueue_indirect_dma source(%arg5 : memref<128x128xf32, #tpu.memory_space<vmem>>) target(%dma_start3A_73 : memref<10112x128xf32, #tpu.memory_space<vmem_shared>>) offsets(%dma_start3A_70 : memref<128xi32, #tpu.memory_space<vmem>>) semaphore(%run_scoped3A_68 : memref<!tpu.dma_semaphore, #tpu.memory_space<semaphore_mem>>) {add = true}
      %dma_wait3A = arith.constant 0 : i32
      %dma_wait3A_74 = tpu.memref_slice %arg6[%run_scoped3A_52, %dma_wait3A] : memref<40x128xi32, #tpu.memory_space<vmem>> -> memref<1x128xi32, #tpu.memory_space<vmem>>
      %dma_wait3A_75 = tpu.memref_squeeze %dma_wait3A_74 : memref<1x128xi32, #tpu.memory_space<vmem>> -> memref<128xi32, #tpu.memory_space<vmem>>
      %dma_wait3A_76 = arith.constant 0 : i32
      %dma_wait3A_77 = arith.constant 0 : i32
      %dma_wait3A_78 = tpu.memref_slice %arg4[%dma_wait3A_76, %dma_wait3A_77] : memref<10112x128xf32, #tpu.memory_space<vmem_shared>> -> memref<10112x128xf32, #tpu.memory_space<vmem_shared>>
      tpu.wait_indirect_dma semaphore(%run_scoped3A_68 : memref<!tpu.dma_semaphore, #tpu.memory_space<semaphore_mem>>) src(%arg5 : memref<128x128xf32, #tpu.memory_space<vmem>>) dst(%dma_wait3A_78 : memref<10112x128xf32, #tpu.memory_space<vmem_shared>>)
      tpu.yield
    }) : () -> ()
    %run_scoped3A_53 = arith.constant 28 : i32
    "tpu.region"() ({
      %run_scoped3A_68 = tpu.sem_alloc : memref<!tpu.dma_semaphore, #tpu.memory_space<semaphore_mem>>
      %dma_start3A = arith.constant 0 : i32
      %dma_start3A_69 = tpu.memref_slice %arg6[%run_scoped3A_53, %dma_start3A] : memref<40x128xi32, #tpu.memory_space<vmem>> -> memref<1x128xi32, #tpu.memory_space<vmem>>
      %dma_start3A_70 = tpu.memref_squeeze %dma_start3A_69 : memref<1x128xi32, #tpu.memory_space<vmem>> -> memref<128xi32, #tpu.memory_space<vmem>>
      %dma_start3A_71 = arith.constant 0 : i32
      %dma_start3A_72 = arith.constant 0 : i32
      %dma_start3A_73 = tpu.memref_slice %arg4[%dma_start3A_71, %dma_start3A_72] : memref<10112x128xf32, #tpu.memory_space<vmem_shared>> -> memref<10112x128xf32, #tpu.memory_space<vmem_shared>>
      tpu.enqueue_indirect_dma source(%arg5 : memref<128x128xf32, #tpu.memory_space<vmem>>) target(%dma_start3A_73 : memref<10112x128xf32, #tpu.memory_space<vmem_shared>>) offsets(%dma_start3A_70 : memref<128xi32, #tpu.memory_space<vmem>>) semaphore(%run_scoped3A_68 : memref<!tpu.dma_semaphore, #tpu.memory_space<semaphore_mem>>) {add = true}
      %dma_wait3A = arith.constant 0 : i32
      %dma_wait3A_74 = tpu.memref_slice %arg6[%run_scoped3A_53, %dma_wait3A] : memref<40x128xi32, #tpu.memory_space<vmem>> -> memref<1x128xi32, #tpu.memory_space<vmem>>
      %dma_wait3A_75 = tpu.memref_squeeze %dma_wait3A_74 : memref<1x128xi32, #tpu.memory_space<vmem>> -> memref<128xi32, #tpu.memory_space<vmem>>
      %dma_wait3A_76 = arith.constant 0 : i32
      %dma_wait3A_77 = arith.constant 0 : i32
      %dma_wait3A_78 = tpu.memref_slice %arg4[%dma_wait3A_76, %dma_wait3A_77] : memref<10112x128xf32, #tpu.memory_space<vmem_shared>> -> memref<10112x128xf32, #tpu.memory_space<vmem_shared>>
      tpu.wait_indirect_dma semaphore(%run_scoped3A_68 : memref<!tpu.dma_semaphore, #tpu.memory_space<semaphore_mem>>) src(%arg5 : memref<128x128xf32, #tpu.memory_space<vmem>>) dst(%dma_wait3A_78 : memref<10112x128xf32, #tpu.memory_space<vmem_shared>>)
      tpu.yield
    }) : () -> ()
    %run_scoped3A_54 = arith.constant 29 : i32
    "tpu.region"() ({
      %run_scoped3A_68 = tpu.sem_alloc : memref<!tpu.dma_semaphore, #tpu.memory_space<semaphore_mem>>
      %dma_start3A = arith.constant 0 : i32
      %dma_start3A_69 = tpu.memref_slice %arg6[%run_scoped3A_54, %dma_start3A] : memref<40x128xi32, #tpu.memory_space<vmem>> -> memref<1x128xi32, #tpu.memory_space<vmem>>
      %dma_start3A_70 = tpu.memref_squeeze %dma_start3A_69 : memref<1x128xi32, #tpu.memory_space<vmem>> -> memref<128xi32, #tpu.memory_space<vmem>>
      %dma_start3A_71 = arith.constant 0 : i32
      %dma_start3A_72 = arith.constant 0 : i32
      %dma_start3A_73 = tpu.memref_slice %arg4[%dma_start3A_71, %dma_start3A_72] : memref<10112x128xf32, #tpu.memory_space<vmem_shared>> -> memref<10112x128xf32, #tpu.memory_space<vmem_shared>>
      tpu.enqueue_indirect_dma source(%arg5 : memref<128x128xf32, #tpu.memory_space<vmem>>) target(%dma_start3A_73 : memref<10112x128xf32, #tpu.memory_space<vmem_shared>>) offsets(%dma_start3A_70 : memref<128xi32, #tpu.memory_space<vmem>>) semaphore(%run_scoped3A_68 : memref<!tpu.dma_semaphore, #tpu.memory_space<semaphore_mem>>) {add = true}
      %dma_wait3A = arith.constant 0 : i32
      %dma_wait3A_74 = tpu.memref_slice %arg6[%run_scoped3A_54, %dma_wait3A] : memref<40x128xi32, #tpu.memory_space<vmem>> -> memref<1x128xi32, #tpu.memory_space<vmem>>
      %dma_wait3A_75 = tpu.memref_squeeze %dma_wait3A_74 : memref<1x128xi32, #tpu.memory_space<vmem>> -> memref<128xi32, #tpu.memory_space<vmem>>
      %dma_wait3A_76 = arith.constant 0 : i32
      %dma_wait3A_77 = arith.constant 0 : i32
      %dma_wait3A_78 = tpu.memref_slice %arg4[%dma_wait3A_76, %dma_wait3A_77] : memref<10112x128xf32, #tpu.memory_space<vmem_shared>> -> memref<10112x128xf32, #tpu.memory_space<vmem_shared>>
      tpu.wait_indirect_dma semaphore(%run_scoped3A_68 : memref<!tpu.dma_semaphore, #tpu.memory_space<semaphore_mem>>) src(%arg5 : memref<128x128xf32, #tpu.memory_space<vmem>>) dst(%dma_wait3A_78 : memref<10112x128xf32, #tpu.memory_space<vmem_shared>>)
      tpu.yield
    }) : () -> ()
    %run_scoped3A_55 = arith.constant 30 : i32
    "tpu.region"() ({
      %run_scoped3A_68 = tpu.sem_alloc : memref<!tpu.dma_semaphore, #tpu.memory_space<semaphore_mem>>
      %dma_start3A = arith.constant 0 : i32
      %dma_start3A_69 = tpu.memref_slice %arg6[%run_scoped3A_55, %dma_start3A] : memref<40x128xi32, #tpu.memory_space<vmem>> -> memref<1x128xi32, #tpu.memory_space<vmem>>
      %dma_start3A_70 = tpu.memref_squeeze %dma_start3A_69 : memref<1x128xi32, #tpu.memory_space<vmem>> -> memref<128xi32, #tpu.memory_space<vmem>>
      %dma_start3A_71 = arith.constant 0 : i32
      %dma_start3A_72 = arith.constant 0 : i32
      %dma_start3A_73 = tpu.memref_slice %arg4[%dma_start3A_71, %dma_start3A_72] : memref<10112x128xf32, #tpu.memory_space<vmem_shared>> -> memref<10112x128xf32, #tpu.memory_space<vmem_shared>>
      tpu.enqueue_indirect_dma source(%arg5 : memref<128x128xf32, #tpu.memory_space<vmem>>) target(%dma_start3A_73 : memref<10112x128xf32, #tpu.memory_space<vmem_shared>>) offsets(%dma_start3A_70 : memref<128xi32, #tpu.memory_space<vmem>>) semaphore(%run_scoped3A_68 : memref<!tpu.dma_semaphore, #tpu.memory_space<semaphore_mem>>) {add = true}
      %dma_wait3A = arith.constant 0 : i32
      %dma_wait3A_74 = tpu.memref_slice %arg6[%run_scoped3A_55, %dma_wait3A] : memref<40x128xi32, #tpu.memory_space<vmem>> -> memref<1x128xi32, #tpu.memory_space<vmem>>
      %dma_wait3A_75 = tpu.memref_squeeze %dma_wait3A_74 : memref<1x128xi32, #tpu.memory_space<vmem>> -> memref<128xi32, #tpu.memory_space<vmem>>
      %dma_wait3A_76 = arith.constant 0 : i32
      %dma_wait3A_77 = arith.constant 0 : i32
      %dma_wait3A_78 = tpu.memref_slice %arg4[%dma_wait3A_76, %dma_wait3A_77] : memref<10112x128xf32, #tpu.memory_space<vmem_shared>> -> memref<10112x128xf32, #tpu.memory_space<vmem_shared>>
      tpu.wait_indirect_dma semaphore(%run_scoped3A_68 : memref<!tpu.dma_semaphore, #tpu.memory_space<semaphore_mem>>) src(%arg5 : memref<128x128xf32, #tpu.memory_space<vmem>>) dst(%dma_wait3A_78 : memref<10112x128xf32, #tpu.memory_space<vmem_shared>>)
      tpu.yield
    }) : () -> ()
    %run_scoped3A_56 = arith.constant 31 : i32
    "tpu.region"() ({
      %run_scoped3A_68 = tpu.sem_alloc : memref<!tpu.dma_semaphore, #tpu.memory_space<semaphore_mem>>
      %dma_start3A = arith.constant 0 : i32
      %dma_start3A_69 = tpu.memref_slice %arg6[%run_scoped3A_56, %dma_start3A] : memref<40x128xi32, #tpu.memory_space<vmem>> -> memref<1x128xi32, #tpu.memory_space<vmem>>
      %dma_start3A_70 = tpu.memref_squeeze %dma_start3A_69 : memref<1x128xi32, #tpu.memory_space<vmem>> -> memref<128xi32, #tpu.memory_space<vmem>>
      %dma_start3A_71 = arith.constant 0 : i32
      %dma_start3A_72 = arith.constant 0 : i32
      %dma_start3A_73 = tpu.memref_slice %arg4[%dma_start3A_71, %dma_start3A_72] : memref<10112x128xf32, #tpu.memory_space<vmem_shared>> -> memref<10112x128xf32, #tpu.memory_space<vmem_shared>>
      tpu.enqueue_indirect_dma source(%arg5 : memref<128x128xf32, #tpu.memory_space<vmem>>) target(%dma_start3A_73 : memref<10112x128xf32, #tpu.memory_space<vmem_shared>>) offsets(%dma_start3A_70 : memref<128xi32, #tpu.memory_space<vmem>>) semaphore(%run_scoped3A_68 : memref<!tpu.dma_semaphore, #tpu.memory_space<semaphore_mem>>) {add = true}
      %dma_wait3A = arith.constant 0 : i32
      %dma_wait3A_74 = tpu.memref_slice %arg6[%run_scoped3A_56, %dma_wait3A] : memref<40x128xi32, #tpu.memory_space<vmem>> -> memref<1x128xi32, #tpu.memory_space<vmem>>
      %dma_wait3A_75 = tpu.memref_squeeze %dma_wait3A_74 : memref<1x128xi32, #tpu.memory_space<vmem>> -> memref<128xi32, #tpu.memory_space<vmem>>
      %dma_wait3A_76 = arith.constant 0 : i32
      %dma_wait3A_77 = arith.constant 0 : i32
      %dma_wait3A_78 = tpu.memref_slice %arg4[%dma_wait3A_76, %dma_wait3A_77] : memref<10112x128xf32, #tpu.memory_space<vmem_shared>> -> memref<10112x128xf32, #tpu.memory_space<vmem_shared>>
      tpu.wait_indirect_dma semaphore(%run_scoped3A_68 : memref<!tpu.dma_semaphore, #tpu.memory_space<semaphore_mem>>) src(%arg5 : memref<128x128xf32, #tpu.memory_space<vmem>>) dst(%dma_wait3A_78 : memref<10112x128xf32, #tpu.memory_space<vmem_shared>>)
      tpu.yield
    }) : () -> ()
    %run_scoped3A_57 = arith.constant 32 : i32
    "tpu.region"() ({
      %run_scoped3A_68 = tpu.sem_alloc : memref<!tpu.dma_semaphore, #tpu.memory_space<semaphore_mem>>
      %dma_start3A = arith.constant 0 : i32
      %dma_start3A_69 = tpu.memref_slice %arg6[%run_scoped3A_57, %dma_start3A] : memref<40x128xi32, #tpu.memory_space<vmem>> -> memref<1x128xi32, #tpu.memory_space<vmem>>
      %dma_start3A_70 = tpu.memref_squeeze %dma_start3A_69 : memref<1x128xi32, #tpu.memory_space<vmem>> -> memref<128xi32, #tpu.memory_space<vmem>>
      %dma_start3A_71 = arith.constant 0 : i32
      %dma_start3A_72 = arith.constant 0 : i32
      %dma_start3A_73 = tpu.memref_slice %arg4[%dma_start3A_71, %dma_start3A_72] : memref<10112x128xf32, #tpu.memory_space<vmem_shared>> -> memref<10112x128xf32, #tpu.memory_space<vmem_shared>>
      tpu.enqueue_indirect_dma source(%arg5 : memref<128x128xf32, #tpu.memory_space<vmem>>) target(%dma_start3A_73 : memref<10112x128xf32, #tpu.memory_space<vmem_shared>>) offsets(%dma_start3A_70 : memref<128xi32, #tpu.memory_space<vmem>>) semaphore(%run_scoped3A_68 : memref<!tpu.dma_semaphore, #tpu.memory_space<semaphore_mem>>) {add = true}
      %dma_wait3A = arith.constant 0 : i32
      %dma_wait3A_74 = tpu.memref_slice %arg6[%run_scoped3A_57, %dma_wait3A] : memref<40x128xi32, #tpu.memory_space<vmem>> -> memref<1x128xi32, #tpu.memory_space<vmem>>
      %dma_wait3A_75 = tpu.memref_squeeze %dma_wait3A_74 : memref<1x128xi32, #tpu.memory_space<vmem>> -> memref<128xi32, #tpu.memory_space<vmem>>
      %dma_wait3A_76 = arith.constant 0 : i32
      %dma_wait3A_77 = arith.constant 0 : i32
      %dma_wait3A_78 = tpu.memref_slice %arg4[%dma_wait3A_76, %dma_wait3A_77] : memref<10112x128xf32, #tpu.memory_space<vmem_shared>> -> memref<10112x128xf32, #tpu.memory_space<vmem_shared>>
      tpu.wait_indirect_dma semaphore(%run_scoped3A_68 : memref<!tpu.dma_semaphore, #tpu.memory_space<semaphore_mem>>) src(%arg5 : memref<128x128xf32, #tpu.memory_space<vmem>>) dst(%dma_wait3A_78 : memref<10112x128xf32, #tpu.memory_space<vmem_shared>>)
      tpu.yield
    }) : () -> ()
    %run_scoped3A_58 = arith.constant 33 : i32
    "tpu.region"() ({
      %run_scoped3A_68 = tpu.sem_alloc : memref<!tpu.dma_semaphore, #tpu.memory_space<semaphore_mem>>
      %dma_start3A = arith.constant 0 : i32
      %dma_start3A_69 = tpu.memref_slice %arg6[%run_scoped3A_58, %dma_start3A] : memref<40x128xi32, #tpu.memory_space<vmem>> -> memref<1x128xi32, #tpu.memory_space<vmem>>
      %dma_start3A_70 = tpu.memref_squeeze %dma_start3A_69 : memref<1x128xi32, #tpu.memory_space<vmem>> -> memref<128xi32, #tpu.memory_space<vmem>>
      %dma_start3A_71 = arith.constant 0 : i32
      %dma_start3A_72 = arith.constant 0 : i32
      %dma_start3A_73 = tpu.memref_slice %arg4[%dma_start3A_71, %dma_start3A_72] : memref<10112x128xf32, #tpu.memory_space<vmem_shared>> -> memref<10112x128xf32, #tpu.memory_space<vmem_shared>>
      tpu.enqueue_indirect_dma source(%arg5 : memref<128x128xf32, #tpu.memory_space<vmem>>) target(%dma_start3A_73 : memref<10112x128xf32, #tpu.memory_space<vmem_shared>>) offsets(%dma_start3A_70 : memref<128xi32, #tpu.memory_space<vmem>>) semaphore(%run_scoped3A_68 : memref<!tpu.dma_semaphore, #tpu.memory_space<semaphore_mem>>) {add = true}
      %dma_wait3A = arith.constant 0 : i32
      %dma_wait3A_74 = tpu.memref_slice %arg6[%run_scoped3A_58, %dma_wait3A] : memref<40x128xi32, #tpu.memory_space<vmem>> -> memref<1x128xi32, #tpu.memory_space<vmem>>
      %dma_wait3A_75 = tpu.memref_squeeze %dma_wait3A_74 : memref<1x128xi32, #tpu.memory_space<vmem>> -> memref<128xi32, #tpu.memory_space<vmem>>
      %dma_wait3A_76 = arith.constant 0 : i32
      %dma_wait3A_77 = arith.constant 0 : i32
      %dma_wait3A_78 = tpu.memref_slice %arg4[%dma_wait3A_76, %dma_wait3A_77] : memref<10112x128xf32, #tpu.memory_space<vmem_shared>> -> memref<10112x128xf32, #tpu.memory_space<vmem_shared>>
      tpu.wait_indirect_dma semaphore(%run_scoped3A_68 : memref<!tpu.dma_semaphore, #tpu.memory_space<semaphore_mem>>) src(%arg5 : memref<128x128xf32, #tpu.memory_space<vmem>>) dst(%dma_wait3A_78 : memref<10112x128xf32, #tpu.memory_space<vmem_shared>>)
      tpu.yield
    }) : () -> ()
    %run_scoped3A_59 = arith.constant 34 : i32
    "tpu.region"() ({
      %run_scoped3A_68 = tpu.sem_alloc : memref<!tpu.dma_semaphore, #tpu.memory_space<semaphore_mem>>
      %dma_start3A = arith.constant 0 : i32
      %dma_start3A_69 = tpu.memref_slice %arg6[%run_scoped3A_59, %dma_start3A] : memref<40x128xi32, #tpu.memory_space<vmem>> -> memref<1x128xi32, #tpu.memory_space<vmem>>
      %dma_start3A_70 = tpu.memref_squeeze %dma_start3A_69 : memref<1x128xi32, #tpu.memory_space<vmem>> -> memref<128xi32, #tpu.memory_space<vmem>>
      %dma_start3A_71 = arith.constant 0 : i32
      %dma_start3A_72 = arith.constant 0 : i32
      %dma_start3A_73 = tpu.memref_slice %arg4[%dma_start3A_71, %dma_start3A_72] : memref<10112x128xf32, #tpu.memory_space<vmem_shared>> -> memref<10112x128xf32, #tpu.memory_space<vmem_shared>>
      tpu.enqueue_indirect_dma source(%arg5 : memref<128x128xf32, #tpu.memory_space<vmem>>) target(%dma_start3A_73 : memref<10112x128xf32, #tpu.memory_space<vmem_shared>>) offsets(%dma_start3A_70 : memref<128xi32, #tpu.memory_space<vmem>>) semaphore(%run_scoped3A_68 : memref<!tpu.dma_semaphore, #tpu.memory_space<semaphore_mem>>) {add = true}
      %dma_wait3A = arith.constant 0 : i32
      %dma_wait3A_74 = tpu.memref_slice %arg6[%run_scoped3A_59, %dma_wait3A] : memref<40x128xi32, #tpu.memory_space<vmem>> -> memref<1x128xi32, #tpu.memory_space<vmem>>
      %dma_wait3A_75 = tpu.memref_squeeze %dma_wait3A_74 : memref<1x128xi32, #tpu.memory_space<vmem>> -> memref<128xi32, #tpu.memory_space<vmem>>
      %dma_wait3A_76 = arith.constant 0 : i32
      %dma_wait3A_77 = arith.constant 0 : i32
      %dma_wait3A_78 = tpu.memref_slice %arg4[%dma_wait3A_76, %dma_wait3A_77] : memref<10112x128xf32, #tpu.memory_space<vmem_shared>> -> memref<10112x128xf32, #tpu.memory_space<vmem_shared>>
      tpu.wait_indirect_dma semaphore(%run_scoped3A_68 : memref<!tpu.dma_semaphore, #tpu.memory_space<semaphore_mem>>) src(%arg5 : memref<128x128xf32, #tpu.memory_space<vmem>>) dst(%dma_wait3A_78 : memref<10112x128xf32, #tpu.memory_space<vmem_shared>>)
      tpu.yield
    }) : () -> ()
    %run_scoped3A_60 = arith.constant 35 : i32
    "tpu.region"() ({
      %run_scoped3A_68 = tpu.sem_alloc : memref<!tpu.dma_semaphore, #tpu.memory_space<semaphore_mem>>
      %dma_start3A = arith.constant 0 : i32
      %dma_start3A_69 = tpu.memref_slice %arg6[%run_scoped3A_60, %dma_start3A] : memref<40x128xi32, #tpu.memory_space<vmem>> -> memref<1x128xi32, #tpu.memory_space<vmem>>
      %dma_start3A_70 = tpu.memref_squeeze %dma_start3A_69 : memref<1x128xi32, #tpu.memory_space<vmem>> -> memref<128xi32, #tpu.memory_space<vmem>>
      %dma_start3A_71 = arith.constant 0 : i32
      %dma_start3A_72 = arith.constant 0 : i32
      %dma_start3A_73 = tpu.memref_slice %arg4[%dma_start3A_71, %dma_start3A_72] : memref<10112x128xf32, #tpu.memory_space<vmem_shared>> -> memref<10112x128xf32, #tpu.memory_space<vmem_shared>>
      tpu.enqueue_indirect_dma source(%arg5 : memref<128x128xf32, #tpu.memory_space<vmem>>) target(%dma_start3A_73 : memref<10112x128xf32, #tpu.memory_space<vmem_shared>>) offsets(%dma_start3A_70 : memref<128xi32, #tpu.memory_space<vmem>>) semaphore(%run_scoped3A_68 : memref<!tpu.dma_semaphore, #tpu.memory_space<semaphore_mem>>) {add = true}
      %dma_wait3A = arith.constant 0 : i32
      %dma_wait3A_74 = tpu.memref_slice %arg6[%run_scoped3A_60, %dma_wait3A] : memref<40x128xi32, #tpu.memory_space<vmem>> -> memref<1x128xi32, #tpu.memory_space<vmem>>
      %dma_wait3A_75 = tpu.memref_squeeze %dma_wait3A_74 : memref<1x128xi32, #tpu.memory_space<vmem>> -> memref<128xi32, #tpu.memory_space<vmem>>
      %dma_wait3A_76 = arith.constant 0 : i32
      %dma_wait3A_77 = arith.constant 0 : i32
      %dma_wait3A_78 = tpu.memref_slice %arg4[%dma_wait3A_76, %dma_wait3A_77] : memref<10112x128xf32, #tpu.memory_space<vmem_shared>> -> memref<10112x128xf32, #tpu.memory_space<vmem_shared>>
      tpu.wait_indirect_dma semaphore(%run_scoped3A_68 : memref<!tpu.dma_semaphore, #tpu.memory_space<semaphore_mem>>) src(%arg5 : memref<128x128xf32, #tpu.memory_space<vmem>>) dst(%dma_wait3A_78 : memref<10112x128xf32, #tpu.memory_space<vmem_shared>>)
      tpu.yield
    }) : () -> ()
    %run_scoped3A_61 = arith.constant 36 : i32
    "tpu.region"() ({
      %run_scoped3A_68 = tpu.sem_alloc : memref<!tpu.dma_semaphore, #tpu.memory_space<semaphore_mem>>
      %dma_start3A = arith.constant 0 : i32
      %dma_start3A_69 = tpu.memref_slice %arg6[%run_scoped3A_61, %dma_start3A] : memref<40x128xi32, #tpu.memory_space<vmem>> -> memref<1x128xi32, #tpu.memory_space<vmem>>
      %dma_start3A_70 = tpu.memref_squeeze %dma_start3A_69 : memref<1x128xi32, #tpu.memory_space<vmem>> -> memref<128xi32, #tpu.memory_space<vmem>>
      %dma_start3A_71 = arith.constant 0 : i32
      %dma_start3A_72 = arith.constant 0 : i32
      %dma_start3A_73 = tpu.memref_slice %arg4[%dma_start3A_71, %dma_start3A_72] : memref<10112x128xf32, #tpu.memory_space<vmem_shared>> -> memref<10112x128xf32, #tpu.memory_space<vmem_shared>>
      tpu.enqueue_indirect_dma source(%arg5 : memref<128x128xf32, #tpu.memory_space<vmem>>) target(%dma_start3A_73 : memref<10112x128xf32, #tpu.memory_space<vmem_shared>>) offsets(%dma_start3A_70 : memref<128xi32, #tpu.memory_space<vmem>>) semaphore(%run_scoped3A_68 : memref<!tpu.dma_semaphore, #tpu.memory_space<semaphore_mem>>) {add = true}
      %dma_wait3A = arith.constant 0 : i32
      %dma_wait3A_74 = tpu.memref_slice %arg6[%run_scoped3A_61, %dma_wait3A] : memref<40x128xi32, #tpu.memory_space<vmem>> -> memref<1x128xi32, #tpu.memory_space<vmem>>
      %dma_wait3A_75 = tpu.memref_squeeze %dma_wait3A_74 : memref<1x128xi32, #tpu.memory_space<vmem>> -> memref<128xi32, #tpu.memory_space<vmem>>
      %dma_wait3A_76 = arith.constant 0 : i32
      %dma_wait3A_77 = arith.constant 0 : i32
      %dma_wait3A_78 = tpu.memref_slice %arg4[%dma_wait3A_76, %dma_wait3A_77] : memref<10112x128xf32, #tpu.memory_space<vmem_shared>> -> memref<10112x128xf32, #tpu.memory_space<vmem_shared>>
      tpu.wait_indirect_dma semaphore(%run_scoped3A_68 : memref<!tpu.dma_semaphore, #tpu.memory_space<semaphore_mem>>) src(%arg5 : memref<128x128xf32, #tpu.memory_space<vmem>>) dst(%dma_wait3A_78 : memref<10112x128xf32, #tpu.memory_space<vmem_shared>>)
      tpu.yield
    }) : () -> ()
    %run_scoped3A_62 = arith.constant 37 : i32
    "tpu.region"() ({
      %run_scoped3A_68 = tpu.sem_alloc : memref<!tpu.dma_semaphore, #tpu.memory_space<semaphore_mem>>
      %dma_start3A = arith.constant 0 : i32
      %dma_start3A_69 = tpu.memref_slice %arg6[%run_scoped3A_62, %dma_start3A] : memref<40x128xi32, #tpu.memory_space<vmem>> -> memref<1x128xi32, #tpu.memory_space<vmem>>
      %dma_start3A_70 = tpu.memref_squeeze %dma_start3A_69 : memref<1x128xi32, #tpu.memory_space<vmem>> -> memref<128xi32, #tpu.memory_space<vmem>>
      %dma_start3A_71 = arith.constant 0 : i32
      %dma_start3A_72 = arith.constant 0 : i32
      %dma_start3A_73 = tpu.memref_slice %arg4[%dma_start3A_71, %dma_start3A_72] : memref<10112x128xf32, #tpu.memory_space<vmem_shared>> -> memref<10112x128xf32, #tpu.memory_space<vmem_shared>>
      tpu.enqueue_indirect_dma source(%arg5 : memref<128x128xf32, #tpu.memory_space<vmem>>) target(%dma_start3A_73 : memref<10112x128xf32, #tpu.memory_space<vmem_shared>>) offsets(%dma_start3A_70 : memref<128xi32, #tpu.memory_space<vmem>>) semaphore(%run_scoped3A_68 : memref<!tpu.dma_semaphore, #tpu.memory_space<semaphore_mem>>) {add = true}
      %dma_wait3A = arith.constant 0 : i32
      %dma_wait3A_74 = tpu.memref_slice %arg6[%run_scoped3A_62, %dma_wait3A] : memref<40x128xi32, #tpu.memory_space<vmem>> -> memref<1x128xi32, #tpu.memory_space<vmem>>
      %dma_wait3A_75 = tpu.memref_squeeze %dma_wait3A_74 : memref<1x128xi32, #tpu.memory_space<vmem>> -> memref<128xi32, #tpu.memory_space<vmem>>
      %dma_wait3A_76 = arith.constant 0 : i32
      %dma_wait3A_77 = arith.constant 0 : i32
      %dma_wait3A_78 = tpu.memref_slice %arg4[%dma_wait3A_76, %dma_wait3A_77] : memref<10112x128xf32, #tpu.memory_space<vmem_shared>> -> memref<10112x128xf32, #tpu.memory_space<vmem_shared>>
      tpu.wait_indirect_dma semaphore(%run_scoped3A_68 : memref<!tpu.dma_semaphore, #tpu.memory_space<semaphore_mem>>) src(%arg5 : memref<128x128xf32, #tpu.memory_space<vmem>>) dst(%dma_wait3A_78 : memref<10112x128xf32, #tpu.memory_space<vmem_shared>>)
      tpu.yield
    }) : () -> ()
    %run_scoped3A_63 = arith.constant 38 : i32
    "tpu.region"() ({
      %run_scoped3A_68 = tpu.sem_alloc : memref<!tpu.dma_semaphore, #tpu.memory_space<semaphore_mem>>
      %dma_start3A = arith.constant 0 : i32
      %dma_start3A_69 = tpu.memref_slice %arg6[%run_scoped3A_63, %dma_start3A] : memref<40x128xi32, #tpu.memory_space<vmem>> -> memref<1x128xi32, #tpu.memory_space<vmem>>
      %dma_start3A_70 = tpu.memref_squeeze %dma_start3A_69 : memref<1x128xi32, #tpu.memory_space<vmem>> -> memref<128xi32, #tpu.memory_space<vmem>>
      %dma_start3A_71 = arith.constant 0 : i32
      %dma_start3A_72 = arith.constant 0 : i32
      %dma_start3A_73 = tpu.memref_slice %arg4[%dma_start3A_71, %dma_start3A_72] : memref<10112x128xf32, #tpu.memory_space<vmem_shared>> -> memref<10112x128xf32, #tpu.memory_space<vmem_shared>>
      tpu.enqueue_indirect_dma source(%arg5 : memref<128x128xf32, #tpu.memory_space<vmem>>) target(%dma_start3A_73 : memref<10112x128xf32, #tpu.memory_space<vmem_shared>>) offsets(%dma_start3A_70 : memref<128xi32, #tpu.memory_space<vmem>>) semaphore(%run_scoped3A_68 : memref<!tpu.dma_semaphore, #tpu.memory_space<semaphore_mem>>) {add = true}
      %dma_wait3A = arith.constant 0 : i32
      %dma_wait3A_74 = tpu.memref_slice %arg6[%run_scoped3A_63, %dma_wait3A] : memref<40x128xi32, #tpu.memory_space<vmem>> -> memref<1x128xi32, #tpu.memory_space<vmem>>
      %dma_wait3A_75 = tpu.memref_squeeze %dma_wait3A_74 : memref<1x128xi32, #tpu.memory_space<vmem>> -> memref<128xi32, #tpu.memory_space<vmem>>
      %dma_wait3A_76 = arith.constant 0 : i32
      %dma_wait3A_77 = arith.constant 0 : i32
      %dma_wait3A_78 = tpu.memref_slice %arg4[%dma_wait3A_76, %dma_wait3A_77] : memref<10112x128xf32, #tpu.memory_space<vmem_shared>> -> memref<10112x128xf32, #tpu.memory_space<vmem_shared>>
      tpu.wait_indirect_dma semaphore(%run_scoped3A_68 : memref<!tpu.dma_semaphore, #tpu.memory_space<semaphore_mem>>) src(%arg5 : memref<128x128xf32, #tpu.memory_space<vmem>>) dst(%dma_wait3A_78 : memref<10112x128xf32, #tpu.memory_space<vmem_shared>>)
      tpu.yield
    }) : () -> ()
    %run_scoped3A_64 = arith.constant 39 : i32
    "tpu.region"() ({
      %run_scoped3A_68 = tpu.sem_alloc : memref<!tpu.dma_semaphore, #tpu.memory_space<semaphore_mem>>
      %dma_start3A = arith.constant 0 : i32
      %dma_start3A_69 = tpu.memref_slice %arg6[%run_scoped3A_64, %dma_start3A] : memref<40x128xi32, #tpu.memory_space<vmem>> -> memref<1x128xi32, #tpu.memory_space<vmem>>
      %dma_start3A_70 = tpu.memref_squeeze %dma_start3A_69 : memref<1x128xi32, #tpu.memory_space<vmem>> -> memref<128xi32, #tpu.memory_space<vmem>>
      %dma_start3A_71 = arith.constant 0 : i32
      %dma_start3A_72 = arith.constant 0 : i32
      %dma_start3A_73 = tpu.memref_slice %arg4[%dma_start3A_71, %dma_start3A_72] : memref<10112x128xf32, #tpu.memory_space<vmem_shared>> -> memref<10112x128xf32, #tpu.memory_space<vmem_shared>>
      tpu.enqueue_indirect_dma source(%arg5 : memref<128x128xf32, #tpu.memory_space<vmem>>) target(%dma_start3A_73 : memref<10112x128xf32, #tpu.memory_space<vmem_shared>>) offsets(%dma_start3A_70 : memref<128xi32, #tpu.memory_space<vmem>>) semaphore(%run_scoped3A_68 : memref<!tpu.dma_semaphore, #tpu.memory_space<semaphore_mem>>) {add = true}
      %dma_wait3A = arith.constant 0 : i32
      %dma_wait3A_74 = tpu.memref_slice %arg6[%run_scoped3A_64, %dma_wait3A] : memref<40x128xi32, #tpu.memory_space<vmem>> -> memref<1x128xi32, #tpu.memory_space<vmem>>
      %dma_wait3A_75 = tpu.memref_squeeze %dma_wait3A_74 : memref<1x128xi32, #tpu.memory_space<vmem>> -> memref<128xi32, #tpu.memory_space<vmem>>
      %dma_wait3A_76 = arith.constant 0 : i32
      %dma_wait3A_77 = arith.constant 0 : i32
      %dma_wait3A_78 = tpu.memref_slice %arg4[%dma_wait3A_76, %dma_wait3A_77] : memref<10112x128xf32, #tpu.memory_space<vmem_shared>> -> memref<10112x128xf32, #tpu.memory_space<vmem_shared>>
      tpu.wait_indirect_dma semaphore(%run_scoped3A_68 : memref<!tpu.dma_semaphore, #tpu.memory_space<semaphore_mem>>) src(%arg5 : memref<128x128xf32, #tpu.memory_space<vmem>>) dst(%dma_wait3A_78 : memref<10112x128xf32, #tpu.memory_space<vmem_shared>>)
      tpu.yield
    }) : () -> ()
    %barrier3A_65 = arith.constant 0 : index
    tpu.barrier barrier_id(%barrier3A_65)
    %mul3A_66 = arith.constant 632 : i32
    %mul3A_67 = arith.muli %arg1, %mul3A_66 : i32
    "tpu.region"() ({
      %run_scoped3A_68 = tpu.sem_alloc : memref<!tpu.dma_semaphore, #tpu.memory_space<semaphore_mem>>
      %dma_start3A = arith.constant 0 : i32
      %dma_start3A_69 = tpu.memref_slice %arg3[%arg0, %mul3A_67, %dma_start3A] : memref<2x10112x128xf32, #tpu.memory_space<hbm>> -> memref<1x632x128xf32, #tpu.memory_space<hbm>>
      %dma_start3A_70 = tpu.memref_squeeze %dma_start3A_69 : memref<1x632x128xf32, #tpu.memory_space<hbm>> -> memref<632x128xf32, #tpu.memory_space<hbm>>
      %dma_start3A_71 = arith.constant 0 : i32
      %dma_start3A_72 = tpu.memref_slice %arg4[%mul3A_67, %dma_start3A_71] : memref<10112x128xf32, #tpu.memory_space<vmem_shared>> -> memref<632x128xf32, #tpu.memory_space<vmem_shared>>
      tpu.enqueue_dma source(%dma_start3A_72 : memref<632x128xf32, #tpu.memory_space<vmem_shared>>) target(%dma_start3A_70 : memref<632x128xf32, #tpu.memory_space<hbm>>) target_semaphore(%run_scoped3A_68 : memref<!tpu.dma_semaphore, #tpu.memory_space<semaphore_mem>>)
      %dma_wait3A = arith.constant 0 : i32
      %dma_wait3A_73 = tpu.memref_slice %arg3[%arg0, %mul3A_67, %dma_wait3A] : memref<2x10112x128xf32, #tpu.memory_space<hbm>> -> memref<1x632x128xf32, #tpu.memory_space<hbm>>
      %dma_wait3A_74 = tpu.memref_squeeze %dma_wait3A_73 : memref<1x632x128xf32, #tpu.memory_space<hbm>> -> memref<632x128xf32, #tpu.memory_space<hbm>>
      %dma_wait3A_75 = arith.constant 0 : i32
      %dma_wait3A_76 = tpu.memref_slice %arg4[%mul3A_67, %dma_wait3A_75] : memref<10112x128xf32, #tpu.memory_space<vmem_shared>> -> memref<632x128xf32, #tpu.memory_space<vmem_shared>>
      tpu.wait_dma2 semaphore(%run_scoped3A_68 : memref<!tpu.dma_semaphore, #tpu.memory_space<semaphore_mem>>) src(%dma_wait3A_76 : memref<632x128xf32, #tpu.memory_space<vmem_shared>>) dst(%dma_wait3A_74 : memref<632x128xf32, #tpu.memory_space<hbm>>)
      tpu.yield
    }) : () -> ()
    return
  }
}

#map = affine_map<(d0, d1) -> (0, 0)>
#map1 = affine_map<(d0, d1) -> (0, 0, 0)>
module attributes {stable_mosaic.version = 14 : i64} {
  func.func @_prop_body(%arg0: i32, %arg1: i32, %arg2: memref<10000x128xf32, #tpu.memory_space<hbm>>, %arg3: memref<32x40x128xi32, #tpu.memory_space<hbm>>, %arg4: memref<32x40x128xi32, #tpu.memory_space<hbm>>, %arg5: memref<2x10112x128xf32, #tpu.memory_space<hbm>>, %arg6: memref<10112x128xf32, #tpu.memory_space<vmem_shared>>, %arg7: memref<128x128xf32, #tpu.memory_space<vmem>>, %arg8: memref<128x128xf32, #tpu.memory_space<vmem>>, %arg9: memref<40x128xi32, #tpu.memory_space<vmem>>, %arg10: memref<40x128xi32, #tpu.memory_space<vmem>>, %arg11: memref<!tpu.dma_semaphore, #tpu.memory_space<semaphore_mem>>, %arg12: memref<!tpu.dma_semaphore, #tpu.memory_space<semaphore_mem>>, %arg13: memref<!tpu.dma_semaphore, #tpu.memory_space<semaphore_mem>>, %arg14: memref<!tpu.dma_semaphore, #tpu.memory_space<semaphore_mem>>) attributes {dimension_semantics = [#tpu.dimension_semantics<core_parallel>, #tpu.dimension_semantics<subcore_parallel>], iteration_bounds = array<i64: 2, 16>, scalar_prefetch = 0 : i64, scratch_operands = 9 : i64, tpu.core_type = #tpu.core_type<sc_vector_subcore>, window_params = [{transform_indices = #map}, {transform_indices = #map1}, {transform_indices = #map1}, {transform_indices = #map1}]} {
    %mul3A = arith.constant 632 : i32
    %mul3A_0 = arith.muli %arg1, %mul3A : i32
    %mul3A_1 = arith.constant 16 : i32
    %mul3A_2 = arith.muli %arg0, %mul3A_1 : i32
    %add3A = arith.addi %mul3A_2, %arg1 : i32
    "tpu.region"() ({
      %run_scoped3A = tpu.sem_alloc : memref<!tpu.dma_semaphore, #tpu.memory_space<semaphore_mem>>
      %dma_start3A_40 = arith.constant 0 : i32
      %dma_start3A_41 = arith.constant 0 : i32
      %dma_start3A_42 = tpu.memref_slice %arg3[%add3A, %dma_start3A_40, %dma_start3A_41] : memref<32x40x128xi32, #tpu.memory_space<hbm>> -> memref<1x40x128xi32, #tpu.memory_space<hbm>>
      %dma_start3A_43 = tpu.memref_squeeze %dma_start3A_42 : memref<1x40x128xi32, #tpu.memory_space<hbm>> -> memref<40x128xi32, #tpu.memory_space<hbm>>
      %dma_start3A_44 = arith.constant 0 : i32
      %dma_start3A_45 = arith.constant 0 : i32
      %dma_start3A_46 = tpu.memref_slice %arg3[%add3A, %dma_start3A_44, %dma_start3A_45] : memref<32x40x128xi32, #tpu.memory_space<hbm>> -> memref<1x40x128xi32, #tpu.memory_space<hbm>>
      %dma_start3A_47 = tpu.memref_squeeze %dma_start3A_46 : memref<1x40x128xi32, #tpu.memory_space<hbm>> -> memref<40x128xi32, #tpu.memory_space<hbm>>
      tpu.enqueue_dma source(%dma_start3A_47 : memref<40x128xi32, #tpu.memory_space<hbm>>) target(%arg9 : memref<40x128xi32, #tpu.memory_space<vmem>>) target_semaphore(%run_scoped3A : memref<!tpu.dma_semaphore, #tpu.memory_space<semaphore_mem>>)
      %dma_wait3A = arith.constant 0 : i32
      %dma_wait3A_48 = arith.constant 0 : i32
      %dma_wait3A_49 = tpu.memref_slice %arg3[%add3A, %dma_wait3A, %dma_wait3A_48] : memref<32x40x128xi32, #tpu.memory_space<hbm>> -> memref<1x40x128xi32, #tpu.memory_space<hbm>>
      %dma_wait3A_50 = tpu.memref_squeeze %dma_wait3A_49 : memref<1x40x128xi32, #tpu.memory_space<hbm>> -> memref<40x128xi32, #tpu.memory_space<hbm>>
      %dma_wait3A_51 = arith.constant 0 : i32
      %dma_wait3A_52 = arith.constant 0 : i32
      %dma_wait3A_53 = tpu.memref_slice %arg3[%add3A, %dma_wait3A_51, %dma_wait3A_52] : memref<32x40x128xi32, #tpu.memory_space<hbm>> -> memref<1x40x128xi32, #tpu.memory_space<hbm>>
      %dma_wait3A_54 = tpu.memref_squeeze %dma_wait3A_53 : memref<1x40x128xi32, #tpu.memory_space<hbm>> -> memref<40x128xi32, #tpu.memory_space<hbm>>
      tpu.wait_dma2 semaphore(%run_scoped3A : memref<!tpu.dma_semaphore, #tpu.memory_space<semaphore_mem>>) src(%dma_wait3A_54 : memref<40x128xi32, #tpu.memory_space<hbm>>) dst(%arg9 : memref<40x128xi32, #tpu.memory_space<vmem>>)
      tpu.yield
    }) : () -> ()
    "tpu.region"() ({
      %run_scoped3A = tpu.sem_alloc : memref<!tpu.dma_semaphore, #tpu.memory_space<semaphore_mem>>
      %dma_start3A_40 = arith.constant 0 : i32
      %dma_start3A_41 = arith.constant 0 : i32
      %dma_start3A_42 = tpu.memref_slice %arg4[%add3A, %dma_start3A_40, %dma_start3A_41] : memref<32x40x128xi32, #tpu.memory_space<hbm>> -> memref<1x40x128xi32, #tpu.memory_space<hbm>>
      %dma_start3A_43 = tpu.memref_squeeze %dma_start3A_42 : memref<1x40x128xi32, #tpu.memory_space<hbm>> -> memref<40x128xi32, #tpu.memory_space<hbm>>
      %dma_start3A_44 = arith.constant 0 : i32
      %dma_start3A_45 = arith.constant 0 : i32
      %dma_start3A_46 = tpu.memref_slice %arg4[%add3A, %dma_start3A_44, %dma_start3A_45] : memref<32x40x128xi32, #tpu.memory_space<hbm>> -> memref<1x40x128xi32, #tpu.memory_space<hbm>>
      %dma_start3A_47 = tpu.memref_squeeze %dma_start3A_46 : memref<1x40x128xi32, #tpu.memory_space<hbm>> -> memref<40x128xi32, #tpu.memory_space<hbm>>
      tpu.enqueue_dma source(%dma_start3A_47 : memref<40x128xi32, #tpu.memory_space<hbm>>) target(%arg10 : memref<40x128xi32, #tpu.memory_space<vmem>>) target_semaphore(%run_scoped3A : memref<!tpu.dma_semaphore, #tpu.memory_space<semaphore_mem>>)
      %dma_wait3A = arith.constant 0 : i32
      %dma_wait3A_48 = arith.constant 0 : i32
      %dma_wait3A_49 = tpu.memref_slice %arg4[%add3A, %dma_wait3A, %dma_wait3A_48] : memref<32x40x128xi32, #tpu.memory_space<hbm>> -> memref<1x40x128xi32, #tpu.memory_space<hbm>>
      %dma_wait3A_50 = tpu.memref_squeeze %dma_wait3A_49 : memref<1x40x128xi32, #tpu.memory_space<hbm>> -> memref<40x128xi32, #tpu.memory_space<hbm>>
      %dma_wait3A_51 = arith.constant 0 : i32
      %dma_wait3A_52 = arith.constant 0 : i32
      %dma_wait3A_53 = tpu.memref_slice %arg4[%add3A, %dma_wait3A_51, %dma_wait3A_52] : memref<32x40x128xi32, #tpu.memory_space<hbm>> -> memref<1x40x128xi32, #tpu.memory_space<hbm>>
      %dma_wait3A_54 = tpu.memref_squeeze %dma_wait3A_53 : memref<1x40x128xi32, #tpu.memory_space<hbm>> -> memref<40x128xi32, #tpu.memory_space<hbm>>
      tpu.wait_dma2 semaphore(%run_scoped3A : memref<!tpu.dma_semaphore, #tpu.memory_space<semaphore_mem>>) src(%dma_wait3A_54 : memref<40x128xi32, #tpu.memory_space<hbm>>) dst(%arg10 : memref<40x128xi32, #tpu.memory_space<vmem>>)
      tpu.yield
    }) : () -> ()
    %scan3A = arith.constant 0 : i32
    %scan3A_3 = arith.constant 0 : i32
    %scan3A_4 = arith.constant 128 : i32
    %scan3A_5 = arith.addi %scan3A_3, %scan3A_4 : i32
    %scan3A_6 = arith.constant 1 : i32
    %scan3A_7 = scf.for %scan3A_40 = %scan3A_3 to %scan3A_5 step %scan3A_6 iter_args(%scan3A_41 = %scan3A) -> (i32)  : i32 {
      %broadcast_in_dim3A = arith.constant 0.000000e+00 : f32
      %broadcast_in_dim3A_42 = vector.broadcast %broadcast_in_dim3A : f32 to vector<16xf32>
      %swap3A = arith.index_cast %scan3A_40 : i32 to index
      %swap3A_43 = arith.constant 0 : index
      %swap3A_44 = tpu.vector_load %arg8[%swap3A, %swap3A_43] {strides = array<i32>} : memref<128x128xf32, #tpu.memory_space<vmem>>, vector<1x16xf32>,
      %swap3A_45 = vector.shape_cast %swap3A_44 : vector<1x16xf32> to vector<16xf32>
      %swap3A_46 = vector.shape_cast %broadcast_in_dim3A_42 : vector<16xf32> to vector<1x16xf32>
      tpu.vector_store %arg8[%swap3A, %swap3A_43], %swap3A_46 {strides = array<i32>} : memref<128x128xf32, #tpu.memory_space<vmem>>, vector<1x16xf32>,
      %broadcast_in_dim3A_47 = arith.constant 0.000000e+00 : f32
      %broadcast_in_dim3A_48 = vector.broadcast %broadcast_in_dim3A_47 : f32 to vector<16xf32>
      %swap3A_49 = arith.index_cast %scan3A_40 : i32 to index
      %swap3A_50 = arith.constant 16 : index
      %swap3A_51 = tpu.vector_load %arg8[%swap3A_49, %swap3A_50] {strides = array<i32>} : memref<128x128xf32, #tpu.memory_space<vmem>>, vector<1x16xf32>,
      %swap3A_52 = vector.shape_cast %swap3A_51 : vector<1x16xf32> to vector<16xf32>
      %swap3A_53 = vector.shape_cast %broadcast_in_dim3A_48 : vector<16xf32> to vector<1x16xf32>
      tpu.vector_store %arg8[%swap3A_49, %swap3A_50], %swap3A_53 {strides = array<i32>} : memref<128x128xf32, #tpu.memory_space<vmem>>, vector<1x16xf32>,
      %broadcast_in_dim3A_54 = arith.constant 0.000000e+00 : f32
      %broadcast_in_dim3A_55 = vector.broadcast %broadcast_in_dim3A_54 : f32 to vector<16xf32>
      %swap3A_56 = arith.index_cast %scan3A_40 : i32 to index
      %swap3A_57 = arith.constant 32 : index
      %swap3A_58 = tpu.vector_load %arg8[%swap3A_56, %swap3A_57] {strides = array<i32>} : memref<128x128xf32, #tpu.memory_space<vmem>>, vector<1x16xf32>,
      %swap3A_59 = vector.shape_cast %swap3A_58 : vector<1x16xf32> to vector<16xf32>
      %swap3A_60 = vector.shape_cast %broadcast_in_dim3A_55 : vector<16xf32> to vector<1x16xf32>
      tpu.vector_store %arg8[%swap3A_56, %swap3A_57], %swap3A_60 {strides = array<i32>} : memref<128x128xf32, #tpu.memory_space<vmem>>, vector<1x16xf32>,
      %broadcast_in_dim3A_61 = arith.constant 0.000000e+00 : f32
      %broadcast_in_dim3A_62 = vector.broadcast %broadcast_in_dim3A_61 : f32 to vector<16xf32>
      %swap3A_63 = arith.index_cast %scan3A_40 : i32 to index
      %swap3A_64 = arith.constant 48 : index
      %swap3A_65 = tpu.vector_load %arg8[%swap3A_63, %swap3A_64] {strides = array<i32>} : memref<128x128xf32, #tpu.memory_space<vmem>>, vector<1x16xf32>,
      %swap3A_66 = vector.shape_cast %swap3A_65 : vector<1x16xf32> to vector<16xf32>
      %swap3A_67 = vector.shape_cast %broadcast_in_dim3A_62 : vector<16xf32> to vector<1x16xf32>
      tpu.vector_store %arg8[%swap3A_63, %swap3A_64], %swap3A_67 {strides = array<i32>} : memref<128x128xf32, #tpu.memory_space<vmem>>, vector<1x16xf32>,
      %broadcast_in_dim3A_68 = arith.constant 0.000000e+00 : f32
      %broadcast_in_dim3A_69 = vector.broadcast %broadcast_in_dim3A_68 : f32 to vector<16xf32>
      %swap3A_70 = arith.index_cast %scan3A_40 : i32 to index
      %swap3A_71 = arith.constant 64 : index
      %swap3A_72 = tpu.vector_load %arg8[%swap3A_70, %swap3A_71] {strides = array<i32>} : memref<128x128xf32, #tpu.memory_space<vmem>>, vector<1x16xf32>,
      %swap3A_73 = vector.shape_cast %swap3A_72 : vector<1x16xf32> to vector<16xf32>
      %swap3A_74 = vector.shape_cast %broadcast_in_dim3A_69 : vector<16xf32> to vector<1x16xf32>
      tpu.vector_store %arg8[%swap3A_70, %swap3A_71], %swap3A_74 {strides = array<i32>} : memref<128x128xf32, #tpu.memory_space<vmem>>, vector<1x16xf32>,
      %broadcast_in_dim3A_75 = arith.constant 0.000000e+00 : f32
      %broadcast_in_dim3A_76 = vector.broadcast %broadcast_in_dim3A_75 : f32 to vector<16xf32>
      %swap3A_77 = arith.index_cast %scan3A_40 : i32 to index
      %swap3A_78 = arith.constant 80 : index
      %swap3A_79 = tpu.vector_load %arg8[%swap3A_77, %swap3A_78] {strides = array<i32>} : memref<128x128xf32, #tpu.memory_space<vmem>>, vector<1x16xf32>,
      %swap3A_80 = vector.shape_cast %swap3A_79 : vector<1x16xf32> to vector<16xf32>
      %swap3A_81 = vector.shape_cast %broadcast_in_dim3A_76 : vector<16xf32> to vector<1x16xf32>
      tpu.vector_store %arg8[%swap3A_77, %swap3A_78], %swap3A_81 {strides = array<i32>} : memref<128x128xf32, #tpu.memory_space<vmem>>, vector<1x16xf32>,
      %broadcast_in_dim3A_82 = arith.constant 0.000000e+00 : f32
      %broadcast_in_dim3A_83 = vector.broadcast %broadcast_in_dim3A_82 : f32 to vector<16xf32>
      %swap3A_84 = arith.index_cast %scan3A_40 : i32 to index
      %swap3A_85 = arith.constant 96 : index
      %swap3A_86 = tpu.vector_load %arg8[%swap3A_84, %swap3A_85] {strides = array<i32>} : memref<128x128xf32, #tpu.memory_space<vmem>>, vector<1x16xf32>,
      %swap3A_87 = vector.shape_cast %swap3A_86 : vector<1x16xf32> to vector<16xf32>
      %swap3A_88 = vector.shape_cast %broadcast_in_dim3A_83 : vector<16xf32> to vector<1x16xf32>
      tpu.vector_store %arg8[%swap3A_84, %swap3A_85], %swap3A_88 {strides = array<i32>} : memref<128x128xf32, #tpu.memory_space<vmem>>, vector<1x16xf32>,
      %broadcast_in_dim3A_89 = arith.constant 0.000000e+00 : f32
      %broadcast_in_dim3A_90 = vector.broadcast %broadcast_in_dim3A_89 : f32 to vector<16xf32>
      %swap3A_91 = arith.index_cast %scan3A_40 : i32 to index
      %swap3A_92 = arith.constant 112 : index
      %swap3A_93 = tpu.vector_load %arg8[%swap3A_91, %swap3A_92] {strides = array<i32>} : memref<128x128xf32, #tpu.memory_space<vmem>>, vector<1x16xf32>,
      %swap3A_94 = vector.shape_cast %swap3A_93 : vector<1x16xf32> to vector<16xf32>
      %swap3A_95 = vector.shape_cast %broadcast_in_dim3A_90 : vector<16xf32> to vector<1x16xf32>
      tpu.vector_store %arg8[%swap3A_91, %swap3A_92], %swap3A_95 {strides = array<i32>} : memref<128x128xf32, #tpu.memory_space<vmem>>, vector<1x16xf32>,
      %scan3A_96 = arith.constant 0 : i32
      scf.yield %scan3A_96 : i32
    }
    %scan3A_8 = arith.constant 128 : i32
    %dma_start3A = arith.constant 0 : i32
    %dma_start3A_9 = arith.constant 0 : i32
    %dma_start3A_10 = tpu.memref_slice %arg9[%dma_start3A, %dma_start3A_9] : memref<40x128xi32, #tpu.memory_space<vmem>> -> memref<1x128xi32, #tpu.memory_space<vmem>>
    %dma_start3A_11 = tpu.memref_squeeze %dma_start3A_10 : memref<1x128xi32, #tpu.memory_space<vmem>> -> memref<128xi32, #tpu.memory_space<vmem>>
    %dma_start3A_12 = arith.constant 0 : i32
    %dma_start3A_13 = arith.constant 0 : i32
    %dma_start3A_14 = tpu.memref_slice %arg2[%dma_start3A_12, %dma_start3A_13] : memref<10000x128xf32, #tpu.memory_space<hbm>> -> memref<10000x128xf32, #tpu.memory_space<hbm>>
    tpu.enqueue_indirect_dma source(%dma_start3A_14 : memref<10000x128xf32, #tpu.memory_space<hbm>>) target(%arg7 : memref<128x128xf32, #tpu.memory_space<vmem>>) offsets(%dma_start3A_11 : memref<128xi32, #tpu.memory_space<vmem>>) semaphore(%arg11 : memref<!tpu.dma_semaphore, #tpu.memory_space<semaphore_mem>>)
    %add3A_15 = arith.constant 0 : i32
    %add3A_16 = arith.addi %mul3A_0, %add3A_15 : i32
    "tpu.region"() ({
      %run_scoped3A = tpu.sem_alloc : memref<!tpu.dma_semaphore, #tpu.memory_space<semaphore_mem>>
      %dma_start3A_40 = arith.constant 0 : i32
      %dma_start3A_41 = arith.constant 0 : i32
      %dma_start3A_42 = tpu.memref_slice %arg8[%dma_start3A_40, %dma_start3A_41] : memref<128x128xf32, #tpu.memory_space<vmem>> -> memref<128x128xf32, #tpu.memory_space<vmem>>
      %dma_start3A_43 = arith.constant 0 : i32
      %dma_start3A_44 = tpu.memref_slice %arg6[%add3A_16, %dma_start3A_43] : memref<10112x128xf32, #tpu.memory_space<vmem_shared>> -> memref<128x128xf32, #tpu.memory_space<vmem_shared>>
      %dma_start3A_45 = arith.constant 0 : i32
      %dma_start3A_46 = tpu.memref_slice %arg6[%add3A_16, %dma_start3A_45] : memref<10112x128xf32, #tpu.memory_space<vmem_shared>> -> memref<128x128xf32, #tpu.memory_space<vmem_shared>>
      %dma_start3A_47 = arith.constant 0 : i32
      %dma_start3A_48 = arith.constant 0 : i32
      %dma_start3A_49 = tpu.memref_slice %arg8[%dma_start3A_47, %dma_start3A_48] : memref<128x128xf32, #tpu.memory_space<vmem>> -> memref<128x128xf32, #tpu.memory_space<vmem>>
      tpu.enqueue_dma source(%dma_start3A_49 : memref<128x128xf32, #tpu.memory_space<vmem>>) target(%dma_start3A_46 : memref<128x128xf32, #tpu.memory_space<vmem_shared>>) target_semaphore(%run_scoped3A : memref<!tpu.dma_semaphore, #tpu.memory_space<semaphore_mem>>)
      %dma_wait3A = arith.constant 0 : i32
      %dma_wait3A_50 = arith.constant 0 : i32
      %dma_wait3A_51 = tpu.memref_slice %arg8[%dma_wait3A, %dma_wait3A_50] : memref<128x128xf32, #tpu.memory_space<vmem>> -> memref<128x128xf32, #tpu.memory_space<vmem>>
      %dma_wait3A_52 = arith.constant 0 : i32
      %dma_wait3A_53 = tpu.memref_slice %arg6[%add3A_16, %dma_wait3A_52] : memref<10112x128xf32, #tpu.memory_space<vmem_shared>> -> memref<128x128xf32, #tpu.memory_space<vmem_shared>>
      %dma_wait3A_54 = arith.constant 0 : i32
      %dma_wait3A_55 = tpu.memref_slice %arg6[%add3A_16, %dma_wait3A_54] : memref<10112x128xf32, #tpu.memory_space<vmem_shared>> -> memref<128x128xf32, #tpu.memory_space<vmem_shared>>
      %dma_wait3A_56 = arith.constant 0 : i32
      %dma_wait3A_57 = arith.constant 0 : i32
      %dma_wait3A_58 = tpu.memref_slice %arg8[%dma_wait3A_56, %dma_wait3A_57] : memref<128x128xf32, #tpu.memory_space<vmem>> -> memref<128x128xf32, #tpu.memory_space<vmem>>
      tpu.wait_dma2 semaphore(%run_scoped3A : memref<!tpu.dma_semaphore, #tpu.memory_space<semaphore_mem>>) src(%dma_wait3A_58 : memref<128x128xf32, #tpu.memory_space<vmem>>) dst(%dma_wait3A_55 : memref<128x128xf32, #tpu.memory_space<vmem_shared>>)
      tpu.yield
    }) : () -> ()
    %add3A_17 = arith.constant 128 : i32
    %add3A_18 = arith.addi %mul3A_0, %add3A_17 : i32
    "tpu.region"() ({
      %run_scoped3A = tpu.sem_alloc : memref<!tpu.dma_semaphore, #tpu.memory_space<semaphore_mem>>
      %dma_start3A_40 = arith.constant 0 : i32
      %dma_start3A_41 = arith.constant 0 : i32
      %dma_start3A_42 = tpu.memref_slice %arg8[%dma_start3A_40, %dma_start3A_41] : memref<128x128xf32, #tpu.memory_space<vmem>> -> memref<128x128xf32, #tpu.memory_space<vmem>>
      %dma_start3A_43 = arith.constant 0 : i32
      %dma_start3A_44 = tpu.memref_slice %arg6[%add3A_18, %dma_start3A_43] : memref<10112x128xf32, #tpu.memory_space<vmem_shared>> -> memref<128x128xf32, #tpu.memory_space<vmem_shared>>
      %dma_start3A_45 = arith.constant 0 : i32
      %dma_start3A_46 = tpu.memref_slice %arg6[%add3A_18, %dma_start3A_45] : memref<10112x128xf32, #tpu.memory_space<vmem_shared>> -> memref<128x128xf32, #tpu.memory_space<vmem_shared>>
      %dma_start3A_47 = arith.constant 0 : i32
      %dma_start3A_48 = arith.constant 0 : i32
      %dma_start3A_49 = tpu.memref_slice %arg8[%dma_start3A_47, %dma_start3A_48] : memref<128x128xf32, #tpu.memory_space<vmem>> -> memref<128x128xf32, #tpu.memory_space<vmem>>
      tpu.enqueue_dma source(%dma_start3A_49 : memref<128x128xf32, #tpu.memory_space<vmem>>) target(%dma_start3A_46 : memref<128x128xf32, #tpu.memory_space<vmem_shared>>) target_semaphore(%run_scoped3A : memref<!tpu.dma_semaphore, #tpu.memory_space<semaphore_mem>>)
      %dma_wait3A = arith.constant 0 : i32
      %dma_wait3A_50 = arith.constant 0 : i32
      %dma_wait3A_51 = tpu.memref_slice %arg8[%dma_wait3A, %dma_wait3A_50] : memref<128x128xf32, #tpu.memory_space<vmem>> -> memref<128x128xf32, #tpu.memory_space<vmem>>
      %dma_wait3A_52 = arith.constant 0 : i32
      %dma_wait3A_53 = tpu.memref_slice %arg6[%add3A_18, %dma_wait3A_52] : memref<10112x128xf32, #tpu.memory_space<vmem_shared>> -> memref<128x128xf32, #tpu.memory_space<vmem_shared>>
      %dma_wait3A_54 = arith.constant 0 : i32
      %dma_wait3A_55 = tpu.memref_slice %arg6[%add3A_18, %dma_wait3A_54] : memref<10112x128xf32, #tpu.memory_space<vmem_shared>> -> memref<128x128xf32, #tpu.memory_space<vmem_shared>>
      %dma_wait3A_56 = arith.constant 0 : i32
      %dma_wait3A_57 = arith.constant 0 : i32
      %dma_wait3A_58 = tpu.memref_slice %arg8[%dma_wait3A_56, %dma_wait3A_57] : memref<128x128xf32, #tpu.memory_space<vmem>> -> memref<128x128xf32, #tpu.memory_space<vmem>>
      tpu.wait_dma2 semaphore(%run_scoped3A : memref<!tpu.dma_semaphore, #tpu.memory_space<semaphore_mem>>) src(%dma_wait3A_58 : memref<128x128xf32, #tpu.memory_space<vmem>>) dst(%dma_wait3A_55 : memref<128x128xf32, #tpu.memory_space<vmem_shared>>)
      tpu.yield
    }) : () -> ()
    %add3A_19 = arith.constant 256 : i32
    %add3A_20 = arith.addi %mul3A_0, %add3A_19 : i32
    "tpu.region"() ({
      %run_scoped3A = tpu.sem_alloc : memref<!tpu.dma_semaphore, #tpu.memory_space<semaphore_mem>>
      %dma_start3A_40 = arith.constant 0 : i32
      %dma_start3A_41 = arith.constant 0 : i32
      %dma_start3A_42 = tpu.memref_slice %arg8[%dma_start3A_40, %dma_start3A_41] : memref<128x128xf32, #tpu.memory_space<vmem>> -> memref<128x128xf32, #tpu.memory_space<vmem>>
      %dma_start3A_43 = arith.constant 0 : i32
      %dma_start3A_44 = tpu.memref_slice %arg6[%add3A_20, %dma_start3A_43] : memref<10112x128xf32, #tpu.memory_space<vmem_shared>> -> memref<128x128xf32, #tpu.memory_space<vmem_shared>>
      %dma_start3A_45 = arith.constant 0 : i32
      %dma_start3A_46 = tpu.memref_slice %arg6[%add3A_20, %dma_start3A_45] : memref<10112x128xf32, #tpu.memory_space<vmem_shared>> -> memref<128x128xf32, #tpu.memory_space<vmem_shared>>
      %dma_start3A_47 = arith.constant 0 : i32
      %dma_start3A_48 = arith.constant 0 : i32
      %dma_start3A_49 = tpu.memref_slice %arg8[%dma_start3A_47, %dma_start3A_48] : memref<128x128xf32, #tpu.memory_space<vmem>> -> memref<128x128xf32, #tpu.memory_space<vmem>>
      tpu.enqueue_dma source(%dma_start3A_49 : memref<128x128xf32, #tpu.memory_space<vmem>>) target(%dma_start3A_46 : memref<128x128xf32, #tpu.memory_space<vmem_shared>>) target_semaphore(%run_scoped3A : memref<!tpu.dma_semaphore, #tpu.memory_space<semaphore_mem>>)
      %dma_wait3A = arith.constant 0 : i32
      %dma_wait3A_50 = arith.constant 0 : i32
      %dma_wait3A_51 = tpu.memref_slice %arg8[%dma_wait3A, %dma_wait3A_50] : memref<128x128xf32, #tpu.memory_space<vmem>> -> memref<128x128xf32, #tpu.memory_space<vmem>>
      %dma_wait3A_52 = arith.constant 0 : i32
      %dma_wait3A_53 = tpu.memref_slice %arg6[%add3A_20, %dma_wait3A_52] : memref<10112x128xf32, #tpu.memory_space<vmem_shared>> -> memref<128x128xf32, #tpu.memory_space<vmem_shared>>
      %dma_wait3A_54 = arith.constant 0 : i32
      %dma_wait3A_55 = tpu.memref_slice %arg6[%add3A_20, %dma_wait3A_54] : memref<10112x128xf32, #tpu.memory_space<vmem_shared>> -> memref<128x128xf32, #tpu.memory_space<vmem_shared>>
      %dma_wait3A_56 = arith.constant 0 : i32
      %dma_wait3A_57 = arith.constant 0 : i32
      %dma_wait3A_58 = tpu.memref_slice %arg8[%dma_wait3A_56, %dma_wait3A_57] : memref<128x128xf32, #tpu.memory_space<vmem>> -> memref<128x128xf32, #tpu.memory_space<vmem>>
      tpu.wait_dma2 semaphore(%run_scoped3A : memref<!tpu.dma_semaphore, #tpu.memory_space<semaphore_mem>>) src(%dma_wait3A_58 : memref<128x128xf32, #tpu.memory_space<vmem>>) dst(%dma_wait3A_55 : memref<128x128xf32, #tpu.memory_space<vmem_shared>>)
      tpu.yield
    }) : () -> ()
    %add3A_21 = arith.constant 384 : i32
    %add3A_22 = arith.addi %mul3A_0, %add3A_21 : i32
    "tpu.region"() ({
      %run_scoped3A = tpu.sem_alloc : memref<!tpu.dma_semaphore, #tpu.memory_space<semaphore_mem>>
      %dma_start3A_40 = arith.constant 0 : i32
      %dma_start3A_41 = arith.constant 0 : i32
      %dma_start3A_42 = tpu.memref_slice %arg8[%dma_start3A_40, %dma_start3A_41] : memref<128x128xf32, #tpu.memory_space<vmem>> -> memref<128x128xf32, #tpu.memory_space<vmem>>
      %dma_start3A_43 = arith.constant 0 : i32
      %dma_start3A_44 = tpu.memref_slice %arg6[%add3A_22, %dma_start3A_43] : memref<10112x128xf32, #tpu.memory_space<vmem_shared>> -> memref<128x128xf32, #tpu.memory_space<vmem_shared>>
      %dma_start3A_45 = arith.constant 0 : i32
      %dma_start3A_46 = tpu.memref_slice %arg6[%add3A_22, %dma_start3A_45] : memref<10112x128xf32, #tpu.memory_space<vmem_shared>> -> memref<128x128xf32, #tpu.memory_space<vmem_shared>>
      %dma_start3A_47 = arith.constant 0 : i32
      %dma_start3A_48 = arith.constant 0 : i32
      %dma_start3A_49 = tpu.memref_slice %arg8[%dma_start3A_47, %dma_start3A_48] : memref<128x128xf32, #tpu.memory_space<vmem>> -> memref<128x128xf32, #tpu.memory_space<vmem>>
      tpu.enqueue_dma source(%dma_start3A_49 : memref<128x128xf32, #tpu.memory_space<vmem>>) target(%dma_start3A_46 : memref<128x128xf32, #tpu.memory_space<vmem_shared>>) target_semaphore(%run_scoped3A : memref<!tpu.dma_semaphore, #tpu.memory_space<semaphore_mem>>)
      %dma_wait3A = arith.constant 0 : i32
      %dma_wait3A_50 = arith.constant 0 : i32
      %dma_wait3A_51 = tpu.memref_slice %arg8[%dma_wait3A, %dma_wait3A_50] : memref<128x128xf32, #tpu.memory_space<vmem>> -> memref<128x128xf32, #tpu.memory_space<vmem>>
      %dma_wait3A_52 = arith.constant 0 : i32
      %dma_wait3A_53 = tpu.memref_slice %arg6[%add3A_22, %dma_wait3A_52] : memref<10112x128xf32, #tpu.memory_space<vmem_shared>> -> memref<128x128xf32, #tpu.memory_space<vmem_shared>>
      %dma_wait3A_54 = arith.constant 0 : i32
      %dma_wait3A_55 = tpu.memref_slice %arg6[%add3A_22, %dma_wait3A_54] : memref<10112x128xf32, #tpu.memory_space<vmem_shared>> -> memref<128x128xf32, #tpu.memory_space<vmem_shared>>
      %dma_wait3A_56 = arith.constant 0 : i32
      %dma_wait3A_57 = arith.constant 0 : i32
      %dma_wait3A_58 = tpu.memref_slice %arg8[%dma_wait3A_56, %dma_wait3A_57] : memref<128x128xf32, #tpu.memory_space<vmem>> -> memref<128x128xf32, #tpu.memory_space<vmem>>
      tpu.wait_dma2 semaphore(%run_scoped3A : memref<!tpu.dma_semaphore, #tpu.memory_space<semaphore_mem>>) src(%dma_wait3A_58 : memref<128x128xf32, #tpu.memory_space<vmem>>) dst(%dma_wait3A_55 : memref<128x128xf32, #tpu.memory_space<vmem_shared>>)
      tpu.yield
    }) : () -> ()
    %add3A_23 = arith.constant 512 : i32
    %add3A_24 = arith.addi %mul3A_0, %add3A_23 : i32
    "tpu.region"() ({
      %run_scoped3A = tpu.sem_alloc : memref<!tpu.dma_semaphore, #tpu.memory_space<semaphore_mem>>
      %dma_start3A_40 = arith.constant 0 : i32
      %dma_start3A_41 = arith.constant 0 : i32
      %dma_start3A_42 = tpu.memref_slice %arg8[%dma_start3A_40, %dma_start3A_41] : memref<128x128xf32, #tpu.memory_space<vmem>> -> memref<120x128xf32, #tpu.memory_space<vmem>>
      %dma_start3A_43 = arith.constant 0 : i32
      %dma_start3A_44 = tpu.memref_slice %arg6[%add3A_24, %dma_start3A_43] : memref<10112x128xf32, #tpu.memory_space<vmem_shared>> -> memref<120x128xf32, #tpu.memory_space<vmem_shared>>
      %dma_start3A_45 = arith.constant 0 : i32
      %dma_start3A_46 = tpu.memref_slice %arg6[%add3A_24, %dma_start3A_45] : memref<10112x128xf32, #tpu.memory_space<vmem_shared>> -> memref<120x128xf32, #tpu.memory_space<vmem_shared>>
      %dma_start3A_47 = arith.constant 0 : i32
      %dma_start3A_48 = arith.constant 0 : i32
      %dma_start3A_49 = tpu.memref_slice %arg8[%dma_start3A_47, %dma_start3A_48] : memref<128x128xf32, #tpu.memory_space<vmem>> -> memref<120x128xf32, #tpu.memory_space<vmem>>
      tpu.enqueue_dma source(%dma_start3A_49 : memref<120x128xf32, #tpu.memory_space<vmem>>) target(%dma_start3A_46 : memref<120x128xf32, #tpu.memory_space<vmem_shared>>) target_semaphore(%run_scoped3A : memref<!tpu.dma_semaphore, #tpu.memory_space<semaphore_mem>>)
      %dma_wait3A = arith.constant 0 : i32
      %dma_wait3A_50 = arith.constant 0 : i32
      %dma_wait3A_51 = tpu.memref_slice %arg8[%dma_wait3A, %dma_wait3A_50] : memref<128x128xf32, #tpu.memory_space<vmem>> -> memref<120x128xf32, #tpu.memory_space<vmem>>
      %dma_wait3A_52 = arith.constant 0 : i32
      %dma_wait3A_53 = tpu.memref_slice %arg6[%add3A_24, %dma_wait3A_52] : memref<10112x128xf32, #tpu.memory_space<vmem_shared>> -> memref<120x128xf32, #tpu.memory_space<vmem_shared>>
      %dma_wait3A_54 = arith.constant 0 : i32
      %dma_wait3A_55 = tpu.memref_slice %arg6[%add3A_24, %dma_wait3A_54] : memref<10112x128xf32, #tpu.memory_space<vmem_shared>> -> memref<120x128xf32, #tpu.memory_space<vmem_shared>>
      %dma_wait3A_56 = arith.constant 0 : i32
      %dma_wait3A_57 = arith.constant 0 : i32
      %dma_wait3A_58 = tpu.memref_slice %arg8[%dma_wait3A_56, %dma_wait3A_57] : memref<128x128xf32, #tpu.memory_space<vmem>> -> memref<120x128xf32, #tpu.memory_space<vmem>>
      tpu.wait_dma2 semaphore(%run_scoped3A : memref<!tpu.dma_semaphore, #tpu.memory_space<semaphore_mem>>) src(%dma_wait3A_58 : memref<120x128xf32, #tpu.memory_space<vmem>>) dst(%dma_wait3A_55 : memref<120x128xf32, #tpu.memory_space<vmem_shared>>)
      tpu.yield
    }) : () -> ()
    %dma_start3A_25 = arith.constant 1 : i32
    %dma_start3A_26 = arith.constant 0 : i32
    %dma_start3A_27 = tpu.memref_slice %arg9[%dma_start3A_25, %dma_start3A_26] : memref<40x128xi32, #tpu.memory_space<vmem>> -> memref<1x128xi32, #tpu.memory_space<vmem>>
    %dma_start3A_28 = tpu.memref_squeeze %dma_start3A_27 : memref<1x128xi32, #tpu.memory_space<vmem>> -> memref<128xi32, #tpu.memory_space<vmem>>
    %dma_start3A_29 = arith.constant 0 : i32
    %dma_start3A_30 = arith.constant 0 : i32
    %dma_start3A_31 = tpu.memref_slice %arg2[%dma_start3A_29, %dma_start3A_30] : memref<10000x128xf32, #tpu.memory_space<hbm>> -> memref<10000x128xf32, #tpu.memory_space<hbm>>
    tpu.enqueue_indirect_dma source(%dma_start3A_31 : memref<10000x128xf32, #tpu.memory_space<hbm>>) target(%arg8 : memref<128x128xf32, #tpu.memory_space<vmem>>) offsets(%dma_start3A_28 : memref<128xi32, #tpu.memory_space<vmem>>) semaphore(%arg12 : memref<!tpu.dma_semaphore, #tpu.memory_space<semaphore_mem>>)
    %barrier3A = arith.constant 0 : index
    tpu.barrier barrier_id(%barrier3A)
    %scan3A_32 = arith.constant 0 : i32
    %scan3A_33 = arith.constant 0 : i32
    %scan3A_34 = arith.constant 20 : i32
    %scan3A_35 = arith.addi %scan3A_33, %scan3A_34 : i32
    %scan3A_36 = arith.constant 1 : i32
    %scan3A_37 = scf.for %scan3A_40 = %scan3A_33 to %scan3A_35 step %scan3A_36 iter_args(%scan3A_41 = %scan3A_32) -> (i32)  : i32 {
      %mul3A_42 = arith.constant 2 : i32
      %mul3A_43 = arith.muli %scan3A_40, %mul3A_42 : i32
      %add3A_44 = arith.constant 0 : i32
      %add3A_45 = arith.addi %mul3A_43, %add3A_44 : i32
      %dma_wait3A = arith.constant 0 : i32
      %dma_wait3A_46 = tpu.memref_slice %arg9[%add3A_45, %dma_wait3A] : memref<40x128xi32, #tpu.memory_space<vmem>> -> memref<1x128xi32, #tpu.memory_space<vmem>>
      %dma_wait3A_47 = tpu.memref_squeeze %dma_wait3A_46 : memref<1x128xi32, #tpu.memory_space<vmem>> -> memref<128xi32, #tpu.memory_space<vmem>>
      %dma_wait3A_48 = arith.constant 0 : i32
      %dma_wait3A_49 = arith.constant 0 : i32
      %dma_wait3A_50 = tpu.memref_slice %arg2[%dma_wait3A_48, %dma_wait3A_49] : memref<10000x128xf32, #tpu.memory_space<hbm>> -> memref<10000x128xf32, #tpu.memory_space<hbm>>
      tpu.wait_indirect_dma semaphore(%arg11 : memref<!tpu.dma_semaphore, #tpu.memory_space<semaphore_mem>>) src(%dma_wait3A_50 : memref<10000x128xf32, #tpu.memory_space<hbm>>) dst(%arg7 : memref<128x128xf32, #tpu.memory_space<vmem>>)
      %dma_start3A_51 = arith.constant 0 : i32
      %dma_start3A_52 = tpu.memref_slice %arg10[%add3A_45, %dma_start3A_51] : memref<40x128xi32, #tpu.memory_space<vmem>> -> memref<1x128xi32, #tpu.memory_space<vmem>>
      %dma_start3A_53 = tpu.memref_squeeze %dma_start3A_52 : memref<1x128xi32, #tpu.memory_space<vmem>> -> memref<128xi32, #tpu.memory_space<vmem>>
      %dma_start3A_54 = arith.constant 0 : i32
      %dma_start3A_55 = arith.constant 0 : i32
      %dma_start3A_56 = tpu.memref_slice %arg6[%dma_start3A_54, %dma_start3A_55] : memref<10112x128xf32, #tpu.memory_space<vmem_shared>> -> memref<10112x128xf32, #tpu.memory_space<vmem_shared>>
      tpu.enqueue_indirect_dma source(%arg7 : memref<128x128xf32, #tpu.memory_space<vmem>>) target(%dma_start3A_56 : memref<10112x128xf32, #tpu.memory_space<vmem_shared>>) offsets(%dma_start3A_53 : memref<128xi32, #tpu.memory_space<vmem>>) semaphore(%arg13 : memref<!tpu.dma_semaphore, #tpu.memory_space<semaphore_mem>>) {add = true}
      %mul3A_57 = arith.constant 2 : i32
      %mul3A_58 = arith.muli %scan3A_40, %mul3A_57 : i32
      %add3A_59 = arith.constant 1 : i32
      %add3A_60 = arith.addi %mul3A_58, %add3A_59 : i32
      %dma_wait3A_61 = arith.constant 0 : i32
      %dma_wait3A_62 = tpu.memref_slice %arg9[%add3A_60, %dma_wait3A_61] : memref<40x128xi32, #tpu.memory_space<vmem>> -> memref<1x128xi32, #tpu.memory_space<vmem>>
      %dma_wait3A_63 = tpu.memref_squeeze %dma_wait3A_62 : memref<1x128xi32, #tpu.memory_space<vmem>> -> memref<128xi32, #tpu.memory_space<vmem>>
      %dma_wait3A_64 = arith.constant 0 : i32
      %dma_wait3A_65 = arith.constant 0 : i32
      %dma_wait3A_66 = tpu.memref_slice %arg2[%dma_wait3A_64, %dma_wait3A_65] : memref<10000x128xf32, #tpu.memory_space<hbm>> -> memref<10000x128xf32, #tpu.memory_space<hbm>>
      tpu.wait_indirect_dma semaphore(%arg12 : memref<!tpu.dma_semaphore, #tpu.memory_space<semaphore_mem>>) src(%dma_wait3A_66 : memref<10000x128xf32, #tpu.memory_space<hbm>>) dst(%arg8 : memref<128x128xf32, #tpu.memory_space<vmem>>)
      %dma_start3A_67 = arith.constant 0 : i32
      %dma_start3A_68 = tpu.memref_slice %arg10[%add3A_60, %dma_start3A_67] : memref<40x128xi32, #tpu.memory_space<vmem>> -> memref<1x128xi32, #tpu.memory_space<vmem>>
      %dma_start3A_69 = tpu.memref_squeeze %dma_start3A_68 : memref<1x128xi32, #tpu.memory_space<vmem>> -> memref<128xi32, #tpu.memory_space<vmem>>
      %dma_start3A_70 = arith.constant 0 : i32
      %dma_start3A_71 = arith.constant 0 : i32
      %dma_start3A_72 = tpu.memref_slice %arg6[%dma_start3A_70, %dma_start3A_71] : memref<10112x128xf32, #tpu.memory_space<vmem_shared>> -> memref<10112x128xf32, #tpu.memory_space<vmem_shared>>
      tpu.enqueue_indirect_dma source(%arg8 : memref<128x128xf32, #tpu.memory_space<vmem>>) target(%dma_start3A_72 : memref<10112x128xf32, #tpu.memory_space<vmem_shared>>) offsets(%dma_start3A_69 : memref<128xi32, #tpu.memory_space<vmem>>) semaphore(%arg14 : memref<!tpu.dma_semaphore, #tpu.memory_space<semaphore_mem>>) {add = true}
      %mul3A_73 = arith.constant 2 : i32
      %mul3A_74 = arith.muli %scan3A_40, %mul3A_73 : i32
      %add3A_75 = arith.constant 0 : i32
      %add3A_76 = arith.addi %mul3A_74, %add3A_75 : i32
      %dma_wait3A_77 = arith.constant 0 : i32
      %dma_wait3A_78 = tpu.memref_slice %arg10[%add3A_76, %dma_wait3A_77] : memref<40x128xi32, #tpu.memory_space<vmem>> -> memref<1x128xi32, #tpu.memory_space<vmem>>
      %dma_wait3A_79 = tpu.memref_squeeze %dma_wait3A_78 : memref<1x128xi32, #tpu.memory_space<vmem>> -> memref<128xi32, #tpu.memory_space<vmem>>
      %dma_wait3A_80 = arith.constant 0 : i32
      %dma_wait3A_81 = arith.constant 0 : i32
      %dma_wait3A_82 = tpu.memref_slice %arg6[%dma_wait3A_80, %dma_wait3A_81] : memref<10112x128xf32, #tpu.memory_space<vmem_shared>> -> memref<10112x128xf32, #tpu.memory_space<vmem_shared>>
      tpu.wait_indirect_dma semaphore(%arg13 : memref<!tpu.dma_semaphore, #tpu.memory_space<semaphore_mem>>) src(%arg7 : memref<128x128xf32, #tpu.memory_space<vmem>>) dst(%dma_wait3A_82 : memref<10112x128xf32, #tpu.memory_space<vmem_shared>>)
      %add3A_83 = arith.constant 1 : i32
      %add3A_84 = arith.addi %scan3A_40, %add3A_83 : i32
      %lt3A = arith.constant 20 : i32
      %lt3A_85 = arith.cmpi slt, %add3A_84, %lt3A : i32
      %convert_element_type3A = arith.extui %lt3A_85 : i1 to i32
      %cond3A = arith.constant 0 : i32
      %cond3A_86 = arith.cmpi ne, %convert_element_type3A, %cond3A : i32
      scf.if %cond3A_86 {
        %add3A_105 = arith.constant 1 : i32
        %add3A_106 = arith.addi %scan3A_40, %add3A_105 : i32
        %mul3A_107 = arith.constant 2 : i32
        %mul3A_108 = arith.muli %add3A_106, %mul3A_107 : i32
        %add3A_109 = arith.constant 0 : i32
        %add3A_110 = arith.addi %mul3A_108, %add3A_109 : i32
        %dma_start3A_111 = arith.constant 0 : i32
        %dma_start3A_112 = tpu.memref_slice %arg9[%add3A_110, %dma_start3A_111] : memref<40x128xi32, #tpu.memory_space<vmem>> -> memref<1x128xi32, #tpu.memory_space<vmem>>
        %dma_start3A_113 = tpu.memref_squeeze %dma_start3A_112 : memref<1x128xi32, #tpu.memory_space<vmem>> -> memref<128xi32, #tpu.memory_space<vmem>>
        %dma_start3A_114 = arith.constant 0 : i32
        %dma_start3A_115 = arith.constant 0 : i32
        %dma_start3A_116 = tpu.memref_slice %arg2[%dma_start3A_114, %dma_start3A_115] : memref<10000x128xf32, #tpu.memory_space<hbm>> -> memref<10000x128xf32, #tpu.memory_space<hbm>>
        tpu.enqueue_indirect_dma source(%dma_start3A_116 : memref<10000x128xf32, #tpu.memory_space<hbm>>) target(%arg7 : memref<128x128xf32, #tpu.memory_space<vmem>>) offsets(%dma_start3A_113 : memref<128xi32, #tpu.memory_space<vmem>>) semaphore(%arg11 : memref<!tpu.dma_semaphore, #tpu.memory_space<semaphore_mem>>)
      } else {
      }
      %mul3A_87 = arith.constant 2 : i32
      %mul3A_88 = arith.muli %scan3A_40, %mul3A_87 : i32
      %add3A_89 = arith.constant 1 : i32
      %add3A_90 = arith.addi %mul3A_88, %add3A_89 : i32
      %dma_wait3A_91 = arith.constant 0 : i32
      %dma_wait3A_92 = tpu.memref_slice %arg10[%add3A_90, %dma_wait3A_91] : memref<40x128xi32, #tpu.memory_space<vmem>> -> memref<1x128xi32, #tpu.memory_space<vmem>>
      %dma_wait3A_93 = tpu.memref_squeeze %dma_wait3A_92 : memref<1x128xi32, #tpu.memory_space<vmem>> -> memref<128xi32, #tpu.memory_space<vmem>>
      %dma_wait3A_94 = arith.constant 0 : i32
      %dma_wait3A_95 = arith.constant 0 : i32
      %dma_wait3A_96 = tpu.memref_slice %arg6[%dma_wait3A_94, %dma_wait3A_95] : memref<10112x128xf32, #tpu.memory_space<vmem_shared>> -> memref<10112x128xf32, #tpu.memory_space<vmem_shared>>
      tpu.wait_indirect_dma semaphore(%arg14 : memref<!tpu.dma_semaphore, #tpu.memory_space<semaphore_mem>>) src(%arg8 : memref<128x128xf32, #tpu.memory_space<vmem>>) dst(%dma_wait3A_96 : memref<10112x128xf32, #tpu.memory_space<vmem_shared>>)
      %add3A_97 = arith.constant 1 : i32
      %add3A_98 = arith.addi %scan3A_40, %add3A_97 : i32
      %lt3A_99 = arith.constant 20 : i32
      %lt3A_100 = arith.cmpi slt, %add3A_98, %lt3A_99 : i32
      %convert_element_type3A_101 = arith.extui %lt3A_100 : i1 to i32
      %cond3A_102 = arith.constant 0 : i32
      %cond3A_103 = arith.cmpi ne, %convert_element_type3A_101, %cond3A_102 : i32
      scf.if %cond3A_103 {
        %add3A_105 = arith.constant 1 : i32
        %add3A_106 = arith.addi %scan3A_40, %add3A_105 : i32
        %mul3A_107 = arith.constant 2 : i32
        %mul3A_108 = arith.muli %add3A_106, %mul3A_107 : i32
        %add3A_109 = arith.constant 1 : i32
        %add3A_110 = arith.addi %mul3A_108, %add3A_109 : i32
        %dma_start3A_111 = arith.constant 0 : i32
        %dma_start3A_112 = tpu.memref_slice %arg9[%add3A_110, %dma_start3A_111] : memref<40x128xi32, #tpu.memory_space<vmem>> -> memref<1x128xi32, #tpu.memory_space<vmem>>
        %dma_start3A_113 = tpu.memref_squeeze %dma_start3A_112 : memref<1x128xi32, #tpu.memory_space<vmem>> -> memref<128xi32, #tpu.memory_space<vmem>>
        %dma_start3A_114 = arith.constant 0 : i32
        %dma_start3A_115 = arith.constant 0 : i32
        %dma_start3A_116 = tpu.memref_slice %arg2[%dma_start3A_114, %dma_start3A_115] : memref<10000x128xf32, #tpu.memory_space<hbm>> -> memref<10000x128xf32, #tpu.memory_space<hbm>>
        tpu.enqueue_indirect_dma source(%dma_start3A_116 : memref<10000x128xf32, #tpu.memory_space<hbm>>) target(%arg8 : memref<128x128xf32, #tpu.memory_space<vmem>>) offsets(%dma_start3A_113 : memref<128xi32, #tpu.memory_space<vmem>>) semaphore(%arg12 : memref<!tpu.dma_semaphore, #tpu.memory_space<semaphore_mem>>)
      } else {
      }
      %scan3A_104 = arith.constant 0 : i32
      scf.yield %scan3A_104 : i32
    }
    %scan3A_38 = arith.constant 20 : i32
    %barrier3A_39 = arith.constant 0 : index
    tpu.barrier barrier_id(%barrier3A_39)
    "tpu.region"() ({
      %run_scoped3A = tpu.sem_alloc : memref<!tpu.dma_semaphore, #tpu.memory_space<semaphore_mem>>
      %dma_start3A_40 = arith.constant 0 : i32
      %dma_start3A_41 = tpu.memref_slice %arg5[%arg0, %mul3A_0, %dma_start3A_40] : memref<2x10112x128xf32, #tpu.memory_space<hbm>> -> memref<1x632x128xf32, #tpu.memory_space<hbm>>
      %dma_start3A_42 = tpu.memref_squeeze %dma_start3A_41 : memref<1x632x128xf32, #tpu.memory_space<hbm>> -> memref<632x128xf32, #tpu.memory_space<hbm>>
      %dma_start3A_43 = arith.constant 0 : i32
      %dma_start3A_44 = tpu.memref_slice %arg6[%mul3A_0, %dma_start3A_43] : memref<10112x128xf32, #tpu.memory_space<vmem_shared>> -> memref<632x128xf32, #tpu.memory_space<vmem_shared>>
      tpu.enqueue_dma source(%dma_start3A_44 : memref<632x128xf32, #tpu.memory_space<vmem_shared>>) target(%dma_start3A_42 : memref<632x128xf32, #tpu.memory_space<hbm>>) target_semaphore(%run_scoped3A : memref<!tpu.dma_semaphore, #tpu.memory_space<semaphore_mem>>)
      %dma_wait3A = arith.constant 0 : i32
      %dma_wait3A_45 = tpu.memref_slice %arg5[%arg0, %mul3A_0, %dma_wait3A] : memref<2x10112x128xf32, #tpu.memory_space<hbm>> -> memref<1x632x128xf32, #tpu.memory_space<hbm>>
      %dma_wait3A_46 = tpu.memref_squeeze %dma_wait3A_45 : memref<1x632x128xf32, #tpu.memory_space<hbm>> -> memref<632x128xf32, #tpu.memory_space<hbm>>
      %dma_wait3A_47 = arith.constant 0 : i32
      %dma_wait3A_48 = tpu.memref_slice %arg6[%mul3A_0, %dma_wait3A_47] : memref<10112x128xf32, #tpu.memory_space<vmem_shared>> -> memref<632x128xf32, #tpu.memory_space<vmem_shared>>
      tpu.wait_dma2 semaphore(%run_scoped3A : memref<!tpu.dma_semaphore, #tpu.memory_space<semaphore_mem>>) src(%dma_wait3A_48 : memref<632x128xf32, #tpu.memory_space<vmem_shared>>) dst(%dma_wait3A_46 : memref<632x128xf32, #tpu.memory_space<hbm>>)
      tpu.yield
    }) : () -> ()
    return
  }
}

#map = affine_map<(d0, d1) -> (0, 0)>
#map1 = affine_map<(d0, d1) -> (0, 0, 0)>
module attributes {stable_mosaic.version = 14 : i64} {
  func.func @_prop_body(%arg0: i32, %arg1: i32, %arg2: memref<10000x128xf32, #tpu.memory_space<hbm>>, %arg3: memref<32x40x128xi32, #tpu.memory_space<hbm>>, %arg4: memref<32x40x128xi32, #tpu.memory_space<hbm>>, %arg5: memref<2x10112x128xf32, #tpu.memory_space<hbm>>, %arg6: memref<10112x128xf32, #tpu.memory_space<vmem_shared>>, %arg7: memref<128x128xf32, #tpu.memory_space<vmem>>, %arg8: memref<128x128xf32, #tpu.memory_space<vmem>>, %arg9: memref<40x128xi32, #tpu.memory_space<vmem>>, %arg10: memref<40x128xi32, #tpu.memory_space<vmem>>, %arg11: memref<!tpu.dma_semaphore, #tpu.memory_space<semaphore_mem>>, %arg12: memref<!tpu.dma_semaphore, #tpu.memory_space<semaphore_mem>>, %arg13: memref<!tpu.dma_semaphore, #tpu.memory_space<semaphore_mem>>, %arg14: memref<!tpu.dma_semaphore, #tpu.memory_space<semaphore_mem>>) attributes {dimension_semantics = [#tpu.dimension_semantics<core_parallel>, #tpu.dimension_semantics<subcore_parallel>], iteration_bounds = array<i64: 2, 16>, scalar_prefetch = 0 : i64, scratch_operands = 9 : i64, tpu.core_type = #tpu.core_type<sc_vector_subcore>, window_params = [{transform_indices = #map}, {transform_indices = #map1}, {transform_indices = #map1}, {transform_indices = #map1}]} {
    %mul3A = arith.constant 632 : i32
    %mul3A_0 = arith.muli %arg1, %mul3A : i32
    %mul3A_1 = arith.constant 16 : i32
    %mul3A_2 = arith.muli %arg0, %mul3A_1 : i32
    %add3A = arith.addi %mul3A_2, %arg1 : i32
    "tpu.region"() ({
      %run_scoped3A = tpu.sem_alloc : memref<!tpu.dma_semaphore, #tpu.memory_space<semaphore_mem>>
      %dma_start3A_40 = arith.constant 0 : i32
      %dma_start3A_41 = arith.constant 0 : i32
      %dma_start3A_42 = tpu.memref_slice %arg3[%add3A, %dma_start3A_40, %dma_start3A_41] : memref<32x40x128xi32, #tpu.memory_space<hbm>> -> memref<1x40x128xi32, #tpu.memory_space<hbm>>
      %dma_start3A_43 = tpu.memref_squeeze %dma_start3A_42 : memref<1x40x128xi32, #tpu.memory_space<hbm>> -> memref<40x128xi32, #tpu.memory_space<hbm>>
      %dma_start3A_44 = arith.constant 0 : i32
      %dma_start3A_45 = arith.constant 0 : i32
      %dma_start3A_46 = tpu.memref_slice %arg3[%add3A, %dma_start3A_44, %dma_start3A_45] : memref<32x40x128xi32, #tpu.memory_space<hbm>> -> memref<1x40x128xi32, #tpu.memory_space<hbm>>
      %dma_start3A_47 = tpu.memref_squeeze %dma_start3A_46 : memref<1x40x128xi32, #tpu.memory_space<hbm>> -> memref<40x128xi32, #tpu.memory_space<hbm>>
      tpu.enqueue_dma source(%dma_start3A_47 : memref<40x128xi32, #tpu.memory_space<hbm>>) target(%arg9 : memref<40x128xi32, #tpu.memory_space<vmem>>) target_semaphore(%run_scoped3A : memref<!tpu.dma_semaphore, #tpu.memory_space<semaphore_mem>>)
      %dma_wait3A = arith.constant 0 : i32
      %dma_wait3A_48 = arith.constant 0 : i32
      %dma_wait3A_49 = tpu.memref_slice %arg3[%add3A, %dma_wait3A, %dma_wait3A_48] : memref<32x40x128xi32, #tpu.memory_space<hbm>> -> memref<1x40x128xi32, #tpu.memory_space<hbm>>
      %dma_wait3A_50 = tpu.memref_squeeze %dma_wait3A_49 : memref<1x40x128xi32, #tpu.memory_space<hbm>> -> memref<40x128xi32, #tpu.memory_space<hbm>>
      %dma_wait3A_51 = arith.constant 0 : i32
      %dma_wait3A_52 = arith.constant 0 : i32
      %dma_wait3A_53 = tpu.memref_slice %arg3[%add3A, %dma_wait3A_51, %dma_wait3A_52] : memref<32x40x128xi32, #tpu.memory_space<hbm>> -> memref<1x40x128xi32, #tpu.memory_space<hbm>>
      %dma_wait3A_54 = tpu.memref_squeeze %dma_wait3A_53 : memref<1x40x128xi32, #tpu.memory_space<hbm>> -> memref<40x128xi32, #tpu.memory_space<hbm>>
      tpu.wait_dma2 semaphore(%run_scoped3A : memref<!tpu.dma_semaphore, #tpu.memory_space<semaphore_mem>>) src(%dma_wait3A_54 : memref<40x128xi32, #tpu.memory_space<hbm>>) dst(%arg9 : memref<40x128xi32, #tpu.memory_space<vmem>>)
      tpu.yield
    }) : () -> ()
    "tpu.region"() ({
      %run_scoped3A = tpu.sem_alloc : memref<!tpu.dma_semaphore, #tpu.memory_space<semaphore_mem>>
      %dma_start3A_40 = arith.constant 0 : i32
      %dma_start3A_41 = arith.constant 0 : i32
      %dma_start3A_42 = tpu.memref_slice %arg4[%add3A, %dma_start3A_40, %dma_start3A_41] : memref<32x40x128xi32, #tpu.memory_space<hbm>> -> memref<1x40x128xi32, #tpu.memory_space<hbm>>
      %dma_start3A_43 = tpu.memref_squeeze %dma_start3A_42 : memref<1x40x128xi32, #tpu.memory_space<hbm>> -> memref<40x128xi32, #tpu.memory_space<hbm>>
      %dma_start3A_44 = arith.constant 0 : i32
      %dma_start3A_45 = arith.constant 0 : i32
      %dma_start3A_46 = tpu.memref_slice %arg4[%add3A, %dma_start3A_44, %dma_start3A_45] : memref<32x40x128xi32, #tpu.memory_space<hbm>> -> memref<1x40x128xi32, #tpu.memory_space<hbm>>
      %dma_start3A_47 = tpu.memref_squeeze %dma_start3A_46 : memref<1x40x128xi32, #tpu.memory_space<hbm>> -> memref<40x128xi32, #tpu.memory_space<hbm>>
      tpu.enqueue_dma source(%dma_start3A_47 : memref<40x128xi32, #tpu.memory_space<hbm>>) target(%arg10 : memref<40x128xi32, #tpu.memory_space<vmem>>) target_semaphore(%run_scoped3A : memref<!tpu.dma_semaphore, #tpu.memory_space<semaphore_mem>>)
      %dma_wait3A = arith.constant 0 : i32
      %dma_wait3A_48 = arith.constant 0 : i32
      %dma_wait3A_49 = tpu.memref_slice %arg4[%add3A, %dma_wait3A, %dma_wait3A_48] : memref<32x40x128xi32, #tpu.memory_space<hbm>> -> memref<1x40x128xi32, #tpu.memory_space<hbm>>
      %dma_wait3A_50 = tpu.memref_squeeze %dma_wait3A_49 : memref<1x40x128xi32, #tpu.memory_space<hbm>> -> memref<40x128xi32, #tpu.memory_space<hbm>>
      %dma_wait3A_51 = arith.constant 0 : i32
      %dma_wait3A_52 = arith.constant 0 : i32
      %dma_wait3A_53 = tpu.memref_slice %arg4[%add3A, %dma_wait3A_51, %dma_wait3A_52] : memref<32x40x128xi32, #tpu.memory_space<hbm>> -> memref<1x40x128xi32, #tpu.memory_space<hbm>>
      %dma_wait3A_54 = tpu.memref_squeeze %dma_wait3A_53 : memref<1x40x128xi32, #tpu.memory_space<hbm>> -> memref<40x128xi32, #tpu.memory_space<hbm>>
      tpu.wait_dma2 semaphore(%run_scoped3A : memref<!tpu.dma_semaphore, #tpu.memory_space<semaphore_mem>>) src(%dma_wait3A_54 : memref<40x128xi32, #tpu.memory_space<hbm>>) dst(%arg10 : memref<40x128xi32, #tpu.memory_space<vmem>>)
      tpu.yield
    }) : () -> ()
    %scan3A = arith.constant 0 : i32
    %scan3A_3 = arith.constant 0 : i32
    %scan3A_4 = arith.constant 128 : i32
    %scan3A_5 = arith.addi %scan3A_3, %scan3A_4 : i32
    %scan3A_6 = arith.constant 1 : i32
    %scan3A_7 = scf.for %scan3A_40 = %scan3A_3 to %scan3A_5 step %scan3A_6 iter_args(%scan3A_41 = %scan3A) -> (i32)  : i32 {
      %broadcast_in_dim3A = arith.constant 0.000000e+00 : f32
      %broadcast_in_dim3A_42 = vector.broadcast %broadcast_in_dim3A : f32 to vector<16xf32>
      %swap3A = arith.index_cast %scan3A_40 : i32 to index
      %swap3A_43 = arith.constant 0 : index
      %swap3A_44 = tpu.vector_load %arg8[%swap3A, %swap3A_43] {strides = array<i32>} : memref<128x128xf32, #tpu.memory_space<vmem>>, vector<1x16xf32>,
      %swap3A_45 = vector.shape_cast %swap3A_44 : vector<1x16xf32> to vector<16xf32>
      %swap3A_46 = vector.shape_cast %broadcast_in_dim3A_42 : vector<16xf32> to vector<1x16xf32>
      tpu.vector_store %arg8[%swap3A, %swap3A_43], %swap3A_46 {strides = array<i32>} : memref<128x128xf32, #tpu.memory_space<vmem>>, vector<1x16xf32>,
      %broadcast_in_dim3A_47 = arith.constant 0.000000e+00 : f32
      %broadcast_in_dim3A_48 = vector.broadcast %broadcast_in_dim3A_47 : f32 to vector<16xf32>
      %swap3A_49 = arith.index_cast %scan3A_40 : i32 to index
      %swap3A_50 = arith.constant 16 : index
      %swap3A_51 = tpu.vector_load %arg8[%swap3A_49, %swap3A_50] {strides = array<i32>} : memref<128x128xf32, #tpu.memory_space<vmem>>, vector<1x16xf32>,
      %swap3A_52 = vector.shape_cast %swap3A_51 : vector<1x16xf32> to vector<16xf32>
      %swap3A_53 = vector.shape_cast %broadcast_in_dim3A_48 : vector<16xf32> to vector<1x16xf32>
      tpu.vector_store %arg8[%swap3A_49, %swap3A_50], %swap3A_53 {strides = array<i32>} : memref<128x128xf32, #tpu.memory_space<vmem>>, vector<1x16xf32>,
      %broadcast_in_dim3A_54 = arith.constant 0.000000e+00 : f32
      %broadcast_in_dim3A_55 = vector.broadcast %broadcast_in_dim3A_54 : f32 to vector<16xf32>
      %swap3A_56 = arith.index_cast %scan3A_40 : i32 to index
      %swap3A_57 = arith.constant 32 : index
      %swap3A_58 = tpu.vector_load %arg8[%swap3A_56, %swap3A_57] {strides = array<i32>} : memref<128x128xf32, #tpu.memory_space<vmem>>, vector<1x16xf32>,
      %swap3A_59 = vector.shape_cast %swap3A_58 : vector<1x16xf32> to vector<16xf32>
      %swap3A_60 = vector.shape_cast %broadcast_in_dim3A_55 : vector<16xf32> to vector<1x16xf32>
      tpu.vector_store %arg8[%swap3A_56, %swap3A_57], %swap3A_60 {strides = array<i32>} : memref<128x128xf32, #tpu.memory_space<vmem>>, vector<1x16xf32>,
      %broadcast_in_dim3A_61 = arith.constant 0.000000e+00 : f32
      %broadcast_in_dim3A_62 = vector.broadcast %broadcast_in_dim3A_61 : f32 to vector<16xf32>
      %swap3A_63 = arith.index_cast %scan3A_40 : i32 to index
      %swap3A_64 = arith.constant 48 : index
      %swap3A_65 = tpu.vector_load %arg8[%swap3A_63, %swap3A_64] {strides = array<i32>} : memref<128x128xf32, #tpu.memory_space<vmem>>, vector<1x16xf32>,
      %swap3A_66 = vector.shape_cast %swap3A_65 : vector<1x16xf32> to vector<16xf32>
      %swap3A_67 = vector.shape_cast %broadcast_in_dim3A_62 : vector<16xf32> to vector<1x16xf32>
      tpu.vector_store %arg8[%swap3A_63, %swap3A_64], %swap3A_67 {strides = array<i32>} : memref<128x128xf32, #tpu.memory_space<vmem>>, vector<1x16xf32>,
      %broadcast_in_dim3A_68 = arith.constant 0.000000e+00 : f32
      %broadcast_in_dim3A_69 = vector.broadcast %broadcast_in_dim3A_68 : f32 to vector<16xf32>
      %swap3A_70 = arith.index_cast %scan3A_40 : i32 to index
      %swap3A_71 = arith.constant 64 : index
      %swap3A_72 = tpu.vector_load %arg8[%swap3A_70, %swap3A_71] {strides = array<i32>} : memref<128x128xf32, #tpu.memory_space<vmem>>, vector<1x16xf32>,
      %swap3A_73 = vector.shape_cast %swap3A_72 : vector<1x16xf32> to vector<16xf32>
      %swap3A_74 = vector.shape_cast %broadcast_in_dim3A_69 : vector<16xf32> to vector<1x16xf32>
      tpu.vector_store %arg8[%swap3A_70, %swap3A_71], %swap3A_74 {strides = array<i32>} : memref<128x128xf32, #tpu.memory_space<vmem>>, vector<1x16xf32>,
      %broadcast_in_dim3A_75 = arith.constant 0.000000e+00 : f32
      %broadcast_in_dim3A_76 = vector.broadcast %broadcast_in_dim3A_75 : f32 to vector<16xf32>
      %swap3A_77 = arith.index_cast %scan3A_40 : i32 to index
      %swap3A_78 = arith.constant 80 : index
      %swap3A_79 = tpu.vector_load %arg8[%swap3A_77, %swap3A_78] {strides = array<i32>} : memref<128x128xf32, #tpu.memory_space<vmem>>, vector<1x16xf32>,
      %swap3A_80 = vector.shape_cast %swap3A_79 : vector<1x16xf32> to vector<16xf32>
      %swap3A_81 = vector.shape_cast %broadcast_in_dim3A_76 : vector<16xf32> to vector<1x16xf32>
      tpu.vector_store %arg8[%swap3A_77, %swap3A_78], %swap3A_81 {strides = array<i32>} : memref<128x128xf32, #tpu.memory_space<vmem>>, vector<1x16xf32>,
      %broadcast_in_dim3A_82 = arith.constant 0.000000e+00 : f32
      %broadcast_in_dim3A_83 = vector.broadcast %broadcast_in_dim3A_82 : f32 to vector<16xf32>
      %swap3A_84 = arith.index_cast %scan3A_40 : i32 to index
      %swap3A_85 = arith.constant 96 : index
      %swap3A_86 = tpu.vector_load %arg8[%swap3A_84, %swap3A_85] {strides = array<i32>} : memref<128x128xf32, #tpu.memory_space<vmem>>, vector<1x16xf32>,
      %swap3A_87 = vector.shape_cast %swap3A_86 : vector<1x16xf32> to vector<16xf32>
      %swap3A_88 = vector.shape_cast %broadcast_in_dim3A_83 : vector<16xf32> to vector<1x16xf32>
      tpu.vector_store %arg8[%swap3A_84, %swap3A_85], %swap3A_88 {strides = array<i32>} : memref<128x128xf32, #tpu.memory_space<vmem>>, vector<1x16xf32>,
      %broadcast_in_dim3A_89 = arith.constant 0.000000e+00 : f32
      %broadcast_in_dim3A_90 = vector.broadcast %broadcast_in_dim3A_89 : f32 to vector<16xf32>
      %swap3A_91 = arith.index_cast %scan3A_40 : i32 to index
      %swap3A_92 = arith.constant 112 : index
      %swap3A_93 = tpu.vector_load %arg8[%swap3A_91, %swap3A_92] {strides = array<i32>} : memref<128x128xf32, #tpu.memory_space<vmem>>, vector<1x16xf32>,
      %swap3A_94 = vector.shape_cast %swap3A_93 : vector<1x16xf32> to vector<16xf32>
      %swap3A_95 = vector.shape_cast %broadcast_in_dim3A_90 : vector<16xf32> to vector<1x16xf32>
      tpu.vector_store %arg8[%swap3A_91, %swap3A_92], %swap3A_95 {strides = array<i32>} : memref<128x128xf32, #tpu.memory_space<vmem>>, vector<1x16xf32>,
      %scan3A_96 = arith.constant 0 : i32
      scf.yield %scan3A_96 : i32
    }
    %scan3A_8 = arith.constant 128 : i32
    %dma_start3A = arith.constant 0 : i32
    %dma_start3A_9 = arith.constant 0 : i32
    %dma_start3A_10 = tpu.memref_slice %arg9[%dma_start3A, %dma_start3A_9] : memref<40x128xi32, #tpu.memory_space<vmem>> -> memref<1x128xi32, #tpu.memory_space<vmem>>
    %dma_start3A_11 = tpu.memref_squeeze %dma_start3A_10 : memref<1x128xi32, #tpu.memory_space<vmem>> -> memref<128xi32, #tpu.memory_space<vmem>>
    %dma_start3A_12 = arith.constant 0 : i32
    %dma_start3A_13 = arith.constant 0 : i32
    %dma_start3A_14 = tpu.memref_slice %arg2[%dma_start3A_12, %dma_start3A_13] : memref<10000x128xf32, #tpu.memory_space<hbm>> -> memref<10000x128xf32, #tpu.memory_space<hbm>>
    tpu.enqueue_indirect_dma source(%dma_start3A_14 : memref<10000x128xf32, #tpu.memory_space<hbm>>) target(%arg7 : memref<128x128xf32, #tpu.memory_space<vmem>>) offsets(%dma_start3A_11 : memref<128xi32, #tpu.memory_space<vmem>>) semaphore(%arg11 : memref<!tpu.dma_semaphore, #tpu.memory_space<semaphore_mem>>)
    %add3A_15 = arith.constant 0 : i32
    %add3A_16 = arith.addi %mul3A_0, %add3A_15 : i32
    "tpu.region"() ({
      %run_scoped3A = tpu.sem_alloc : memref<!tpu.dma_semaphore, #tpu.memory_space<semaphore_mem>>
      %dma_start3A_40 = arith.constant 0 : i32
      %dma_start3A_41 = arith.constant 0 : i32
      %dma_start3A_42 = tpu.memref_slice %arg8[%dma_start3A_40, %dma_start3A_41] : memref<128x128xf32, #tpu.memory_space<vmem>> -> memref<128x128xf32, #tpu.memory_space<vmem>>
      %dma_start3A_43 = arith.constant 0 : i32
      %dma_start3A_44 = tpu.memref_slice %arg6[%add3A_16, %dma_start3A_43] : memref<10112x128xf32, #tpu.memory_space<vmem_shared>> -> memref<128x128xf32, #tpu.memory_space<vmem_shared>>
      %dma_start3A_45 = arith.constant 0 : i32
      %dma_start3A_46 = tpu.memref_slice %arg6[%add3A_16, %dma_start3A_45] : memref<10112x128xf32, #tpu.memory_space<vmem_shared>> -> memref<128x128xf32, #tpu.memory_space<vmem_shared>>
      %dma_start3A_47 = arith.constant 0 : i32
      %dma_start3A_48 = arith.constant 0 : i32
      %dma_start3A_49 = tpu.memref_slice %arg8[%dma_start3A_47, %dma_start3A_48] : memref<128x128xf32, #tpu.memory_space<vmem>> -> memref<128x128xf32, #tpu.memory_space<vmem>>
      tpu.enqueue_dma source(%dma_start3A_49 : memref<128x128xf32, #tpu.memory_space<vmem>>) target(%dma_start3A_46 : memref<128x128xf32, #tpu.memory_space<vmem_shared>>) target_semaphore(%run_scoped3A : memref<!tpu.dma_semaphore, #tpu.memory_space<semaphore_mem>>)
      %dma_wait3A = arith.constant 0 : i32
      %dma_wait3A_50 = arith.constant 0 : i32
      %dma_wait3A_51 = tpu.memref_slice %arg8[%dma_wait3A, %dma_wait3A_50] : memref<128x128xf32, #tpu.memory_space<vmem>> -> memref<128x128xf32, #tpu.memory_space<vmem>>
      %dma_wait3A_52 = arith.constant 0 : i32
      %dma_wait3A_53 = tpu.memref_slice %arg6[%add3A_16, %dma_wait3A_52] : memref<10112x128xf32, #tpu.memory_space<vmem_shared>> -> memref<128x128xf32, #tpu.memory_space<vmem_shared>>
      %dma_wait3A_54 = arith.constant 0 : i32
      %dma_wait3A_55 = tpu.memref_slice %arg6[%add3A_16, %dma_wait3A_54] : memref<10112x128xf32, #tpu.memory_space<vmem_shared>> -> memref<128x128xf32, #tpu.memory_space<vmem_shared>>
      %dma_wait3A_56 = arith.constant 0 : i32
      %dma_wait3A_57 = arith.constant 0 : i32
      %dma_wait3A_58 = tpu.memref_slice %arg8[%dma_wait3A_56, %dma_wait3A_57] : memref<128x128xf32, #tpu.memory_space<vmem>> -> memref<128x128xf32, #tpu.memory_space<vmem>>
      tpu.wait_dma2 semaphore(%run_scoped3A : memref<!tpu.dma_semaphore, #tpu.memory_space<semaphore_mem>>) src(%dma_wait3A_58 : memref<128x128xf32, #tpu.memory_space<vmem>>) dst(%dma_wait3A_55 : memref<128x128xf32, #tpu.memory_space<vmem_shared>>)
      tpu.yield
    }) : () -> ()
    %add3A_17 = arith.constant 128 : i32
    %add3A_18 = arith.addi %mul3A_0, %add3A_17 : i32
    "tpu.region"() ({
      %run_scoped3A = tpu.sem_alloc : memref<!tpu.dma_semaphore, #tpu.memory_space<semaphore_mem>>
      %dma_start3A_40 = arith.constant 0 : i32
      %dma_start3A_41 = arith.constant 0 : i32
      %dma_start3A_42 = tpu.memref_slice %arg8[%dma_start3A_40, %dma_start3A_41] : memref<128x128xf32, #tpu.memory_space<vmem>> -> memref<128x128xf32, #tpu.memory_space<vmem>>
      %dma_start3A_43 = arith.constant 0 : i32
      %dma_start3A_44 = tpu.memref_slice %arg6[%add3A_18, %dma_start3A_43] : memref<10112x128xf32, #tpu.memory_space<vmem_shared>> -> memref<128x128xf32, #tpu.memory_space<vmem_shared>>
      %dma_start3A_45 = arith.constant 0 : i32
      %dma_start3A_46 = tpu.memref_slice %arg6[%add3A_18, %dma_start3A_45] : memref<10112x128xf32, #tpu.memory_space<vmem_shared>> -> memref<128x128xf32, #tpu.memory_space<vmem_shared>>
      %dma_start3A_47 = arith.constant 0 : i32
      %dma_start3A_48 = arith.constant 0 : i32
      %dma_start3A_49 = tpu.memref_slice %arg8[%dma_start3A_47, %dma_start3A_48] : memref<128x128xf32, #tpu.memory_space<vmem>> -> memref<128x128xf32, #tpu.memory_space<vmem>>
      tpu.enqueue_dma source(%dma_start3A_49 : memref<128x128xf32, #tpu.memory_space<vmem>>) target(%dma_start3A_46 : memref<128x128xf32, #tpu.memory_space<vmem_shared>>) target_semaphore(%run_scoped3A : memref<!tpu.dma_semaphore, #tpu.memory_space<semaphore_mem>>)
      %dma_wait3A = arith.constant 0 : i32
      %dma_wait3A_50 = arith.constant 0 : i32
      %dma_wait3A_51 = tpu.memref_slice %arg8[%dma_wait3A, %dma_wait3A_50] : memref<128x128xf32, #tpu.memory_space<vmem>> -> memref<128x128xf32, #tpu.memory_space<vmem>>
      %dma_wait3A_52 = arith.constant 0 : i32
      %dma_wait3A_53 = tpu.memref_slice %arg6[%add3A_18, %dma_wait3A_52] : memref<10112x128xf32, #tpu.memory_space<vmem_shared>> -> memref<128x128xf32, #tpu.memory_space<vmem_shared>>
      %dma_wait3A_54 = arith.constant 0 : i32
      %dma_wait3A_55 = tpu.memref_slice %arg6[%add3A_18, %dma_wait3A_54] : memref<10112x128xf32, #tpu.memory_space<vmem_shared>> -> memref<128x128xf32, #tpu.memory_space<vmem_shared>>
      %dma_wait3A_56 = arith.constant 0 : i32
      %dma_wait3A_57 = arith.constant 0 : i32
      %dma_wait3A_58 = tpu.memref_slice %arg8[%dma_wait3A_56, %dma_wait3A_57] : memref<128x128xf32, #tpu.memory_space<vmem>> -> memref<128x128xf32, #tpu.memory_space<vmem>>
      tpu.wait_dma2 semaphore(%run_scoped3A : memref<!tpu.dma_semaphore, #tpu.memory_space<semaphore_mem>>) src(%dma_wait3A_58 : memref<128x128xf32, #tpu.memory_space<vmem>>) dst(%dma_wait3A_55 : memref<128x128xf32, #tpu.memory_space<vmem_shared>>)
      tpu.yield
    }) : () -> ()
    %add3A_19 = arith.constant 256 : i32
    %add3A_20 = arith.addi %mul3A_0, %add3A_19 : i32
    "tpu.region"() ({
      %run_scoped3A = tpu.sem_alloc : memref<!tpu.dma_semaphore, #tpu.memory_space<semaphore_mem>>
      %dma_start3A_40 = arith.constant 0 : i32
      %dma_start3A_41 = arith.constant 0 : i32
      %dma_start3A_42 = tpu.memref_slice %arg8[%dma_start3A_40, %dma_start3A_41] : memref<128x128xf32, #tpu.memory_space<vmem>> -> memref<128x128xf32, #tpu.memory_space<vmem>>
      %dma_start3A_43 = arith.constant 0 : i32
      %dma_start3A_44 = tpu.memref_slice %arg6[%add3A_20, %dma_start3A_43] : memref<10112x128xf32, #tpu.memory_space<vmem_shared>> -> memref<128x128xf32, #tpu.memory_space<vmem_shared>>
      %dma_start3A_45 = arith.constant 0 : i32
      %dma_start3A_46 = tpu.memref_slice %arg6[%add3A_20, %dma_start3A_45] : memref<10112x128xf32, #tpu.memory_space<vmem_shared>> -> memref<128x128xf32, #tpu.memory_space<vmem_shared>>
      %dma_start3A_47 = arith.constant 0 : i32
      %dma_start3A_48 = arith.constant 0 : i32
      %dma_start3A_49 = tpu.memref_slice %arg8[%dma_start3A_47, %dma_start3A_48] : memref<128x128xf32, #tpu.memory_space<vmem>> -> memref<128x128xf32, #tpu.memory_space<vmem>>
      tpu.enqueue_dma source(%dma_start3A_49 : memref<128x128xf32, #tpu.memory_space<vmem>>) target(%dma_start3A_46 : memref<128x128xf32, #tpu.memory_space<vmem_shared>>) target_semaphore(%run_scoped3A : memref<!tpu.dma_semaphore, #tpu.memory_space<semaphore_mem>>)
      %dma_wait3A = arith.constant 0 : i32
      %dma_wait3A_50 = arith.constant 0 : i32
      %dma_wait3A_51 = tpu.memref_slice %arg8[%dma_wait3A, %dma_wait3A_50] : memref<128x128xf32, #tpu.memory_space<vmem>> -> memref<128x128xf32, #tpu.memory_space<vmem>>
      %dma_wait3A_52 = arith.constant 0 : i32
      %dma_wait3A_53 = tpu.memref_slice %arg6[%add3A_20, %dma_wait3A_52] : memref<10112x128xf32, #tpu.memory_space<vmem_shared>> -> memref<128x128xf32, #tpu.memory_space<vmem_shared>>
      %dma_wait3A_54 = arith.constant 0 : i32
      %dma_wait3A_55 = tpu.memref_slice %arg6[%add3A_20, %dma_wait3A_54] : memref<10112x128xf32, #tpu.memory_space<vmem_shared>> -> memref<128x128xf32, #tpu.memory_space<vmem_shared>>
      %dma_wait3A_56 = arith.constant 0 : i32
      %dma_wait3A_57 = arith.constant 0 : i32
      %dma_wait3A_58 = tpu.memref_slice %arg8[%dma_wait3A_56, %dma_wait3A_57] : memref<128x128xf32, #tpu.memory_space<vmem>> -> memref<128x128xf32, #tpu.memory_space<vmem>>
      tpu.wait_dma2 semaphore(%run_scoped3A : memref<!tpu.dma_semaphore, #tpu.memory_space<semaphore_mem>>) src(%dma_wait3A_58 : memref<128x128xf32, #tpu.memory_space<vmem>>) dst(%dma_wait3A_55 : memref<128x128xf32, #tpu.memory_space<vmem_shared>>)
      tpu.yield
    }) : () -> ()
    %add3A_21 = arith.constant 384 : i32
    %add3A_22 = arith.addi %mul3A_0, %add3A_21 : i32
    "tpu.region"() ({
      %run_scoped3A = tpu.sem_alloc : memref<!tpu.dma_semaphore, #tpu.memory_space<semaphore_mem>>
      %dma_start3A_40 = arith.constant 0 : i32
      %dma_start3A_41 = arith.constant 0 : i32
      %dma_start3A_42 = tpu.memref_slice %arg8[%dma_start3A_40, %dma_start3A_41] : memref<128x128xf32, #tpu.memory_space<vmem>> -> memref<128x128xf32, #tpu.memory_space<vmem>>
      %dma_start3A_43 = arith.constant 0 : i32
      %dma_start3A_44 = tpu.memref_slice %arg6[%add3A_22, %dma_start3A_43] : memref<10112x128xf32, #tpu.memory_space<vmem_shared>> -> memref<128x128xf32, #tpu.memory_space<vmem_shared>>
      %dma_start3A_45 = arith.constant 0 : i32
      %dma_start3A_46 = tpu.memref_slice %arg6[%add3A_22, %dma_start3A_45] : memref<10112x128xf32, #tpu.memory_space<vmem_shared>> -> memref<128x128xf32, #tpu.memory_space<vmem_shared>>
      %dma_start3A_47 = arith.constant 0 : i32
      %dma_start3A_48 = arith.constant 0 : i32
      %dma_start3A_49 = tpu.memref_slice %arg8[%dma_start3A_47, %dma_start3A_48] : memref<128x128xf32, #tpu.memory_space<vmem>> -> memref<128x128xf32, #tpu.memory_space<vmem>>
      tpu.enqueue_dma source(%dma_start3A_49 : memref<128x128xf32, #tpu.memory_space<vmem>>) target(%dma_start3A_46 : memref<128x128xf32, #tpu.memory_space<vmem_shared>>) target_semaphore(%run_scoped3A : memref<!tpu.dma_semaphore, #tpu.memory_space<semaphore_mem>>)
      %dma_wait3A = arith.constant 0 : i32
      %dma_wait3A_50 = arith.constant 0 : i32
      %dma_wait3A_51 = tpu.memref_slice %arg8[%dma_wait3A, %dma_wait3A_50] : memref<128x128xf32, #tpu.memory_space<vmem>> -> memref<128x128xf32, #tpu.memory_space<vmem>>
      %dma_wait3A_52 = arith.constant 0 : i32
      %dma_wait3A_53 = tpu.memref_slice %arg6[%add3A_22, %dma_wait3A_52] : memref<10112x128xf32, #tpu.memory_space<vmem_shared>> -> memref<128x128xf32, #tpu.memory_space<vmem_shared>>
      %dma_wait3A_54 = arith.constant 0 : i32
      %dma_wait3A_55 = tpu.memref_slice %arg6[%add3A_22, %dma_wait3A_54] : memref<10112x128xf32, #tpu.memory_space<vmem_shared>> -> memref<128x128xf32, #tpu.memory_space<vmem_shared>>
      %dma_wait3A_56 = arith.constant 0 : i32
      %dma_wait3A_57 = arith.constant 0 : i32
      %dma_wait3A_58 = tpu.memref_slice %arg8[%dma_wait3A_56, %dma_wait3A_57] : memref<128x128xf32, #tpu.memory_space<vmem>> -> memref<128x128xf32, #tpu.memory_space<vmem>>
      tpu.wait_dma2 semaphore(%run_scoped3A : memref<!tpu.dma_semaphore, #tpu.memory_space<semaphore_mem>>) src(%dma_wait3A_58 : memref<128x128xf32, #tpu.memory_space<vmem>>) dst(%dma_wait3A_55 : memref<128x128xf32, #tpu.memory_space<vmem_shared>>)
      tpu.yield
    }) : () -> ()
    %add3A_23 = arith.constant 512 : i32
    %add3A_24 = arith.addi %mul3A_0, %add3A_23 : i32
    "tpu.region"() ({
      %run_scoped3A = tpu.sem_alloc : memref<!tpu.dma_semaphore, #tpu.memory_space<semaphore_mem>>
      %dma_start3A_40 = arith.constant 0 : i32
      %dma_start3A_41 = arith.constant 0 : i32
      %dma_start3A_42 = tpu.memref_slice %arg8[%dma_start3A_40, %dma_start3A_41] : memref<128x128xf32, #tpu.memory_space<vmem>> -> memref<120x128xf32, #tpu.memory_space<vmem>>
      %dma_start3A_43 = arith.constant 0 : i32
      %dma_start3A_44 = tpu.memref_slice %arg6[%add3A_24, %dma_start3A_43] : memref<10112x128xf32, #tpu.memory_space<vmem_shared>> -> memref<120x128xf32, #tpu.memory_space<vmem_shared>>
      %dma_start3A_45 = arith.constant 0 : i32
      %dma_start3A_46 = tpu.memref_slice %arg6[%add3A_24, %dma_start3A_45] : memref<10112x128xf32, #tpu.memory_space<vmem_shared>> -> memref<120x128xf32, #tpu.memory_space<vmem_shared>>
      %dma_start3A_47 = arith.constant 0 : i32
      %dma_start3A_48 = arith.constant 0 : i32
      %dma_start3A_49 = tpu.memref_slice %arg8[%dma_start3A_47, %dma_start3A_48] : memref<128x128xf32, #tpu.memory_space<vmem>> -> memref<120x128xf32, #tpu.memory_space<vmem>>
      tpu.enqueue_dma source(%dma_start3A_49 : memref<120x128xf32, #tpu.memory_space<vmem>>) target(%dma_start3A_46 : memref<120x128xf32, #tpu.memory_space<vmem_shared>>) target_semaphore(%run_scoped3A : memref<!tpu.dma_semaphore, #tpu.memory_space<semaphore_mem>>)
      %dma_wait3A = arith.constant 0 : i32
      %dma_wait3A_50 = arith.constant 0 : i32
      %dma_wait3A_51 = tpu.memref_slice %arg8[%dma_wait3A, %dma_wait3A_50] : memref<128x128xf32, #tpu.memory_space<vmem>> -> memref<120x128xf32, #tpu.memory_space<vmem>>
      %dma_wait3A_52 = arith.constant 0 : i32
      %dma_wait3A_53 = tpu.memref_slice %arg6[%add3A_24, %dma_wait3A_52] : memref<10112x128xf32, #tpu.memory_space<vmem_shared>> -> memref<120x128xf32, #tpu.memory_space<vmem_shared>>
      %dma_wait3A_54 = arith.constant 0 : i32
      %dma_wait3A_55 = tpu.memref_slice %arg6[%add3A_24, %dma_wait3A_54] : memref<10112x128xf32, #tpu.memory_space<vmem_shared>> -> memref<120x128xf32, #tpu.memory_space<vmem_shared>>
      %dma_wait3A_56 = arith.constant 0 : i32
      %dma_wait3A_57 = arith.constant 0 : i32
      %dma_wait3A_58 = tpu.memref_slice %arg8[%dma_wait3A_56, %dma_wait3A_57] : memref<128x128xf32, #tpu.memory_space<vmem>> -> memref<120x128xf32, #tpu.memory_space<vmem>>
      tpu.wait_dma2 semaphore(%run_scoped3A : memref<!tpu.dma_semaphore, #tpu.memory_space<semaphore_mem>>) src(%dma_wait3A_58 : memref<120x128xf32, #tpu.memory_space<vmem>>) dst(%dma_wait3A_55 : memref<120x128xf32, #tpu.memory_space<vmem_shared>>)
      tpu.yield
    }) : () -> ()
    %dma_start3A_25 = arith.constant 1 : i32
    %dma_start3A_26 = arith.constant 0 : i32
    %dma_start3A_27 = tpu.memref_slice %arg9[%dma_start3A_25, %dma_start3A_26] : memref<40x128xi32, #tpu.memory_space<vmem>> -> memref<1x128xi32, #tpu.memory_space<vmem>>
    %dma_start3A_28 = tpu.memref_squeeze %dma_start3A_27 : memref<1x128xi32, #tpu.memory_space<vmem>> -> memref<128xi32, #tpu.memory_space<vmem>>
    %dma_start3A_29 = arith.constant 0 : i32
    %dma_start3A_30 = arith.constant 0 : i32
    %dma_start3A_31 = tpu.memref_slice %arg2[%dma_start3A_29, %dma_start3A_30] : memref<10000x128xf32, #tpu.memory_space<hbm>> -> memref<10000x128xf32, #tpu.memory_space<hbm>>
    tpu.enqueue_indirect_dma source(%dma_start3A_31 : memref<10000x128xf32, #tpu.memory_space<hbm>>) target(%arg8 : memref<128x128xf32, #tpu.memory_space<vmem>>) offsets(%dma_start3A_28 : memref<128xi32, #tpu.memory_space<vmem>>) semaphore(%arg12 : memref<!tpu.dma_semaphore, #tpu.memory_space<semaphore_mem>>)
    %barrier3A = arith.constant 0 : index
    tpu.barrier barrier_id(%barrier3A)
    %scan3A_32 = arith.constant 0 : i32
    %scan3A_33 = arith.constant 0 : i32
    %scan3A_34 = arith.constant 20 : i32
    %scan3A_35 = arith.addi %scan3A_33, %scan3A_34 : i32
    %scan3A_36 = arith.constant 1 : i32
    %scan3A_37 = scf.for %scan3A_40 = %scan3A_33 to %scan3A_35 step %scan3A_36 iter_args(%scan3A_41 = %scan3A_32) -> (i32)  : i32 {
      %mul3A_42 = arith.constant 2 : i32
      %mul3A_43 = arith.muli %scan3A_40, %mul3A_42 : i32
      %add3A_44 = arith.constant 0 : i32
      %add3A_45 = arith.addi %mul3A_43, %add3A_44 : i32
      %dma_wait3A = arith.constant 0 : i32
      %dma_wait3A_46 = tpu.memref_slice %arg9[%add3A_45, %dma_wait3A] : memref<40x128xi32, #tpu.memory_space<vmem>> -> memref<1x128xi32, #tpu.memory_space<vmem>>
      %dma_wait3A_47 = tpu.memref_squeeze %dma_wait3A_46 : memref<1x128xi32, #tpu.memory_space<vmem>> -> memref<128xi32, #tpu.memory_space<vmem>>
      %dma_wait3A_48 = arith.constant 0 : i32
      %dma_wait3A_49 = arith.constant 0 : i32
      %dma_wait3A_50 = tpu.memref_slice %arg2[%dma_wait3A_48, %dma_wait3A_49] : memref<10000x128xf32, #tpu.memory_space<hbm>> -> memref<10000x128xf32, #tpu.memory_space<hbm>>
      tpu.wait_indirect_dma semaphore(%arg11 : memref<!tpu.dma_semaphore, #tpu.memory_space<semaphore_mem>>) src(%dma_wait3A_50 : memref<10000x128xf32, #tpu.memory_space<hbm>>) dst(%arg7 : memref<128x128xf32, #tpu.memory_space<vmem>>)
      %dma_start3A_51 = arith.constant 0 : i32
      %dma_start3A_52 = tpu.memref_slice %arg10[%add3A_45, %dma_start3A_51] : memref<40x128xi32, #tpu.memory_space<vmem>> -> memref<1x128xi32, #tpu.memory_space<vmem>>
      %dma_start3A_53 = tpu.memref_squeeze %dma_start3A_52 : memref<1x128xi32, #tpu.memory_space<vmem>> -> memref<128xi32, #tpu.memory_space<vmem>>
      %dma_start3A_54 = arith.constant 0 : i32
      %dma_start3A_55 = arith.constant 0 : i32
      %dma_start3A_56 = tpu.memref_slice %arg6[%dma_start3A_54, %dma_start3A_55] : memref<10112x128xf32, #tpu.memory_space<vmem_shared>> -> memref<10112x128xf32, #tpu.memory_space<vmem_shared>>
      tpu.enqueue_indirect_dma source(%arg7 : memref<128x128xf32, #tpu.memory_space<vmem>>) target(%dma_start3A_56 : memref<10112x128xf32, #tpu.memory_space<vmem_shared>>) offsets(%dma_start3A_53 : memref<128xi32, #tpu.memory_space<vmem>>) semaphore(%arg13 : memref<!tpu.dma_semaphore, #tpu.memory_space<semaphore_mem>>) {add = true}
      %mul3A_57 = arith.constant 2 : i32
      %mul3A_58 = arith.muli %scan3A_40, %mul3A_57 : i32
      %add3A_59 = arith.constant 1 : i32
      %add3A_60 = arith.addi %mul3A_58, %add3A_59 : i32
      %dma_wait3A_61 = arith.constant 0 : i32
      %dma_wait3A_62 = tpu.memref_slice %arg9[%add3A_60, %dma_wait3A_61] : memref<40x128xi32, #tpu.memory_space<vmem>> -> memref<1x128xi32, #tpu.memory_space<vmem>>
      %dma_wait3A_63 = tpu.memref_squeeze %dma_wait3A_62 : memref<1x128xi32, #tpu.memory_space<vmem>> -> memref<128xi32, #tpu.memory_space<vmem>>
      %dma_wait3A_64 = arith.constant 0 : i32
      %dma_wait3A_65 = arith.constant 0 : i32
      %dma_wait3A_66 = tpu.memref_slice %arg2[%dma_wait3A_64, %dma_wait3A_65] : memref<10000x128xf32, #tpu.memory_space<hbm>> -> memref<10000x128xf32, #tpu.memory_space<hbm>>
      tpu.wait_indirect_dma semaphore(%arg12 : memref<!tpu.dma_semaphore, #tpu.memory_space<semaphore_mem>>) src(%dma_wait3A_66 : memref<10000x128xf32, #tpu.memory_space<hbm>>) dst(%arg8 : memref<128x128xf32, #tpu.memory_space<vmem>>)
      %dma_start3A_67 = arith.constant 0 : i32
      %dma_start3A_68 = tpu.memref_slice %arg10[%add3A_60, %dma_start3A_67] : memref<40x128xi32, #tpu.memory_space<vmem>> -> memref<1x128xi32, #tpu.memory_space<vmem>>
      %dma_start3A_69 = tpu.memref_squeeze %dma_start3A_68 : memref<1x128xi32, #tpu.memory_space<vmem>> -> memref<128xi32, #tpu.memory_space<vmem>>
      %dma_start3A_70 = arith.constant 0 : i32
      %dma_start3A_71 = arith.constant 0 : i32
      %dma_start3A_72 = tpu.memref_slice %arg6[%dma_start3A_70, %dma_start3A_71] : memref<10112x128xf32, #tpu.memory_space<vmem_shared>> -> memref<10112x128xf32, #tpu.memory_space<vmem_shared>>
      tpu.enqueue_indirect_dma source(%arg8 : memref<128x128xf32, #tpu.memory_space<vmem>>) target(%dma_start3A_72 : memref<10112x128xf32, #tpu.memory_space<vmem_shared>>) offsets(%dma_start3A_69 : memref<128xi32, #tpu.memory_space<vmem>>) semaphore(%arg14 : memref<!tpu.dma_semaphore, #tpu.memory_space<semaphore_mem>>) {add = true}
      %mul3A_73 = arith.constant 2 : i32
      %mul3A_74 = arith.muli %scan3A_40, %mul3A_73 : i32
      %add3A_75 = arith.constant 0 : i32
      %add3A_76 = arith.addi %mul3A_74, %add3A_75 : i32
      %dma_wait3A_77 = arith.constant 0 : i32
      %dma_wait3A_78 = tpu.memref_slice %arg10[%add3A_76, %dma_wait3A_77] : memref<40x128xi32, #tpu.memory_space<vmem>> -> memref<1x128xi32, #tpu.memory_space<vmem>>
      %dma_wait3A_79 = tpu.memref_squeeze %dma_wait3A_78 : memref<1x128xi32, #tpu.memory_space<vmem>> -> memref<128xi32, #tpu.memory_space<vmem>>
      %dma_wait3A_80 = arith.constant 0 : i32
      %dma_wait3A_81 = arith.constant 0 : i32
      %dma_wait3A_82 = tpu.memref_slice %arg6[%dma_wait3A_80, %dma_wait3A_81] : memref<10112x128xf32, #tpu.memory_space<vmem_shared>> -> memref<10112x128xf32, #tpu.memory_space<vmem_shared>>
      tpu.wait_indirect_dma semaphore(%arg13 : memref<!tpu.dma_semaphore, #tpu.memory_space<semaphore_mem>>) src(%arg7 : memref<128x128xf32, #tpu.memory_space<vmem>>) dst(%dma_wait3A_82 : memref<10112x128xf32, #tpu.memory_space<vmem_shared>>)
      %add3A_83 = arith.constant 1 : i32
      %add3A_84 = arith.addi %scan3A_40, %add3A_83 : i32
      %lt3A = arith.constant 20 : i32
      %lt3A_85 = arith.cmpi slt, %add3A_84, %lt3A : i32
      %convert_element_type3A = arith.extui %lt3A_85 : i1 to i32
      %cond3A = arith.constant 0 : i32
      %cond3A_86 = arith.cmpi ne, %convert_element_type3A, %cond3A : i32
      scf.if %cond3A_86 {
        %add3A_105 = arith.constant 1 : i32
        %add3A_106 = arith.addi %scan3A_40, %add3A_105 : i32
        %mul3A_107 = arith.constant 2 : i32
        %mul3A_108 = arith.muli %add3A_106, %mul3A_107 : i32
        %add3A_109 = arith.constant 0 : i32
        %add3A_110 = arith.addi %mul3A_108, %add3A_109 : i32
        %dma_start3A_111 = arith.constant 0 : i32
        %dma_start3A_112 = tpu.memref_slice %arg9[%add3A_110, %dma_start3A_111] : memref<40x128xi32, #tpu.memory_space<vmem>> -> memref<1x128xi32, #tpu.memory_space<vmem>>
        %dma_start3A_113 = tpu.memref_squeeze %dma_start3A_112 : memref<1x128xi32, #tpu.memory_space<vmem>> -> memref<128xi32, #tpu.memory_space<vmem>>
        %dma_start3A_114 = arith.constant 0 : i32
        %dma_start3A_115 = arith.constant 0 : i32
        %dma_start3A_116 = tpu.memref_slice %arg2[%dma_start3A_114, %dma_start3A_115] : memref<10000x128xf32, #tpu.memory_space<hbm>> -> memref<10000x128xf32, #tpu.memory_space<hbm>>
        tpu.enqueue_indirect_dma source(%dma_start3A_116 : memref<10000x128xf32, #tpu.memory_space<hbm>>) target(%arg7 : memref<128x128xf32, #tpu.memory_space<vmem>>) offsets(%dma_start3A_113 : memref<128xi32, #tpu.memory_space<vmem>>) semaphore(%arg11 : memref<!tpu.dma_semaphore, #tpu.memory_space<semaphore_mem>>)
      } else {
      }
      %mul3A_87 = arith.constant 2 : i32
      %mul3A_88 = arith.muli %scan3A_40, %mul3A_87 : i32
      %add3A_89 = arith.constant 1 : i32
      %add3A_90 = arith.addi %mul3A_88, %add3A_89 : i32
      %dma_wait3A_91 = arith.constant 0 : i32
      %dma_wait3A_92 = tpu.memref_slice %arg10[%add3A_90, %dma_wait3A_91] : memref<40x128xi32, #tpu.memory_space<vmem>> -> memref<1x128xi32, #tpu.memory_space<vmem>>
      %dma_wait3A_93 = tpu.memref_squeeze %dma_wait3A_92 : memref<1x128xi32, #tpu.memory_space<vmem>> -> memref<128xi32, #tpu.memory_space<vmem>>
      %dma_wait3A_94 = arith.constant 0 : i32
      %dma_wait3A_95 = arith.constant 0 : i32
      %dma_wait3A_96 = tpu.memref_slice %arg6[%dma_wait3A_94, %dma_wait3A_95] : memref<10112x128xf32, #tpu.memory_space<vmem_shared>> -> memref<10112x128xf32, #tpu.memory_space<vmem_shared>>
      tpu.wait_indirect_dma semaphore(%arg14 : memref<!tpu.dma_semaphore, #tpu.memory_space<semaphore_mem>>) src(%arg8 : memref<128x128xf32, #tpu.memory_space<vmem>>) dst(%dma_wait3A_96 : memref<10112x128xf32, #tpu.memory_space<vmem_shared>>)
      %add3A_97 = arith.constant 1 : i32
      %add3A_98 = arith.addi %scan3A_40, %add3A_97 : i32
      %lt3A_99 = arith.constant 20 : i32
      %lt3A_100 = arith.cmpi slt, %add3A_98, %lt3A_99 : i32
      %convert_element_type3A_101 = arith.extui %lt3A_100 : i1 to i32
      %cond3A_102 = arith.constant 0 : i32
      %cond3A_103 = arith.cmpi ne, %convert_element_type3A_101, %cond3A_102 : i32
      scf.if %cond3A_103 {
        %add3A_105 = arith.constant 1 : i32
        %add3A_106 = arith.addi %scan3A_40, %add3A_105 : i32
        %mul3A_107 = arith.constant 2 : i32
        %mul3A_108 = arith.muli %add3A_106, %mul3A_107 : i32
        %add3A_109 = arith.constant 1 : i32
        %add3A_110 = arith.addi %mul3A_108, %add3A_109 : i32
        %dma_start3A_111 = arith.constant 0 : i32
        %dma_start3A_112 = tpu.memref_slice %arg9[%add3A_110, %dma_start3A_111] : memref<40x128xi32, #tpu.memory_space<vmem>> -> memref<1x128xi32, #tpu.memory_space<vmem>>
        %dma_start3A_113 = tpu.memref_squeeze %dma_start3A_112 : memref<1x128xi32, #tpu.memory_space<vmem>> -> memref<128xi32, #tpu.memory_space<vmem>>
        %dma_start3A_114 = arith.constant 0 : i32
        %dma_start3A_115 = arith.constant 0 : i32
        %dma_start3A_116 = tpu.memref_slice %arg2[%dma_start3A_114, %dma_start3A_115] : memref<10000x128xf32, #tpu.memory_space<hbm>> -> memref<10000x128xf32, #tpu.memory_space<hbm>>
        tpu.enqueue_indirect_dma source(%dma_start3A_116 : memref<10000x128xf32, #tpu.memory_space<hbm>>) target(%arg8 : memref<128x128xf32, #tpu.memory_space<vmem>>) offsets(%dma_start3A_113 : memref<128xi32, #tpu.memory_space<vmem>>) semaphore(%arg12 : memref<!tpu.dma_semaphore, #tpu.memory_space<semaphore_mem>>)
      } else {
      }
      %scan3A_104 = arith.constant 0 : i32
      scf.yield %scan3A_104 : i32
    }
    %scan3A_38 = arith.constant 20 : i32
    %barrier3A_39 = arith.constant 0 : index
    tpu.barrier barrier_id(%barrier3A_39)
    "tpu.region"() ({
      %run_scoped3A = tpu.sem_alloc : memref<!tpu.dma_semaphore, #tpu.memory_space<semaphore_mem>>
      %dma_start3A_40 = arith.constant 0 : i32
      %dma_start3A_41 = tpu.memref_slice %arg5[%arg0, %mul3A_0, %dma_start3A_40] : memref<2x10112x128xf32, #tpu.memory_space<hbm>> -> memref<1x632x128xf32, #tpu.memory_space<hbm>>
      %dma_start3A_42 = tpu.memref_squeeze %dma_start3A_41 : memref<1x632x128xf32, #tpu.memory_space<hbm>> -> memref<632x128xf32, #tpu.memory_space<hbm>>
      %dma_start3A_43 = arith.constant 0 : i32
      %dma_start3A_44 = tpu.memref_slice %arg6[%mul3A_0, %dma_start3A_43] : memref<10112x128xf32, #tpu.memory_space<vmem_shared>> -> memref<632x128xf32, #tpu.memory_space<vmem_shared>>
      tpu.enqueue_dma source(%dma_start3A_44 : memref<632x128xf32, #tpu.memory_space<vmem_shared>>) target(%dma_start3A_42 : memref<632x128xf32, #tpu.memory_space<hbm>>) target_semaphore(%run_scoped3A : memref<!tpu.dma_semaphore, #tpu.memory_space<semaphore_mem>>)
      %dma_wait3A = arith.constant 0 : i32
      %dma_wait3A_45 = tpu.memref_slice %arg5[%arg0, %mul3A_0, %dma_wait3A] : memref<2x10112x128xf32, #tpu.memory_space<hbm>> -> memref<1x632x128xf32, #tpu.memory_space<hbm>>
      %dma_wait3A_46 = tpu.memref_squeeze %dma_wait3A_45 : memref<1x632x128xf32, #tpu.memory_space<hbm>> -> memref<632x128xf32, #tpu.memory_space<hbm>>
      %dma_wait3A_47 = arith.constant 0 : i32
      %dma_wait3A_48 = tpu.memref_slice %arg6[%mul3A_0, %dma_wait3A_47] : memref<10112x128xf32, #tpu.memory_space<vmem_shared>> -> memref<632x128xf32, #tpu.memory_space<vmem_shared>>
      tpu.wait_dma2 semaphore(%run_scoped3A : memref<!tpu.dma_semaphore, #tpu.memory_space<semaphore_mem>>) src(%dma_wait3A_48 : memref<632x128xf32, #tpu.memory_space<vmem_shared>>) dst(%dma_wait3A_46 : memref<632x128xf32, #tpu.memory_space<hbm>>)
      tpu.yield
    }) : () -> ()
    return
  }
}

module attributes {stable_mosaic.version = 14 : i64} {
  func.func @_mlp_kern(%arg0: i32, %arg1: memref<1000x256xf32, #tpu.memory_space<vmem>>, %arg2: memref<256x128xf32, #tpu.memory_space<vmem>>, %arg3: memref<128xf32, #tpu.memory_space<vmem>>, %arg4: memref<128xf32, #tpu.memory_space<vmem>>, %arg5: memref<128xf32, #tpu.memory_space<vmem>>, %arg6: memref<128x128xf32, #tpu.memory_space<vmem>>, %arg7: memref<128xf32, #tpu.memory_space<vmem>>, %arg8: memref<3xf32, #tpu.memory_space<smem>>, %arg9: memref<1000x128xf32, #tpu.memory_space<vmem>>, %arg10: memref<1000x128xf32, #tpu.memory_space<vmem>>) attributes {dimension_semantics = [#tpu.dimension_semantics<arbitrary>], iteration_bounds = array<i64: 10>, scalar_prefetch = 0 : i64, scratch_operands = 0 : i64, tpu.core_type = #tpu.core_type<tc>, window_params = [{transform_indices = @transform_0, window_bounds = array<i64: 1000, 256>}, {pipeline_mode = #tpu.pipeline_mode<synchronous>, transform_indices = @transform_1, window_bounds = array<i64: 256, 128>}, {pipeline_mode = #tpu.pipeline_mode<synchronous>, transform_indices = @transform_2, window_bounds = array<i64: 128>}, {pipeline_mode = #tpu.pipeline_mode<synchronous>, transform_indices = @transform_3, window_bounds = array<i64: 128>}, {pipeline_mode = #tpu.pipeline_mode<synchronous>, transform_indices = @transform_4, window_bounds = array<i64: 128>}, {pipeline_mode = #tpu.pipeline_mode<synchronous>, transform_indices = @transform_5, window_bounds = array<i64: 128, 128>}, {pipeline_mode = #tpu.pipeline_mode<synchronous>, transform_indices = @transform_6, window_bounds = array<i64: 128>}, {transform_indices = @transform_7, window_bounds = array<i64: 3>}, {transform_indices = @transform_8, window_bounds = array<i64: 1000, 128>}, {transform_indices = @transform_9, window_bounds = array<i64: 1000, 128>}]} {
    %get3A = arith.constant 0 : index
    %get3A_0 = arith.constant 0 : index
    %get3A_1 = vector.load %arg1[%get3A, %get3A_0] : memref<1000x256xf32, #tpu.memory_space<vmem>>, vector<1000x256xf32>
    %get3A_2 = arith.constant 0 : index
    %get3A_3 = arith.constant 0 : index
    %get3A_4 = vector.load %arg2[%get3A_2, %get3A_3] : memref<256x128xf32, #tpu.memory_space<vmem>>, vector<256x128xf32>
    %dot_general3A = arith.constant dense<0.000000e+00> : vector<1000x128xf32>
    %dot_general3A_5 = tpu.matmul %get3A_1, %get3A_4, %dot_general3A {dimension_numbers = #tpu.dot_dimension_numbers<[1], [0], [0], [1], [0, 0, 1, 1], [], []>, transpose_lhs_hint = false} : vector<1000x256xf32>, vector<256x128xf32>, vector<1000x128xf32> -> vector<1000x128xf32>
    %get3A_6 = arith.constant 0 : index
    %get3A_7 = vector.load %arg3[%get3A_6] : memref<128xf32, #tpu.memory_space<vmem>>, vector<128xf32>
    %broadcast_in_dim3A = vector.shape_cast %get3A_7 : vector<128xf32> to vector<1x128xf32>
    %add3A = vector.broadcast %broadcast_in_dim3A : vector<1x128xf32> to vector<1000x128xf32>
    %add3A_8 = arith.addf %dot_general3A_5, %add3A : vector<1000x128xf32>
    %mul3A = arith.constant 5.000000e-01 : f32
    %mul3A_9 = vector.broadcast %mul3A : f32 to vector<1000x128xf32>
    %mul3A_10 = arith.mulf %mul3A_9, %add3A_8 : vector<1000x128xf32>
    %mul3A_11 = arith.constant 0.707106769 : f32
    %mul3A_12 = vector.broadcast %mul3A_11 : f32 to vector<1000x128xf32>
    %mul3A_13 = arith.mulf %add3A_8, %mul3A_12 : vector<1000x128xf32>
    %erf3A = math.erf %mul3A_13 : vector<1000x128xf32>
    %add3A_14 = arith.constant 1.000000e+00 : f32
    %add3A_15 = vector.broadcast %add3A_14 : f32 to vector<1000x128xf32>
    %add3A_16 = arith.addf %add3A_15, %erf3A : vector<1000x128xf32>
    %mul3A_17 = arith.mulf %mul3A_10, %add3A_16 : vector<1000x128xf32>
    %reduce_sum3A = arith.constant dense<0.000000e+00> : vector<1000xf32>
    %reduce_sum3A_18 = vector.multi_reduction <add>, %mul3A_17, %reduce_sum3A [1] : vector<1000x128xf32> to vector<1000xf32>
    %broadcast_in_dim3A_19 = vector.shape_cast %reduce_sum3A_18 : vector<1000xf32> to vector<1000x1xf32>
    %div3A = arith.constant 1.280000e+02 : f32
    %div3A_20 = vector.broadcast %div3A : f32 to vector<1000x1xf32>
    %div3A_21 = arith.divf %broadcast_in_dim3A_19, %div3A_20 : vector<1000x1xf32>
    %sub3A = vector.broadcast %div3A_21 : vector<1000x1xf32> to vector<1000x128xf32>
    %sub3A_22 = arith.subf %mul3A_17, %sub3A : vector<1000x128xf32>
    %mul3A_23 = arith.mulf %sub3A_22, %sub3A_22 : vector<1000x128xf32>
    %reduce_sum3A_24 = arith.constant dense<0.000000e+00> : vector<1000xf32>
    %reduce_sum3A_25 = vector.multi_reduction <add>, %mul3A_23, %reduce_sum3A_24 [1] : vector<1000x128xf32> to vector<1000xf32>
    %broadcast_in_dim3A_26 = vector.shape_cast %reduce_sum3A_25 : vector<1000xf32> to vector<1000x1xf32>
    %div3A_27 = arith.constant 1.280000e+02 : f32
    %div3A_28 = vector.broadcast %div3A_27 : f32 to vector<1000x1xf32>
    %div3A_29 = arith.divf %broadcast_in_dim3A_26, %div3A_28 : vector<1000x1xf32>
    %add3A_30 = arith.constant 9.99999974E-6 : f32
    %add3A_31 = vector.broadcast %add3A_30 : f32 to vector<1000x1xf32>
    %add3A_32 = arith.addf %div3A_29, %add3A_31 : vector<1000x1xf32>
    %rsqrt3A = math.rsqrt %add3A_32 : vector<1000x1xf32>
    %mul3A_33 = vector.broadcast %rsqrt3A : vector<1000x1xf32> to vector<1000x128xf32>
    %mul3A_34 = arith.mulf %sub3A_22, %mul3A_33 : vector<1000x128xf32>
    %get3A_35 = arith.constant 0 : index
    %get3A_36 = vector.load %arg4[%get3A_35] : memref<128xf32, #tpu.memory_space<vmem>>, vector<128xf32>
    %broadcast_in_dim3A_37 = vector.shape_cast %get3A_36 : vector<128xf32> to vector<1x128xf32>
    %mul3A_38 = vector.broadcast %broadcast_in_dim3A_37 : vector<1x128xf32> to vector<1000x128xf32>
    %mul3A_39 = arith.mulf %mul3A_34, %mul3A_38 : vector<1000x128xf32>
    %get3A_40 = arith.constant 0 : index
    %get3A_41 = vector.load %arg5[%get3A_40] : memref<128xf32, #tpu.memory_space<vmem>>, vector<128xf32>
    %broadcast_in_dim3A_42 = vector.shape_cast %get3A_41 : vector<128xf32> to vector<1x128xf32>
    %add3A_43 = vector.broadcast %broadcast_in_dim3A_42 : vector<1x128xf32> to vector<1000x128xf32>
    %add3A_44 = arith.addf %mul3A_39, %add3A_43 : vector<1000x128xf32>
    %get3A_45 = arith.constant 0 : index
    %get3A_46 = arith.constant 0 : index
    %get3A_47 = vector.load %arg6[%get3A_45, %get3A_46] : memref<128x128xf32, #tpu.memory_space<vmem>>, vector<128x128xf32>
    %dot_general3A_48 = arith.constant dense<0.000000e+00> : vector<1000x128xf32>
    %dot_general3A_49 = tpu.matmul %add3A_44, %get3A_47, %dot_general3A_48 {dimension_numbers = #tpu.dot_dimension_numbers<[1], [0], [0], [1], [0, 0, 1, 1], [], []>, transpose_lhs_hint = false} : vector<1000x128xf32>, vector<128x128xf32>, vector<1000x128xf32> -> vector<1000x128xf32>
    %get3A_50 = arith.constant 0 : index
    %get3A_51 = vector.load %arg7[%get3A_50] : memref<128xf32, #tpu.memory_space<vmem>>, vector<128xf32>
    %broadcast_in_dim3A_52 = vector.shape_cast %get3A_51 : vector<128xf32> to vector<1x128xf32>
    %add3A_53 = vector.broadcast %broadcast_in_dim3A_52 : vector<1x128xf32> to vector<1000x128xf32>
    %add3A_54 = arith.addf %dot_general3A_49, %add3A_53 : vector<1000x128xf32>
    %swap3A = arith.constant 0 : index
    %swap3A_55 = arith.constant 0 : index
    %swap3A_56 = vector.load %arg9[%swap3A, %swap3A_55] : memref<1000x128xf32, #tpu.memory_space<vmem>>, vector<1000x128xf32>
    tpu.vector_store %arg9[%swap3A, %swap3A_55], %add3A_54 {strides = array<i32>} : memref<1000x128xf32, #tpu.memory_space<vmem>>, vector<1000x128xf32>,
    %get3A_57 = arith.constant 0 : index
    %get3A_58 = memref.load %arg8[%get3A_57] : memref<3xf32, #tpu.memory_space<smem>>
    %mul3A_59 = vector.broadcast %get3A_58 : f32 to vector<1000x128xf32>
    %mul3A_60 = arith.mulf %mul3A_59, %add3A_54 : vector<1000x128xf32>
    %swap3A_61 = arith.constant 0 : index
    %swap3A_62 = arith.constant 0 : index
    %swap3A_63 = vector.load %arg10[%swap3A_61, %swap3A_62] : memref<1000x128xf32, #tpu.memory_space<vmem>>, vector<1000x128xf32>
    tpu.vector_store %arg10[%swap3A_61, %swap3A_62], %mul3A_60 {strides = array<i32>} : memref<1000x128xf32, #tpu.memory_space<vmem>>, vector<1000x128xf32>,
    return
  }
  func.func @transform_0(%arg0: i32) -> (i32, i32) {
    %c0_i32 = arith.constant 0 : i32
    %c0_i32_0 = arith.constant 0 : i32
    return %arg0, %c0_i32 : i32, i32
  }
  func.func @transform_1(%arg0: i32) -> (i32, i32) {
    %c0_i32 = arith.constant 0 : i32
    %c0_i32_0 = arith.constant 0 : i32
    %c0_i32_1 = arith.constant 0 : i32
    return %c0_i32, %c0_i32_0 : i32, i32
  }
  func.func @transform_2(%arg0: i32) -> i32 {
    %c0_i32 = arith.constant 0 : i32
    %c0_i32_0 = arith.constant 0 : i32
    return %c0_i32 : i32
  }
  func.func @transform_3(%arg0: i32) -> i32 {
    %c0_i32 = arith.constant 0 : i32
    %c0_i32_0 = arith.constant 0 : i32
    return %c0_i32 : i32
  }
  func.func @transform_4(%arg0: i32) -> i32 {
    %c0_i32 = arith.constant 0 : i32
    %c0_i32_0 = arith.constant 0 : i32
    return %c0_i32 : i32
  }
  func.func @transform_5(%arg0: i32) -> (i32, i32) {
    %c0_i32 = arith.constant 0 : i32
    %c0_i32_0 = arith.constant 0 : i32
    %c0_i32_1 = arith.constant 0 : i32
    return %c0_i32, %c0_i32_0 : i32, i32
  }
  func.func @transform_6(%arg0: i32) -> i32 {
    %c0_i32 = arith.constant 0 : i32
    %c0_i32_0 = arith.constant 0 : i32
    return %c0_i32 : i32
  }
  func.func @transform_7(%arg0: i32) -> i32 {
    %c0_i32 = arith.constant 0 : i32
    %c0_i32_0 = arith.constant 0 : i32
    return %c0_i32 : i32
  }
  func.func @transform_8(%arg0: i32) -> (i32, i32) {
    %c0_i32 = arith.constant 0 : i32
    %c0_i32_0 = arith.constant 0 : i32
    return %arg0, %c0_i32 : i32, i32
  }
  func.func @transform_9(%arg0: i32) -> (i32, i32) {
    %c0_i32 = arith.constant 0 : i32
    %c0_i32_0 = arith.constant 0 : i32
    return %arg0, %c0_i32 : i32, i32
  }
}

module attributes {stable_mosaic.version = 14 : i64} {
  func.func @_scale_kern(%arg0: i32, %arg1: memref<1000x128xf32, #tpu.memory_space<vmem>>, %arg2: memref<2x1000x128xf32, #tpu.memory_space<vmem>>, %arg3: memref<1000x128xf32, #tpu.memory_space<vmem>>, %arg4: memref<1000x8xf32, #tpu.memory_space<vmem>>) attributes {dimension_semantics = [#tpu.dimension_semantics<arbitrary>], iteration_bounds = array<i64: 10>, scalar_prefetch = 0 : i64, scratch_operands = 0 : i64, tpu.core_type = #tpu.core_type<tc>, window_params = [{transform_indices = @transform_0, window_bounds = array<i64: 1000, 128>}, {transform_indices = @transform_1, window_bounds = array<i64: 2, 1000, 128>}, {transform_indices = @transform_2, window_bounds = array<i64: 1000, 128>}, {transform_indices = @transform_3, window_bounds = array<i64: 1000, 8>}]} {
    %get3A = arith.constant 0 : index
    %get3A_0 = arith.constant 0 : index
    %get3A_1 = arith.constant 0 : index
    %get3A_2 = vector.load %arg2[%get3A, %get3A_0, %get3A_1] : memref<2x1000x128xf32, #tpu.memory_space<vmem>>, vector<2x1000x128xf32>
    %slice3A = vector.extract_strided_slice %get3A_2 {offsets = [0, 0, 0], sizes = [1, 1000, 1], strides = [1, 1, 1]} : vector<2x1000x128xf32> to vector<1x1000x1xf32>
    %squeeze3A = vector.shape_cast %slice3A : vector<1x1000x1xf32> to vector<1000x1xf32>
    %slice3A_3 = vector.extract_strided_slice %get3A_2 {offsets = [1, 0, 0], sizes = [1, 1000, 1], strides = [1, 1, 1]} : vector<2x1000x128xf32> to vector<1x1000x1xf32>
    %squeeze3A_4 = vector.shape_cast %slice3A_3 : vector<1x1000x1xf32> to vector<1000x1xf32>
    %add3A = arith.addf %squeeze3A, %squeeze3A_4 : vector<1000x1xf32>
    %add3A_5 = arith.constant 1.000000e+00 : f32
    %add3A_6 = vector.broadcast %add3A_5 : f32 to vector<1000x1xf32>
    %add3A_7 = arith.addf %add3A, %add3A_6 : vector<1000x1xf32>
    %rsqrt3A = math.rsqrt %add3A_7 : vector<1000x1xf32>
    %get3A_8 = arith.constant 0 : index
    %get3A_9 = arith.constant 0 : index
    %get3A_10 = vector.load %arg1[%get3A_8, %get3A_9] : memref<1000x128xf32, #tpu.memory_space<vmem>>, vector<1000x128xf32>
    %mul3A = vector.broadcast %rsqrt3A : vector<1000x1xf32> to vector<1000x128xf32>
    %mul3A_11 = arith.mulf %get3A_10, %mul3A : vector<1000x128xf32>
    %swap3A = arith.constant 0 : index
    %swap3A_12 = arith.constant 0 : index
    %swap3A_13 = vector.load %arg3[%swap3A, %swap3A_12] : memref<1000x128xf32, #tpu.memory_space<vmem>>, vector<1000x128xf32>
    tpu.vector_store %arg3[%swap3A, %swap3A_12], %mul3A_11 {strides = array<i32>} : memref<1000x128xf32, #tpu.memory_space<vmem>>, vector<1000x128xf32>,
    %broadcast_in_dim3A = vector.shape_cast %rsqrt3A : vector<1000x1xf32> to vector<1000x1xf32>
    %broadcast_in_dim3A_14 = vector.broadcast %broadcast_in_dim3A : vector<1000x1xf32> to vector<1000x8xf32>
    %swap3A_15 = arith.constant 0 : index
    %swap3A_16 = arith.constant 0 : index
    %swap3A_17 = vector.load %arg4[%swap3A_15, %swap3A_16] : memref<1000x8xf32, #tpu.memory_space<vmem>>, vector<1000x8xf32>
    tpu.vector_store %arg4[%swap3A_15, %swap3A_16], %broadcast_in_dim3A_14 {strides = array<i32>} : memref<1000x8xf32, #tpu.memory_space<vmem>>, vector<1000x8xf32>,
    return
  }
  func.func @transform_0(%arg0: i32) -> (i32, i32) {
    %c0_i32 = arith.constant 0 : i32
    %c0_i32_0 = arith.constant 0 : i32
    return %arg0, %c0_i32 : i32, i32
  }
  func.func @transform_1(%arg0: i32) -> (i32, i32, i32) {
    %c0_i32 = arith.constant 0 : i32
    %c0_i32_0 = arith.constant 0 : i32
    %c0_i32_1 = arith.constant 0 : i32
    return %c0_i32, %arg0, %c0_i32_0 : i32, i32, i32
  }
  func.func @transform_2(%arg0: i32) -> (i32, i32) {
    %c0_i32 = arith.constant 0 : i32
    %c0_i32_0 = arith.constant 0 : i32
    return %arg0, %c0_i32 : i32, i32
  }
  func.func @transform_3(%arg0: i32) -> (i32, i32) {
    %c0_i32 = arith.constant 0 : i32
    %c0_i32_0 = arith.constant 0 : i32
    return %arg0, %c0_i32 : i32, i32
  }
}

module attributes {stable_mosaic.version = 14 : i64} {
  func.func @_comb_kern(%arg0: i32, %arg1: memref<2x1000x128xf32, #tpu.memory_space<vmem>>, %arg2: memref<1000x128xf32, #tpu.memory_space<vmem>>, %arg3: memref<1000x8xf32, #tpu.memory_space<vmem>>, %arg4: memref<1000x128xf32, #tpu.memory_space<vmem>>, %arg5: memref<3xf32, #tpu.memory_space<smem>>, %arg6: memref<1000x128xf32, #tpu.memory_space<vmem>>, %arg7: memref<1000x128xf32, #tpu.memory_space<vmem>>) attributes {dimension_semantics = [#tpu.dimension_semantics<arbitrary>], iteration_bounds = array<i64: 10>, scalar_prefetch = 0 : i64, scratch_operands = 0 : i64, tpu.core_type = #tpu.core_type<tc>, window_params = [{transform_indices = @transform_0, window_bounds = array<i64: 2, 1000, 128>}, {transform_indices = @transform_1, window_bounds = array<i64: 1000, 128>}, {transform_indices = @transform_2, window_bounds = array<i64: 1000, 8>}, {transform_indices = @transform_3, window_bounds = array<i64: 1000, 128>}, {transform_indices = @transform_4, window_bounds = array<i64: 3>}, {transform_indices = @transform_5, window_bounds = array<i64: 1000, 128>}, {transform_indices = @transform_6, window_bounds = array<i64: 1000, 128>}]} {
    %get3A = arith.constant 0 : index
    %get3A_0 = arith.constant 0 : index
    %get3A_1 = arith.constant 0 : index
    %get3A_2 = vector.load %arg1[%get3A, %get3A_0, %get3A_1] : memref<2x1000x128xf32, #tpu.memory_space<vmem>>, vector<1x1000x128xf32>
    %get3A_3 = vector.shape_cast %get3A_2 : vector<1x1000x128xf32> to vector<1000x128xf32>
    %get3A_4 = arith.constant 1 : index
    %get3A_5 = arith.constant 0 : index
    %get3A_6 = arith.constant 0 : index
    %get3A_7 = vector.load %arg1[%get3A_4, %get3A_5, %get3A_6] : memref<2x1000x128xf32, #tpu.memory_space<vmem>>, vector<1x1000x128xf32>
    %get3A_8 = vector.shape_cast %get3A_7 : vector<1x1000x128xf32> to vector<1000x128xf32>
    %add3A = arith.addf %get3A_3, %get3A_8 : vector<1000x128xf32>
    %get3A_9 = arith.constant 0 : index
    %get3A_10 = arith.constant 0 : index
    %get3A_11 = vector.load %arg3[%get3A_9, %get3A_10] : memref<1000x8xf32, #tpu.memory_space<vmem>>, vector<1000x1xf32>
    %get3A_12 = arith.constant 0 : index
    %get3A_13 = arith.constant 0 : index
    %get3A_14 = vector.load %arg2[%get3A_12, %get3A_13] : memref<1000x128xf32, #tpu.memory_space<vmem>>, vector<1000x128xf32>
    %add3A_15 = arith.addf %add3A, %get3A_14 : vector<1000x128xf32>
    %mul3A = vector.broadcast %get3A_11 : vector<1000x1xf32> to vector<1000x128xf32>
    %mul3A_16 = arith.mulf %mul3A, %add3A_15 : vector<1000x128xf32>
    %get3A_17 = arith.constant 0 : index
    %get3A_18 = arith.constant 0 : index
    %get3A_19 = vector.load %arg4[%get3A_17, %get3A_18] : memref<1000x128xf32, #tpu.memory_space<vmem>>, vector<1000x128xf32>
    %get3A_20 = arith.constant 1 : index
    %get3A_21 = memref.load %arg5[%get3A_20] : memref<3xf32, #tpu.memory_space<smem>>
    %mul3A_22 = vector.broadcast %get3A_21 : f32 to vector<1000x128xf32>
    %mul3A_23 = arith.mulf %mul3A_22, %mul3A_16 : vector<1000x128xf32>
    %add3A_24 = arith.addf %get3A_19, %mul3A_23 : vector<1000x128xf32>
    %mul3A_25 = vector.broadcast %get3A_11 : vector<1000x1xf32> to vector<1000x128xf32>
    %mul3A_26 = arith.mulf %mul3A_16, %mul3A_25 : vector<1000x128xf32>
    %swap3A = arith.constant 0 : index
    %swap3A_27 = arith.constant 0 : index
    %swap3A_28 = vector.load %arg6[%swap3A, %swap3A_27] : memref<1000x128xf32, #tpu.memory_space<vmem>>, vector<1000x128xf32>
    tpu.vector_store %arg6[%swap3A, %swap3A_27], %mul3A_26 {strides = array<i32>} : memref<1000x128xf32, #tpu.memory_space<vmem>>, vector<1000x128xf32>,
    %swap3A_29 = arith.constant 0 : index
    %swap3A_30 = arith.constant 0 : index
    %swap3A_31 = vector.load %arg7[%swap3A_29, %swap3A_30] : memref<1000x128xf32, #tpu.memory_space<vmem>>, vector<1000x128xf32>
    tpu.vector_store %arg7[%swap3A_29, %swap3A_30], %add3A_24 {strides = array<i32>} : memref<1000x128xf32, #tpu.memory_space<vmem>>, vector<1000x128xf32>,
    return
  }
  func.func @transform_0(%arg0: i32) -> (i32, i32, i32) {
    %c0_i32 = arith.constant 0 : i32
    %c0_i32_0 = arith.constant 0 : i32
    %c0_i32_1 = arith.constant 0 : i32
    return %c0_i32, %arg0, %c0_i32_0 : i32, i32, i32
  }
  func.func @transform_1(%arg0: i32) -> (i32, i32) {
    %c0_i32 = arith.constant 0 : i32
    %c0_i32_0 = arith.constant 0 : i32
    return %arg0, %c0_i32 : i32, i32
  }
  func.func @transform_2(%arg0: i32) -> (i32, i32) {
    %c0_i32 = arith.constant 0 : i32
    %c0_i32_0 = arith.constant 0 : i32
    return %arg0, %c0_i32 : i32, i32
  }
  func.func @transform_3(%arg0: i32) -> (i32, i32) {
    %c0_i32 = arith.constant 0 : i32
    %c0_i32_0 = arith.constant 0 : i32
    return %arg0, %c0_i32 : i32, i32
  }
  func.func @transform_4(%arg0: i32) -> i32 {
    %c0_i32 = arith.constant 0 : i32
    %c0_i32_0 = arith.constant 0 : i32
    return %c0_i32 : i32
  }
  func.func @transform_5(%arg0: i32) -> (i32, i32) {
    %c0_i32 = arith.constant 0 : i32
    %c0_i32_0 = arith.constant 0 : i32
    return %arg0, %c0_i32 : i32, i32
  }
  func.func @transform_6(%arg0: i32) -> (i32, i32) {
    %c0_i32 = arith.constant 0 : i32
    %c0_i32_0 = arith.constant 0 : i32
    return %arg0, %c0_i32 : i32, i32
  }
}

module attributes {stable_mosaic.version = 14 : i64} {
  func.func @_comb_kern(%arg0: i32, %arg1: memref<2x1000x128xf32, #tpu.memory_space<vmem>>, %arg2: memref<1000x128xf32, #tpu.memory_space<vmem>>, %arg3: memref<1000x8xf32, #tpu.memory_space<vmem>>, %arg4: memref<1000x128xf32, #tpu.memory_space<vmem>>, %arg5: memref<3xf32, #tpu.memory_space<smem>>, %arg6: memref<1000x128xf32, #tpu.memory_space<vmem>>) attributes {dimension_semantics = [#tpu.dimension_semantics<arbitrary>], iteration_bounds = array<i64: 10>, scalar_prefetch = 0 : i64, scratch_operands = 0 : i64, tpu.core_type = #tpu.core_type<tc>, window_params = [{transform_indices = @transform_0, window_bounds = array<i64: 2, 1000, 128>}, {transform_indices = @transform_1, window_bounds = array<i64: 1000, 128>}, {transform_indices = @transform_2, window_bounds = array<i64: 1000, 8>}, {transform_indices = @transform_3, window_bounds = array<i64: 1000, 128>}, {transform_indices = @transform_4, window_bounds = array<i64: 3>}, {transform_indices = @transform_5, window_bounds = array<i64: 1000, 128>}]} {
    %get3A = arith.constant 0 : index
    %get3A_0 = arith.constant 0 : index
    %get3A_1 = arith.constant 0 : index
    %get3A_2 = vector.load %arg1[%get3A, %get3A_0, %get3A_1] : memref<2x1000x128xf32, #tpu.memory_space<vmem>>, vector<1x1000x128xf32>
    %get3A_3 = vector.shape_cast %get3A_2 : vector<1x1000x128xf32> to vector<1000x128xf32>
    %get3A_4 = arith.constant 1 : index
    %get3A_5 = arith.constant 0 : index
    %get3A_6 = arith.constant 0 : index
    %get3A_7 = vector.load %arg1[%get3A_4, %get3A_5, %get3A_6] : memref<2x1000x128xf32, #tpu.memory_space<vmem>>, vector<1x1000x128xf32>
    %get3A_8 = vector.shape_cast %get3A_7 : vector<1x1000x128xf32> to vector<1000x128xf32>
    %add3A = arith.addf %get3A_3, %get3A_8 : vector<1000x128xf32>
    %get3A_9 = arith.constant 0 : index
    %get3A_10 = arith.constant 0 : index
    %get3A_11 = vector.load %arg3[%get3A_9, %get3A_10] : memref<1000x8xf32, #tpu.memory_space<vmem>>, vector<1000x1xf32>
    %get3A_12 = arith.constant 0 : index
    %get3A_13 = arith.constant 0 : index
    %get3A_14 = vector.load %arg2[%get3A_12, %get3A_13] : memref<1000x128xf32, #tpu.memory_space<vmem>>, vector<1000x128xf32>
    %add3A_15 = arith.addf %add3A, %get3A_14 : vector<1000x128xf32>
    %mul3A = vector.broadcast %get3A_11 : vector<1000x1xf32> to vector<1000x128xf32>
    %mul3A_16 = arith.mulf %mul3A, %add3A_15 : vector<1000x128xf32>
    %get3A_17 = arith.constant 0 : index
    %get3A_18 = arith.constant 0 : index
    %get3A_19 = vector.load %arg4[%get3A_17, %get3A_18] : memref<1000x128xf32, #tpu.memory_space<vmem>>, vector<1000x128xf32>
    %get3A_20 = arith.constant 2 : index
    %get3A_21 = memref.load %arg5[%get3A_20] : memref<3xf32, #tpu.memory_space<smem>>
    %mul3A_22 = vector.broadcast %get3A_21 : f32 to vector<1000x128xf32>
    %mul3A_23 = arith.mulf %mul3A_22, %mul3A_16 : vector<1000x128xf32>
    %add3A_24 = arith.addf %get3A_19, %mul3A_23 : vector<1000x128xf32>
    %swap3A = arith.constant 0 : index
    %swap3A_25 = arith.constant 0 : index
    %swap3A_26 = vector.load %arg6[%swap3A, %swap3A_25] : memref<1000x128xf32, #tpu.memory_space<vmem>>, vector<1000x128xf32>
    tpu.vector_store %arg6[%swap3A, %swap3A_25], %add3A_24 {strides = array<i32>} : memref<1000x128xf32, #tpu.memory_space<vmem>>, vector<1000x128xf32>,
    return
  }
  func.func @transform_0(%arg0: i32) -> (i32, i32, i32) {
    %c0_i32 = arith.constant 0 : i32
    %c0_i32_0 = arith.constant 0 : i32
    %c0_i32_1 = arith.constant 0 : i32
    return %c0_i32, %arg0, %c0_i32_0 : i32, i32, i32
  }
  func.func @transform_1(%arg0: i32) -> (i32, i32) {
    %c0_i32 = arith.constant 0 : i32
    %c0_i32_0 = arith.constant 0 : i32
    return %arg0, %c0_i32 : i32, i32
  }
  func.func @transform_2(%arg0: i32) -> (i32, i32) {
    %c0_i32 = arith.constant 0 : i32
    %c0_i32_0 = arith.constant 0 : i32
    return %arg0, %c0_i32 : i32, i32
  }
  func.func @transform_3(%arg0: i32) -> (i32, i32) {
    %c0_i32 = arith.constant 0 : i32
    %c0_i32_0 = arith.constant 0 : i32
    return %arg0, %c0_i32 : i32, i32
  }
  func.func @transform_4(%arg0: i32) -> i32 {
    %c0_i32 = arith.constant 0 : i32
    %c0_i32_0 = arith.constant 0 : i32
    return %c0_i32 : i32
  }
  func.func @transform_5(%arg0: i32) -> (i32, i32) {
    %c0_i32 = arith.constant 0 : i32
    %c0_i32_0 = arith.constant 0 : i32
    return %arg0, %c0_i32 : i32, i32
  }
}

</mosaic_0001>

<sc_bundles>
// kernel: kernel.12.cloned.1.call-start
scs
__scs_entry_jumppad:
0x0: {  	(pc) =	sbr.rel $0x88, $3  }
0x1: {  	(tag) =	ssettag $0x0;
	lr =	simm.s32 $0x1  }
0x2: {  	[smem:$0x3F98] =	sst lr;
	_ =	strace $0xD0000000  }
0x3: {  	_ = 	snop  }
0x4: {  	_ = 	snop  }
0x5: {  	_ = 	snop  }
0x6: {  	_ = 	snop  }
0x7: {  	_ = 	snop  }
__scs_overlays_trampoline_lowered:
0x8: {  	[smem:$0x3FA7] =	sst s0  }
0x9: {  	[smem:$0x3FA8] =	sst s1  }
0xa: {  	[smem:$0x3FA9] =	sst s2  }
0xb: {  	[smem:$0x3FAA] =	sst s3  }
0xc: {  	[smem:$0x3FAB] =	sst s4  }
0xd: {  	[smem:$0x3FAC] =	sst s5  }
0xe: {  	[smem:$0x3FAD] =	sst s6  }
0xf: {  	[smem:$0x3FAE] =	sst s7  }
0x10: {  	[smem:$0x3FAF] =	sst s8  }
0x11: {  	[smem:$0x3FB0] =	sst s9;
	s0 =	simm.s32 @!p0 $0x0  }
0x12: {  	s1 =	sld [smem:$0x3F96];
	s0 =	simm.s32 @p0 $0x1  }
0x13: {  	[smem:$0x3FB1] =	sst s0;
	s0 =	simm.s32 @!p1 $0x0  }
0x14: {  	s2 =	sld [smem:$0x3F95];
	s0 =	simm.s32 @p1 $0x1  }
0x15: {  	[smem:$0x3FB2] =	sst s0;
	s0 =	simm.s32 @!p2 $0x0  }
0x16: {  	s3 =	sld [smem:$0x3FDB];
	s0 =	simm.s32 @p2 $0x1  }
0x17: {  	s4 =	simm.s32 $0x1BF5;
	[smem:$0x3FB4] =	sst s0  }
0x18: {  	s0 =	sld [smem:$0x3F97];
	_ =	swait.ge [sflag:s4], $0x0  }
0x19: {  	s7 =	sld [smem:$0x3F98]  }
0x1a: {  	s8 =	sadd.s32 $0xFFFFE003, lr  }
0x1b: {  	s9 =	sadd.s32 $0xFFFFFEF7, lr;
	s5 =	simm.s32 $0xFFFFFFFF;
	p2 =	slt.u32 s8, $0xFFFFF086  }
0x1c: {  	p1 =	slt.u32 s9, $0xF7A;
	s5 =	simm.s32 @!p2 $0x0  }
0x1d: {  	s5 =	simm.s32 @p1 $0x1;
	p0 =	seq.s32 s7, s2  }
0x1e: {  	s7 =	smul.u32 @!p0 $0xF7A, s2;
	p2 =	seq.s32 @!p0 s5, $0x0  }
0x1f: {  	s9 =	smul.u32 $0xF7A, s1;
	s8 =	simm.s32 @!p0 $0x1BF5;
	p2 =	por !p2, p0  }
0x20: {  	[sflag:s8] =	ssyncset.s32 @!p0 $0xFFFFF086;
	s6 =	sadd.s32 @!p0 s3, s7;
	s7 =	simm.s32 @!p0 $0x108  }
0x21: {  	s3 =	sadd.s32 s3, s9;
	s6 =	sadd.s32 @!p0 $0x88, s6;
	s7 =	simm.s32 @p2 $0x1082  }
0x22: {  	[simem:s7], [sflag:s8] =	dma.local @!p0 [hbm:s6], $0xF7A  }
0x23: {  	s9 =	sor.u32 $0xD0000000, s2;
	s6 =	simm.s32 $0x108;
	_ =	swait.ge @!p0 [sflag:s8], $0x0  }
0x24: {  	s3 =	sadd.s32 $0x88, s3;
	s6 =	simm.s32 @!p1 $0x1082;
	[sflag:s4] =	ssyncset.s32 $0xFFFFF086  }
0x25: {  	[simem:s6], [sflag:s4] =	dma.local [hbm:s3], $0xF7A  }
0x26: {  	[smem:$0x3F98] =	sst s1;
	(tag) =	ssettag s2;
	_ =	strace s9  }
0x27: {  	s1 =	sld [smem:$0x3FA8]  }
0x28: {  	s2 =	sld [smem:$0x3FA9]  }
0x29: {  	s4 =	sld [smem:$0x3FAB]  }
0x2a: {  	p0 =	seq.s32 s5, $0x0;
	s5 =	sld [smem:$0x3FAC]  }
0x2b: {  	s6 =	sld [smem:$0x3FAD]  }
0x2c: {  	s7 =	sld [smem:$0x3FAE]  }
0x2d: {  	s3 =	simm.s32 $0x108;
	s8 =	sld [smem:$0x3FAF]  }
0x2e: {  	s3 =	simm.s32 @!p0 $0x1082;
	s9 =	sld [smem:$0x3FB0]  }
0x2f: {  	lr =	sadd.s32 s0, s3;
	s0 =	sld [smem:$0x3FA7]  }
0x30: {  	s3 =	sld [smem:$0x3FAA]  }
0x31: {  	[smem:$0x3FB3] =	sst s10  }
0x32: {  	s10 =	sld [smem:$0x3FB1];
	_ =	sdelay $0x3  }
0x33: {  	p0 =	seq.s32 s10, $0x1;
	s10 =	sld [smem:$0x3FB3];
	_ =	sdelay $0x3  }
0x34: {  	[smem:$0x3FB3] =	sst s10  }
0x35: {  	s10 =	sld [smem:$0x3FB2];
	_ =	sdelay $0x3  }
0x36: {  	p1 =	seq.s32 s10, $0x1;
	s10 =	sld [smem:$0x3FB3];
	_ =	sdelay $0x3  }
0x37: {  	[smem:$0x3FB3] =	sst s10  }
0x38: {  	s10 =	sld [smem:$0x3FB4]  }
0x39: {  	_ = 	snop;
	(pc) =	sbr.ind lr, $3  }
0x3a: {  	_ = 	snop  }
0x3b: {  	_ = 	snop  }
0x3c: {  	p2 =	seq.s32 s10, $0x1;
	s10 =	sld [smem:$0x3FB3]  }
0x3d: {  	_ =	shalt  }
0x3e: {  	_ =	shalt  }
0x3f: {  	_ =	shalt  }
0x40: {  	_ =	shalt  }
0x41: {  	_ =	shalt  }
0x42: {  	_ =	shalt  }
0x43: {  	_ =	shalt  }
0x44: {  	_ =	shalt  }
0x45: {  	_ =	shalt  }
0x46: {  	_ =	shalt  }
0x47: {  	_ =	shalt  }
0x48: {  	_ =	shalt  }
0x49: {  	_ =	shalt  }
0x4a: {  	_ =	shalt  }
0x4b: {  	_ =	shalt  }
0x4c: {  	_ =	shalt  }
0x4d: {  	_ =	shalt  }
0x4e: {  	_ =	shalt  }
0x4f: {  	_ =	shalt  }
0x50: {  	_ =	shalt  }
0x51: {  	_ =	shalt  }
0x52: {  	_ =	shalt  }
0x53: {  	_ =	shalt  }
0x54: {  	_ =	shalt  }
0x55: {  	_ =	shalt  }
0x56: {  	_ =	shalt  }
0x57: {  	_ =	shalt  }
0x58: {  	_ =	shalt  }
0x59: {  	_ =	shalt  }
0x5a: {  	_ =	shalt  }
0x5b: {  	_ =	shalt  }
0x5c: {  	_ =	shalt  }
0x5d: {  	_ =	shalt  }
0x5e: {  	_ =	shalt  }
0x5f: {  	_ =	shalt  }
0x60: {  	_ =	shalt  }
0x61: {  	_ =	shalt  }
0x62: {  	_ =	shalt  }
0x63: {  	_ =	shalt  }
0x64: {  	_ =	shalt  }
0x65: {  	_ =	shalt  }
0x66: {  	_ =	shalt  }
0x67: {  	_ =	shalt  }
0x68: {  	_ =	shalt  }
0x69: {  	_ =	shalt  }
0x6a: {  	_ =	shalt  }
0x6b: {  	_ =	shalt  }
0x6c: {  	_ =	shalt  }
0x6d: {  	_ =	shalt  }
0x6e: {  	_ =	shalt  }
0x6f: {  	_ =	shalt  }
0x70: {  	_ =	shalt  }
0x71: {  	_ =	shalt  }
0x72: {  	_ =	shalt  }
0x73: {  	_ =	shalt  }
0x74: {  	_ =	shalt  }
0x75: {  	_ =	shalt  }
0x76: {  	_ =	shalt  }
0x77: {  	_ =	shalt  }
0x78: {  	_ =	shalt  }
0x79: {  	_ =	shalt  }
0x7a: {  	_ =	shalt  }
0x7b: {  	_ =	shalt  }
0x7c: {  	_ =	shalt  }
0x7d: {  	_ =	shalt  }
0x7e: {  	_ =	shalt  }
0x7f: {  	_ =	shalt  }
0x80: {  	_ =	shalt  }
0x81: {  	_ =	shalt  }
0x82: {  	_ =	shalt  }
0x83: {  	_ =	shalt  }
0x84: {  	_ =	shalt  }
0x85: {  	_ =	shalt  }
0x86: {  	_ =	shalt  }
0x87: {  	_ =	shalt  }
.Lfunc_end0:
.L_simem_size_0:
called_computation.1_lowered:
.L_overlay_start_0:
0x88: {  	s2 =	sld [smem:$0x3FD9]  }
0x89: {  	s3 =	sld [smem:$0x3FFE];
	_ =	sdelay $0x1  }
0x8a: {  	s1 =	srdreg.scid  }
0x8b: {  	s0 =	sand.u32 $0x1, s1  }
0x8c: {  	s17 =	sshll.u32 s0, $0xA;
	s2 =	sadd.s32 s3, s2  }
0x8d: {  	s2 =	sadd.s32 s2, s17  }
0x8e: {  	[smem:$0x3FBF] =	sst s2  }
0x8f: {  	_ = 	snop  }
0x90: {  	s2 =	sld [smem:$0x3FD0];
	(tm) =	ssettm $0x1  }
0x91: {  	s18 =	sld [smem:$0x3FFB];
	_ =	sdelay $0x3  }
0x92: {  	_ =	strace s18  }
0x93: {  	s3 =	sld [smem:$0x3FFC];
	_ =	sdelay $0x3  }
0x94: {  	_ =	strace s3  }
0x95: {  	s3 =	sld [smem:$0x3FFD];
	_ =	sdelay $0x3  }
0x96: {  	_ =	strace s3  }
0x97: {  	_ =	strace $0x8FFFFFFF  }
0x98: {  	s19 =	sld [smem:$0x3FDB];
	_ =	sdelay $0x1  }
0x99: {  	s4 =	simm.s32 $_scs_section_size  }
0x9a: {  	s5 =	simm.s32 $_size__tile_overlayer_lowered;
	s6 =	simm.s32 $_tile_overlayer_lowered  }
0x9b: {  	s22 =	simm.s32 $0x1BFF;
	s21 =	sshll.u32 s6, $0x1;
	s3 =	sadd.s32 s4, s19  }
0x9c: {  	s7 =	simm.s32 $0x0;
	s20 =	sshll.u32 s5, $0x1;
	s5 =	sadd.s32 s21, s3  }
0x9d: {  	[timem:s7], [sflag:s22] =	dma.local [hbm:s5], s20  }
0x9e: {  	_ =	swait.ge [sflag:s22], s20  }
0x9f: {  	s4 =	ssub.s32 $0x0, s20;
	[sflag:s22] =	ssyncset.done $0x0  }
0xa0: {  	[sflag:s22] =	ssyncadd.s32 s4;
	_ =	sdelay $0x1  }
0xa1: {  	s23 =	simm.s32 $0x1B8B  }
0xa2: {  	_ =	swait.ge [sflag:s23], $0x1  }
0xa3: {  	[sflag:s23] =	ssyncset.done $0x0  }
0xa4: {  	s25 =	simm.s32 $0x1B8E;
	s24 =	sld [smem:$0x3FFE];
	[sflag:s23] =	ssyncadd.s32 $0xFFFFFFFF  }
0xa5: {  	s26 =	simm.s32 $execute0_lowered;
	[smem:$0x3FD2] =	sst s25  }
0xa6: {  	s5 =	sshll.u32 s26, $0x1;
	_ =	strace $0x80000049;
	[dreg:$0x1] =	wrdreg $0xFFFFFFFF  }
0xa7: {  	s28 =	simm.s32 $_size_execute0_lowered;
	s3 =	sadd.s32 s3, s5;
	[dreg:$0x0] =	wrdreg $0x0  }
0xa8: {  	s5 =	sshll.u32 s28, $0x1;
	[dreg:$0x2] =	wrdreg s3  }
0xa9: {  	[dreg:$0x3] =	wrdreg s5  }
0xaa: {  	[dreg:$0x4] =	wrdreg $0xC0  }
0xab: {  	_ =	task [dreg:s7], $0x5FFFF  }
0xac: {  	[dreg:$0x1] =	wrdreg $0xFFFFFFFF  }
0xad: {  	[dreg:$0x0] =	wrdreg $0x60  }
0xae: {  	[dreg:$0x2] =	wrdreg s2  }
0xaf: {  	[dreg:$0x3] =	wrdreg s24  }
0xb0: {  	[dreg:$0x4] =	wrdreg $0x0  }
0xb1: {  	[dreg:$0x5] =	wrdreg $0x9  }
0xb2: {  	_ =	task.clear_ibuf [dreg:s7], $0x6FFFF;
	_ =	strace $0x90000049  }
0xb3: {  	s29 =	simm.s32 $0x9;
	_ =	strace $0x8000004B  }
0xb4: {  	_ =	swait.ge [sflag:s29], $0x1  }
0xb5: {  	[sflag:s29] =	ssyncadd.s32 $0xFFFFFFFF  }
0xb6: {  	_ =	strace $0x9000004B  }
0xb7: {  	_ =	sfence  }
0xb8: {  	s30 =	sld [smem:$0x0];
	_ =	sdelay $0x2  }
0xb9: {  	s31 =	sshll.u32 s1, $0xD;
	s1 =	sshrl.u32 s1, $0x2  }
0xba: {  	s3 =	sand.u32 $0x4000, s31;
	s1 =	sadd.s32 s1, s30  }
0xbb: {  	s0 =	sor.u32 s3, s0;
	s1 =	sshll.u32 s1, $0x11  }
0xbc: {  	s0 =	sor.u32 s1, s0  }
0xbd: {  	s0 =	sadd.s32 $0x8F2B, s0  }
0xbe: {  	[sflag:s0] =	ssyncadd.remote.s32 $0x1  }
0xbf: {  	_ =	sfence.sel $0xFFFF  }
0xc0: {  	[dreg:$0x0] =	wrdreg $0xFFFFFFFF;
	(pc) =	sbr.abs _section_cstart, $3  }
0xc1: {  	[dreg:$0x1] =	wrdreg $0xFFFFFFFF  }
0xc2: {  	_ =	task.clear_ibuf [dreg:s7], $0x2FFFF;
	_ =	strace $0x9FFFFFFF  }
0xc3: {  	(tm) =	ssettm $0x7FFFFFFF  }
tec
execute0_lowered:
.L_overlay_start_1:
0x0: {  	(tag) =	ssettag $0x1  }
0x1: {  	s1 =	rddreg [dreg:$0x0]  }
0x2: {  	s5 =	rddreg [dreg:$0x1]  }
0x3: {  	s3 =	rddreg [dreg:$0x2]  }
0x4: {  	s2 =	srdreg.scid;
	s0 =	rddreg [dreg:$0x3]  }
0x5: {  	s4 =	simm.s32 $0x0;
	s14 =	simm.s32 $0x1BC00;
	s15 =	simm.s32 $0x5  }
0x6: {  	s16 =	simm.s32 $0x1D000;
	s17 =	simm.s32 $0x80;
	s18 =	simm.s32 $0x13C00  }
0x7: {  	s19 =	simm.s32 $0x17C00;
	s20 =	simm.s32 $0x1BC80;
	s21 =	simm.s32 $0x1  }
0x8: {  	s22 =	simm.s32 $0x2;
	s23 =	simm.s32 $0x3;
	s24 =	simm.s32 $0x4  }
0x9: {  	s25 =	simm.s32 $0x1E300;
	s26 =	simm.s32 $0x1E380;
	s6 =	sand.u32 $0x1, s2  }
0xa: {  	s28 =	simm.s32 $0x0;
	s2 =	stileid.u32;
	s8 =	smul.u32 $0x13C000, s6  }
0xb: {  	[smem:$0x7FF] =	sst s4;
	s7 =	sshll.u32 s6, $0x4;
	s9 =	smul.u32 $0x13C00, s2  }
0xc: {  	s29 =	smul.u32 $0x4F000, s2;
	s6 =	ssub.s32 $0x2, s6;
	s7 =	sor.u32 s2, s7  }
0xd: {  	_ =	strace $0x8000004A;
	s30 =	sshrl.u32 s6, $0x1;
	s7 =	smul.u32 $0x280, s7  }
0xe: {  	s8 =	sadd.s32 s9, s8;
	s31 =	sshrl.u32 s29, $0x2;
	s13 =	ssub.s32 s6, s30  }
0xf: {  	s8 =	sshrl.u32 s8, $0x3;
	s6 =	sadd.s32 s31, s3;
	s13 =	smax.u32 s13, $0x1  }
0x10: {  	s7 =	sadd.s32 s7, s5;
	s12 =	sadd.s32 s8, s5;
	s8 =	sadd.s32 $0x4000, s6  }
0x11: {  	s9 =	sadd.s32 $0x8000, s6;
	s10 =	sadd.s32 $0xC000, s6;
	s11 =	sadd.s32 $0x10000, s6  }
0x12: {  	v0 =	vimm.f32 $0.0e+00;
	s5 =	sadd.s32 $0x8000, s7;
	s7 =	sadd.s32 $0x3000, s7;
	s12 =	sadd.s32 $0xD000, s12  }
.LBB2_1:
0x13: {  	[tilespmem:s14], [sflag:$0x5] =	stream.linear.gather [hbm4b:s5+s4], $0x1400, $0x38;
	[tilespmem:$0x1E400] =	vst v63  }
0x14: {  	_ =	swait.ge [sflag:s15], $0x1400  }
0x15: {  	[sflag:s15] =	ssyncset.done $0x0  }
0x16: {  	[sflag:s15] =	ssyncadd.s32 $0xFFFFEC00  }
0x17: {  	[tilespmem:s16], [sflag:$0x5] =	stream.linear.gather [hbm4b:s7+s4], $0x1400, $0x38;
	[tilespmem:$0x1E400] =	vst v63  }
0x18: {  	_ =	swait.ge [sflag:s15], $0x1400  }
0x19: {  	[sflag:s15] =	ssyncset.done $0x0  }
0x1a: {  	s29 =	simm.s32 $0x0;
	s30 =	simm.s32 $0x200;
	[sflag:s15] =	ssyncadd.s32 $0xFFFFEC00  }
.LBB2_2:
0x1b: {  	p0 =	sne.s32 s30, $0xFE00;
	[tilespmem:s29+$0x17C70] =	vst v0  }
0x1c: {  	[tilespmem:s29+$0x17C00] =	vst v0  }
0x1d: {  	[tilespmem:s29+$0x17C10] =	vst v0  }
.Ltmp0:
0x1e: {  	[tilespmem:s29+$0x17C20] =	vst v0;
	(pc) =	sbr.rel @p0 .LBB2_2-.Ltmp0, $4  }
0x1f: {  	[tilespmem:s29+$0x17C30] =	vst v0  }
0x20: {  	[tilespmem:s29+$0x17C40] =	vst v0  }
0x21: {  	[tilespmem:s29+$0x17C50] =	vst v0  }
0x22: {  	[tilespmem:s29+$0x17C60] =	vst v0;
	s29 =	sshra.s32 s30, $0x2;
	s30 =	sadd.s32 $0x200, s30  }
0x23: {  	[tilespmem:s29+$0x17C70] =	vst v0  }
0x24: {  	[tilespmem:s29+$0x17C00] =	vst v0  }
0x25: {  	[tilespmem:s29+$0x17C10] =	vst v0  }
0x26: {  	[tilespmem:s29+$0x17C20] =	vst v0  }
0x27: {  	[tilespmem:s29+$0x17C30] =	vst v0  }
0x28: {  	[tilespmem:s29+$0x17C40] =	vst v0  }
0x29: {  	[tilespmem:s29+$0x17C50] =	vst v0  }
0x2a: {  	[tilespmem:s29+$0x17C60] =	vst v0  }
0x2b: {  	[tilespmem:s18], [sflag:$0x1] =	stream.indirect.gather [hbm4b:s1+s17], $0x80, s14, s17, $0xb8;
	[tilespmem:$0x1E400] =	vst v63  }
0x2c: {  	_ = 	snop  }
0x2d: {  	[spmem:s6] =	stream.linear.scatter [tilespmem:s19], [sflag:$0x5], $0x4000, $0x38;
	[tilespmem:$0x1E400] =	vst v63  }
0x2e: {  	_ =	swait.ge [sflag:s15], $0x4000  }
0x2f: {  	[sflag:s15] =	ssyncset.done $0x0  }
0x30: {  	[sflag:s15] =	ssyncadd.s32 $0xFFFFC000  }
0x31: {  	[spmem:s8] =	stream.linear.scatter [tilespmem:s19], [sflag:$0x5], $0x4000, $0x38;
	[tilespmem:$0x1E400] =	vst v63  }
0x32: {  	_ =	swait.ge [sflag:s15], $0x4000  }
0x33: {  	[sflag:s15] =	ssyncset.done $0x0  }
0x34: {  	[sflag:s15] =	ssyncadd.s32 $0xFFFFC000  }
0x35: {  	[spmem:s9] =	stream.linear.scatter [tilespmem:s19], [sflag:$0x5], $0x4000, $0x38;
	[tilespmem:$0x1E400] =	vst v63  }
0x36: {  	_ =	swait.ge [sflag:s15], $0x4000  }
0x37: {  	[sflag:s15] =	ssyncset.done $0x0  }
0x38: {  	[sflag:s15] =	ssyncadd.s32 $0xFFFFC000  }
0x39: {  	[spmem:s10] =	stream.linear.scatter [tilespmem:s19], [sflag:$0x5], $0x4000, $0x38;
	[tilespmem:$0x1E400] =	vst v63  }
0x3a: {  	_ =	swait.ge [sflag:s15], $0x4000  }
0x3b: {  	[sflag:s15] =	ssyncset.done $0x0  }
0x3c: {  	[sflag:s15] =	ssyncadd.s32 $0xFFFFC000  }
0x3d: {  	[spmem:s11] =	stream.linear.scatter [tilespmem:s19], [sflag:$0x5], $0x3C00, $0x38;
	[tilespmem:$0x1E400] =	vst v63  }
0x3e: {  	_ =	swait.ge [sflag:s15], $0x3C00  }
0x3f: {  	[sflag:s15] =	ssyncset.done $0x0  }
0x40: {  	[sflag:s15] =	ssyncadd.s32 $0xFFFFC400  }
0x41: {  	[tilespmem:s19], [sflag:$0x2] =	stream.indirect.gather [hbm4b:s1+s17], $0x80, s20, s17, $0xb8;
	[tilespmem:$0x1E400] =	vst v63  }
0x42: {  	[bflag:$0x0] =	sbarrier.arrive $0xFFFF  }
0x43: {  	_ =	swait.ge [sflag:s21], $0x4000  }
0x44: {  	[sflag:s21] =	ssyncset.done $0x0  }
0x45: {  	s29 =	simm.s32 $0x1D000;
	[sflag:s21] =	ssyncadd.s32 $0xFFFFC000  }
0x46: {  	[spmem:s3] =	stream.indirect.scatter.add.f32 [tilespmem:s18], [sflag:$0x3], $0x80, s29, s17, $0xb8;
	[tilespmem:$0x1E400] =	vst v63  }
0x47: {  	_ =	swait.ge [sflag:s22], $0x4000  }
0x48: {  	[sflag:s22] =	ssyncset.done $0x0  }
0x49: {  	s29 =	simm.s32 $0x1D080;
	[sflag:s22] =	ssyncadd.s32 $0xFFFFC000  }
0x4a: {  	[spmem:s3] =	stream.indirect.scatter.add.f32 [tilespmem:s19], [sflag:$0x4], $0x80, s29, s17, $0xb8;
	[tilespmem:$0x1E400] =	vst v63  }
0x4b: {  	_ =	swait.ge [sflag:s23], $0x4000  }
0x4c: {  	[sflag:s23] =	ssyncset.done $0x0  }
0x4d: {  	s29 =	simm.s32 $0x1BD00;
	[sflag:s23] =	ssyncadd.s32 $0xFFFFC000  }
0x4e: {  	[tilespmem:s18], [sflag:$0x1] =	stream.indirect.gather [hbm4b:s1+s17], $0x80, s29, s17, $0xb8;
	[tilespmem:$0x1E400] =	vst v63  }
0x4f: {  	_ =	swait.ge [sflag:s24], $0x4000  }
0x50: {  	[sflag:s24] =	ssyncset.done $0x0  }
0x51: {  	s30 =	simm.s32 $0x1BD80;
	s29 =	simm.s32 $0x400;
	[sflag:s24] =	ssyncadd.s32 $0xFFFFC000  }
.LBB2_4:
0x52: {  	[tilespmem:s19], [sflag:$0x2] =	stream.indirect.gather [hbm4b:s1+s17], $0x80, s30, s17, $0xb8;
	[tilespmem:$0x1E400] =	vst v63  }
0x53: {  	s30 =	smov.u32 s29  }
0x54: {  	p0 =	sne.s32 s29, $0x4800;
	s29 =	sadd.s32 $0x400, s29;
	_ =	swait.ge [sflag:s21], $0x4000  }
0x55: {  	s30 =	sshra.s32 s30, $0x2;
	[sflag:s21] =	ssyncset.done $0x0  }
0x56: {  	s31 =	sadd.s32 $0x1D000, s30;
	[sflag:s21] =	ssyncadd.s32 $0xFFFFC000  }
0x57: {  	[spmem:s3] =	stream.indirect.scatter.add.f32 [tilespmem:s18], [sflag:$0x3], $0x80, s31, s17, $0xb8;
	[tilespmem:$0x1E400] =	vst v63  }
0x58: {  	_ =	swait.ge [sflag:s22], $0x4000  }
0x59: {  	[sflag:s22] =	ssyncset.done $0x0  }
0x5a: {  	s31 =	sadd.s32 $0x1D080, s30;
	[sflag:s22] =	ssyncadd.s32 $0xFFFFC000  }
0x5b: {  	[spmem:s3] =	stream.indirect.scatter.add.f32 [tilespmem:s19], [sflag:$0x4], $0x80, s31, s17, $0xb8;
	[tilespmem:$0x1E400] =	vst v63  }
0x5c: {  	_ =	swait.ge [sflag:s23], $0x4000  }
0x5d: {  	[sflag:s23] =	ssyncset.done $0x0  }
.Ltmp1:
0x5e: {  	s31 =	sadd.s32 $0x1BD00, s30;
	[sflag:s23] =	ssyncadd.s32 $0xFFFFC000;
	(pc) =	sbr.rel @p0 .LBB2_4-.Ltmp1, $4  }
0x5f: {  	[tilespmem:s18], [sflag:$0x1] =	stream.indirect.gather [hbm4b:s1+s17], $0x80, s31, s17, $0xb8;
	[tilespmem:$0x1E400] =	vst v63  }
0x60: {  	_ =	swait.ge [sflag:s24], $0x4000  }
0x61: {  	[sflag:s24] =	ssyncset.done $0x0  }
0x62: {  	s30 =	sadd.s32 $0x1BD80, s30;
	[sflag:s24] =	ssyncadd.s32 $0xFFFFC000  }
0x63: {  	[tilespmem:s19], [sflag:$0x2] =	stream.indirect.gather [hbm4b:s1+s17], $0x80, s30, s17, $0xb8;
	[tilespmem:$0x1E400] =	vst v63  }
0x64: {  	_ =	swait.ge [sflag:s21], $0x4000  }
0x65: {  	[sflag:s21] =	ssyncset.done $0x0  }
0x66: {  	[sflag:s21] =	ssyncadd.s32 $0xFFFFC000  }
0x67: {  	[spmem:s3] =	stream.indirect.scatter.add.f32 [tilespmem:s18], [sflag:$0x3], $0x80, s25, s17, $0xb8;
	[tilespmem:$0x1E400] =	vst v63  }
0x68: {  	_ =	swait.ge [sflag:s22], $0x4000  }
0x69: {  	[sflag:s22] =	ssyncset.done $0x0  }
0x6a: {  	[sflag:s22] =	ssyncadd.s32 $0xFFFFC000  }
0x6b: {  	[spmem:s3] =	stream.indirect.scatter.add.f32 [tilespmem:s19], [sflag:$0x4], $0x80, s26, s17, $0xb8;
	[tilespmem:$0x1E400] =	vst v63  }
0x6c: {  	_ =	swait.ge [sflag:s23], $0x4000  }
0x6d: {  	[sflag:s23] =	ssyncset.done $0x0  }
0x6e: {  	[sflag:s23] =	ssyncadd.s32 $0xFFFFC000  }
0x6f: {  	_ =	swait.ge [sflag:s24], $0x4000  }
0x70: {  	s29 =	sshll.u32 s2, $0x6;
	s28 =	sadd.s32 $0x1, s28;
	[sflag:s24] =	ssyncset.done $0x0  }
0x71: {  	s31 =	sshrl.u32 s6, $0x3;
	p0 =	sne.s32 s28, s13;
	[sflag:s24] =	ssyncadd.s32 $0xFFFFC000  }
.Ltmp2:
0x72: {  	s29 =	sor.u32 $0x1C05, s29;
	[bflag:$0x0] =	sbarrier.arrive $0xFFFF;
	(pc) =	sbr.rel @p0 .LBB2_1-.Ltmp2, $4  }
0x73: {  	[hbm:s12], [sflag:s29] =	dma.local [spmem:s31], $0x2780  }
0x74: {  	_ =	swait.ge [sflag:s15], $0x2780  }
0x75: {  	[sflag:s15] =	ssyncset.done $0x0  }
0x76: {  	[sflag:s15] =	ssyncadd.s32 $0xFFFFD880  }
0x77: {  	_ =	sfence.sel $0x180000  }
0x78: {  	[bflag:$0x0] =	sbarrier.arrive $0xFFFF  }
0x79: {  	p0 =	sne.s32 s2, $0x0;
	_ =	strace $0x9000004A  }
0x7a: {  	s0 =	sadd.s32 @!p0 $0x100000, s0;
	[bflag:$0x2] =	sbarrier.arrive $0xFFFF  }
0x7b: {  	[sflag:s0] =	ssyncadd.tile.s32 @!p0 $0x1;
	_ =	shalt  }
.Lfunc_end2:
_tile_overlayer_lowered:
.L_overlay_start_2:
0x7c: {  	(tag) =	ssettag $0x2  }
0x7d: {  	s0 =	rddreg [dreg:$0x0];
	s2 =	stileid.u32  }
0x7e: {  	s1 =	rddreg [dreg:$0x1];
	p0 =	sne.s32 s2, $0x0  }
0x7f: {  	s3 =	rddreg [dreg:$0x2];
	[bflag:$0x3] =	sbarrier.arrive $0xFFFF;
	s2 =	simm.s32 @!p0 $0x1C05  }
0x80: {  	[timem:s3], [sflag:s2] =	dma.local @!p0 [hbm:s0], s1  }
0x81: {  	s0 =	simm.s32 @!p0 $0x5  }
0x82: {  	_ =	swait.ge @!p0 [sflag:s0], s1  }
0x83: {  	s1 =	ssub.s32 @!p0 $0x0, s1;
	[sflag:s0] =	ssyncset.done @!p0 $0x0  }
0x84: {  	[sflag:s0] =	ssyncadd.s32 @!p0 s1  }
0x85: {  	[bflag:$0x3] =	sbarrier.arrive $0xFFFF  }
0x86: {  	_ =	shalt  }

// kernel: kernel.15.cloned.1.call-start
scs
__scs_entry_jumppad:
0x0: {  	(pc) =	sbr.rel $0x88, $3  }
0x1: {  	(tag) =	ssettag $0x0;
	lr =	simm.s32 $0x1  }
0x2: {  	[smem:$0x3F98] =	sst lr;
	_ =	strace $0xD0000000  }
0x3: {  	_ = 	snop  }
0x4: {  	_ = 	snop  }
0x5: {  	_ = 	snop  }
0x6: {  	_ = 	snop  }
0x7: {  	_ = 	snop  }
__scs_overlays_trampoline_lowered:
0x8: {  	[smem:$0x3FA7] =	sst s0  }
0x9: {  	[smem:$0x3FA8] =	sst s1  }
0xa: {  	[smem:$0x3FA9] =	sst s2  }
0xb: {  	[smem:$0x3FAA] =	sst s3  }
0xc: {  	[smem:$0x3FAB] =	sst s4  }
0xd: {  	[smem:$0x3FAC] =	sst s5  }
0xe: {  	[smem:$0x3FAD] =	sst s6  }
0xf: {  	[smem:$0x3FAE] =	sst s7  }
0x10: {  	[smem:$0x3FAF] =	sst s8  }
0x11: {  	[smem:$0x3FB0] =	sst s9;
	s0 =	simm.s32 @!p0 $0x0  }
0x12: {  	s1 =	sld [smem:$0x3F96];
	s0 =	simm.s32 @p0 $0x1  }
0x13: {  	[smem:$0x3FB1] =	sst s0;
	s0 =	simm.s32 @!p1 $0x0  }
0x14: {  	s2 =	sld [smem:$0x3F95];
	s0 =	simm.s32 @p1 $0x1  }
0x15: {  	[smem:$0x3FB2] =	sst s0;
	s0 =	simm.s32 @!p2 $0x0  }
0x16: {  	s3 =	sld [smem:$0x3FDB];
	s0 =	simm.s32 @p2 $0x1  }
0x17: {  	s4 =	simm.s32 $0x1BF5;
	[smem:$0x3FB4] =	sst s0  }
0x18: {  	s0 =	sld [smem:$0x3F97];
	_ =	swait.ge [sflag:s4], $0x0  }
0x19: {  	s7 =	sld [smem:$0x3F98]  }
0x1a: {  	s8 =	sadd.s32 $0xFFFFE003, lr  }
0x1b: {  	s9 =	sadd.s32 $0xFFFFFEF7, lr;
	s5 =	simm.s32 $0xFFFFFFFF;
	p2 =	slt.u32 s8, $0xFFFFF086  }
0x1c: {  	p1 =	slt.u32 s9, $0xF7A;
	s5 =	simm.s32 @!p2 $0x0  }
0x1d: {  	s5 =	simm.s32 @p1 $0x1;
	p0 =	seq.s32 s7, s2  }
0x1e: {  	s7 =	smul.u32 @!p0 $0xF7A, s2;
	p2 =	seq.s32 @!p0 s5, $0x0  }
0x1f: {  	s9 =	smul.u32 $0xF7A, s1;
	s8 =	simm.s32 @!p0 $0x1BF5;
	p2 =	por !p2, p0  }
0x20: {  	[sflag:s8] =	ssyncset.s32 @!p0 $0xFFFFF086;
	s6 =	sadd.s32 @!p0 s3, s7;
	s7 =	simm.s32 @!p0 $0x108  }
0x21: {  	s3 =	sadd.s32 s3, s9;
	s6 =	sadd.s32 @!p0 $0x88, s6;
	s7 =	simm.s32 @p2 $0x1082  }
0x22: {  	[simem:s7], [sflag:s8] =	dma.local @!p0 [hbm:s6], $0xF7A  }
0x23: {  	s9 =	sor.u32 $0xD0000000, s2;
	s6 =	simm.s32 $0x108;
	_ =	swait.ge @!p0 [sflag:s8], $0x0  }
0x24: {  	s3 =	sadd.s32 $0x88, s3;
	s6 =	simm.s32 @!p1 $0x1082;
	[sflag:s4] =	ssyncset.s32 $0xFFFFF086  }
0x25: {  	[simem:s6], [sflag:s4] =	dma.local [hbm:s3], $0xF7A  }
0x26: {  	[smem:$0x3F98] =	sst s1;
	(tag) =	ssettag s2;
	_ =	strace s9  }
0x27: {  	s1 =	sld [smem:$0x3FA8]  }
0x28: {  	s2 =	sld [smem:$0x3FA9]  }
0x29: {  	s4 =	sld [smem:$0x3FAB]  }
0x2a: {  	p0 =	seq.s32 s5, $0x0;
	s5 =	sld [smem:$0x3FAC]  }
0x2b: {  	s6 =	sld [smem:$0x3FAD]  }
0x2c: {  	s7 =	sld [smem:$0x3FAE]  }
0x2d: {  	s3 =	simm.s32 $0x108;
	s8 =	sld [smem:$0x3FAF]  }
0x2e: {  	s3 =	simm.s32 @!p0 $0x1082;
	s9 =	sld [smem:$0x3FB0]  }
0x2f: {  	lr =	sadd.s32 s0, s3;
	s0 =	sld [smem:$0x3FA7]  }
0x30: {  	s3 =	sld [smem:$0x3FAA]  }
0x31: {  	[smem:$0x3FB3] =	sst s10  }
0x32: {  	s10 =	sld [smem:$0x3FB1];
	_ =	sdelay $0x3  }
0x33: {  	p0 =	seq.s32 s10, $0x1;
	s10 =	sld [smem:$0x3FB3];
	_ =	sdelay $0x3  }
0x34: {  	[smem:$0x3FB3] =	sst s10  }
0x35: {  	s10 =	sld [smem:$0x3FB2];
	_ =	sdelay $0x3  }
0x36: {  	p1 =	seq.s32 s10, $0x1;
	s10 =	sld [smem:$0x3FB3];
	_ =	sdelay $0x3  }
0x37: {  	[smem:$0x3FB3] =	sst s10  }
0x38: {  	s10 =	sld [smem:$0x3FB4]  }
0x39: {  	_ = 	snop;
	(pc) =	sbr.ind lr, $3  }
0x3a: {  	_ = 	snop  }
0x3b: {  	_ = 	snop  }
0x3c: {  	p2 =	seq.s32 s10, $0x1;
	s10 =	sld [smem:$0x3FB3]  }
0x3d: {  	_ =	shalt  }
0x3e: {  	_ =	shalt  }
0x3f: {  	_ =	shalt  }
0x40: {  	_ =	shalt  }
0x41: {  	_ =	shalt  }
0x42: {  	_ =	shalt  }
0x43: {  	_ =	shalt  }
0x44: {  	_ =	shalt  }
0x45: {  	_ =	shalt  }
0x46: {  	_ =	shalt  }
0x47: {  	_ =	shalt  }
0x48: {  	_ =	shalt  }
0x49: {  	_ =	shalt  }
0x4a: {  	_ =	shalt  }
0x4b: {  	_ =	shalt  }
0x4c: {  	_ =	shalt  }
0x4d: {  	_ =	shalt  }
0x4e: {  	_ =	shalt  }
0x4f: {  	_ =	shalt  }
0x50: {  	_ =	shalt  }
0x51: {  	_ =	shalt  }
0x52: {  	_ =	shalt  }
0x53: {  	_ =	shalt  }
0x54: {  	_ =	shalt  }
0x55: {  	_ =	shalt  }
0x56: {  	_ =	shalt  }
0x57: {  	_ =	shalt  }
0x58: {  	_ =	shalt  }
0x59: {  	_ =	shalt  }
0x5a: {  	_ =	shalt  }
0x5b: {  	_ =	shalt  }
0x5c: {  	_ =	shalt  }
0x5d: {  	_ =	shalt  }
0x5e: {  	_ =	shalt  }
0x5f: {  	_ =	shalt  }
0x60: {  	_ =	shalt  }
0x61: {  	_ =	shalt  }
0x62: {  	_ =	shalt  }
0x63: {  	_ =	shalt  }
0x64: {  	_ =	shalt  }
0x65: {  	_ =	shalt  }
0x66: {  	_ =	shalt  }
0x67: {  	_ =	shalt  }
0x68: {  	_ =	shalt  }
0x69: {  	_ =	shalt  }
0x6a: {  	_ =	shalt  }
0x6b: {  	_ =	shalt  }
0x6c: {  	_ =	shalt  }
0x6d: {  	_ =	shalt  }
0x6e: {  	_ =	shalt  }
0x6f: {  	_ =	shalt  }
0x70: {  	_ =	shalt  }
0x71: {  	_ =	shalt  }
0x72: {  	_ =	shalt  }
0x73: {  	_ =	shalt  }
0x74: {  	_ =	shalt  }
0x75: {  	_ =	shalt  }
0x76: {  	_ =	shalt  }
0x77: {  	_ =	shalt  }
0x78: {  	_ =	shalt  }
0x79: {  	_ =	shalt  }
0x7a: {  	_ =	shalt  }
0x7b: {  	_ =	shalt  }
0x7c: {  	_ =	shalt  }
0x7d: {  	_ =	shalt  }
0x7e: {  	_ =	shalt  }
0x7f: {  	_ =	shalt  }
0x80: {  	_ =	shalt  }
0x81: {  	_ =	shalt  }
0x82: {  	_ =	shalt  }
0x83: {  	_ =	shalt  }
0x84: {  	_ =	shalt  }
0x85: {  	_ =	shalt  }
0x86: {  	_ =	shalt  }
0x87: {  	_ =	shalt  }
.Lfunc_end0:
.L_simem_size_0:
called_computation.2_lowered:
.L_overlay_start_0:
0x88: {  	s2 =	sld [smem:$0x3FD9]  }
0x89: {  	s3 =	sld [smem:$0x3FFE];
	_ =	sdelay $0x1  }
0x8a: {  	s1 =	srdreg.scid  }
0x8b: {  	s0 =	sand.u32 $0x1, s1  }
0x8c: {  	s17 =	sshll.u32 s0, $0xA;
	s2 =	sadd.s32 s3, s2  }
0x8d: {  	s2 =	sadd.s32 s2, s17  }
0x8e: {  	[smem:$0x3FBF] =	sst s2  }
0x8f: {  	_ = 	snop  }
0x90: {  	s2 =	sld [smem:$0x3FD0];
	(tm) =	ssettm $0x1  }
0x91: {  	s18 =	sld [smem:$0x3FFB];
	_ =	sdelay $0x3  }
0x92: {  	_ =	strace s18  }
0x93: {  	s3 =	sld [smem:$0x3FFC];
	_ =	sdelay $0x3  }
0x94: {  	_ =	strace s3  }
0x95: {  	s3 =	sld [smem:$0x3FFD];
	_ =	sdelay $0x3  }
0x96: {  	_ =	strace s3  }
0x97: {  	_ =	strace $0x8FFFFFFF  }
0x98: {  	s19 =	sld [smem:$0x3FDB];
	_ =	sdelay $0x1  }
0x99: {  	s4 =	simm.s32 $_scs_section_size  }
0x9a: {  	s5 =	simm.s32 $_size__tile_overlayer_lowered;
	s6 =	simm.s32 $_tile_overlayer_lowered  }
0x9b: {  	s22 =	simm.s32 $0x1BFF;
	s21 =	sshll.u32 s6, $0x1;
	s3 =	sadd.s32 s4, s19  }
0x9c: {  	s7 =	simm.s32 $0x0;
	s20 =	sshll.u32 s5, $0x1;
	s5 =	sadd.s32 s21, s3  }
0x9d: {  	[timem:s7], [sflag:s22] =	dma.local [hbm:s5], s20  }
0x9e: {  	_ =	swait.ge [sflag:s22], s20  }
0x9f: {  	s4 =	ssub.s32 $0x0, s20;
	[sflag:s22] =	ssyncset.done $0x0  }
0xa0: {  	[sflag:s22] =	ssyncadd.s32 s4;
	_ =	sdelay $0x1  }
0xa1: {  	s23 =	simm.s32 $0x1B8B  }
0xa2: {  	_ =	swait.ge [sflag:s23], $0x1  }
0xa3: {  	[sflag:s23] =	ssyncset.done $0x0  }
0xa4: {  	s25 =	simm.s32 $0x1B8E;
	s24 =	sld [smem:$0x3FFE];
	[sflag:s23] =	ssyncadd.s32 $0xFFFFFFFF  }
0xa5: {  	s26 =	simm.s32 $execute0_lowered;
	[smem:$0x3FD2] =	sst s25  }
0xa6: {  	s5 =	sshll.u32 s26, $0x1;
	_ =	strace $0x8000004C;
	[dreg:$0x1] =	wrdreg $0xFFFFFFFF  }
0xa7: {  	s28 =	simm.s32 $_size_execute0_lowered;
	s3 =	sadd.s32 s3, s5;
	[dreg:$0x0] =	wrdreg $0x0  }
0xa8: {  	s5 =	sshll.u32 s28, $0x1;
	[dreg:$0x2] =	wrdreg s3  }
0xa9: {  	[dreg:$0x3] =	wrdreg s5  }
0xaa: {  	[dreg:$0x4] =	wrdreg $0xC0  }
0xab: {  	_ =	task [dreg:s7], $0x5FFFF  }
0xac: {  	[dreg:$0x1] =	wrdreg $0xFFFFFFFF  }
0xad: {  	[dreg:$0x0] =	wrdreg $0x60  }
0xae: {  	[dreg:$0x2] =	wrdreg s2  }
0xaf: {  	[dreg:$0x3] =	wrdreg s24  }
0xb0: {  	[dreg:$0x4] =	wrdreg $0x0  }
0xb1: {  	[dreg:$0x5] =	wrdreg $0x9  }
0xb2: {  	_ =	task.clear_ibuf [dreg:s7], $0x6FFFF;
	_ =	strace $0x9000004C  }
0xb3: {  	s29 =	simm.s32 $0x9;
	_ =	strace $0x8000004E  }
0xb4: {  	_ =	swait.ge [sflag:s29], $0x1  }
0xb5: {  	[sflag:s29] =	ssyncadd.s32 $0xFFFFFFFF  }
0xb6: {  	_ =	strace $0x9000004E  }
0xb7: {  	_ =	sfence  }
0xb8: {  	s30 =	sld [smem:$0x0];
	_ =	sdelay $0x2  }
0xb9: {  	s31 =	sshll.u32 s1, $0xD;
	s1 =	sshrl.u32 s1, $0x2  }
0xba: {  	s3 =	sand.u32 $0x4000, s31;
	s1 =	sadd.s32 s1, s30  }
0xbb: {  	s0 =	sor.u32 s3, s0;
	s1 =	sshll.u32 s1, $0x11  }
0xbc: {  	s0 =	sor.u32 s1, s0  }
0xbd: {  	s0 =	sadd.s32 $0x8F2B, s0  }
0xbe: {  	[sflag:s0] =	ssyncadd.remote.s32 $0x1  }
0xbf: {  	_ =	sfence.sel $0xFFFF  }
0xc0: {  	[dreg:$0x0] =	wrdreg $0xFFFFFFFF;
	(pc) =	sbr.abs _section_cstart, $3  }
0xc1: {  	[dreg:$0x1] =	wrdreg $0xFFFFFFFF  }
0xc2: {  	_ =	task.clear_ibuf [dreg:s7], $0x2FFFF;
	_ =	strace $0x9FFFFFFF  }
0xc3: {  	(tm) =	ssettm $0x7FFFFFFF  }
tec
execute0_lowered:
.L_overlay_start_1:
0x0: {  	(tag) =	ssettag $0x1  }
0x1: {  	s1 =	rddreg [dreg:$0x0]  }
0x2: {  	s5 =	rddreg [dreg:$0x1]  }
0x3: {  	s3 =	rddreg [dreg:$0x2]  }
0x4: {  	s2 =	srdreg.scid;
	s0 =	rddreg [dreg:$0x3]  }
0x5: {  	s4 =	simm.s32 $0x0;
	s14 =	simm.s32 $0x1BC00;
	s15 =	simm.s32 $0x5  }
0x6: {  	s16 =	simm.s32 $0x1D000;
	s17 =	simm.s32 $0x80;
	s18 =	simm.s32 $0x13C00  }
0x7: {  	s19 =	simm.s32 $0x17C00;
	s20 =	simm.s32 $0x1BC80;
	s21 =	simm.s32 $0x1  }
0x8: {  	s22 =	simm.s32 $0x2;
	s23 =	simm.s32 $0x3;
	s24 =	simm.s32 $0x4  }
0x9: {  	s25 =	simm.s32 $0x1E300;
	s26 =	simm.s32 $0x1E380;
	s6 =	sand.u32 $0x1, s2  }
0xa: {  	s28 =	simm.s32 $0x0;
	s2 =	stileid.u32;
	s8 =	smul.u32 $0x13C000, s6  }
0xb: {  	[smem:$0x7FF] =	sst s4;
	s7 =	sshll.u32 s6, $0x4;
	s9 =	smul.u32 $0x13C00, s2  }
0xc: {  	s29 =	smul.u32 $0x4F000, s2;
	s6 =	ssub.s32 $0x2, s6;
	s7 =	sor.u32 s2, s7  }
0xd: {  	_ =	strace $0x8000004D;
	s30 =	sshrl.u32 s6, $0x1;
	s7 =	smul.u32 $0x280, s7  }
0xe: {  	s8 =	sadd.s32 s9, s8;
	s31 =	sshrl.u32 s29, $0x2;
	s13 =	ssub.s32 s6, s30  }
0xf: {  	s8 =	sshrl.u32 s8, $0x3;
	s6 =	sadd.s32 s31, s3;
	s13 =	smax.u32 s13, $0x1  }
0x10: {  	s7 =	sadd.s32 s7, s5;
	s12 =	sadd.s32 s8, s5;
	s8 =	sadd.s32 $0x4000, s6  }
0x11: {  	s9 =	sadd.s32 $0x8000, s6;
	s10 =	sadd.s32 $0xC000, s6;
	s11 =	sadd.s32 $0x10000, s6  }
0x12: {  	v0 =	vimm.f32 $0.0e+00;
	s5 =	sadd.s32 $0x8000, s7;
	s7 =	sadd.s32 $0x3000, s7;
	s12 =	sadd.s32 $0xD000, s12  }
.LBB2_1:
0x13: {  	[tilespmem:s14], [sflag:$0x5] =	stream.linear.gather [hbm4b:s5+s4], $0x1400, $0x38;
	[tilespmem:$0x1E400] =	vst v63  }
0x14: {  	_ =	swait.ge [sflag:s15], $0x1400  }
0x15: {  	[sflag:s15] =	ssyncset.done $0x0  }
0x16: {  	[sflag:s15] =	ssyncadd.s32 $0xFFFFEC00  }
0x17: {  	[tilespmem:s16], [sflag:$0x5] =	stream.linear.gather [hbm4b:s7+s4], $0x1400, $0x38;
	[tilespmem:$0x1E400] =	vst v63  }
0x18: {  	_ =	swait.ge [sflag:s15], $0x1400  }
0x19: {  	[sflag:s15] =	ssyncset.done $0x0  }
0x1a: {  	s29 =	simm.s32 $0x0;
	s30 =	simm.s32 $0x200;
	[sflag:s15] =	ssyncadd.s32 $0xFFFFEC00  }
.LBB2_2:
0x1b: {  	p0 =	sne.s32 s30, $0xFE00;
	[tilespmem:s29+$0x17C70] =	vst v0  }
0x1c: {  	[tilespmem:s29+$0x17C00] =	vst v0  }
0x1d: {  	[tilespmem:s29+$0x17C10] =	vst v0  }
.Ltmp0:
0x1e: {  	[tilespmem:s29+$0x17C20] =	vst v0;
	(pc) =	sbr.rel @p0 .LBB2_2-.Ltmp0, $4  }
0x1f: {  	[tilespmem:s29+$0x17C30] =	vst v0  }
0x20: {  	[tilespmem:s29+$0x17C40] =	vst v0  }
0x21: {  	[tilespmem:s29+$0x17C50] =	vst v0  }
0x22: {  	[tilespmem:s29+$0x17C60] =	vst v0;
	s29 =	sshra.s32 s30, $0x2;
	s30 =	sadd.s32 $0x200, s30  }
0x23: {  	[tilespmem:s29+$0x17C70] =	vst v0  }
0x24: {  	[tilespmem:s29+$0x17C00] =	vst v0  }
0x25: {  	[tilespmem:s29+$0x17C10] =	vst v0  }
0x26: {  	[tilespmem:s29+$0x17C20] =	vst v0  }
0x27: {  	[tilespmem:s29+$0x17C30] =	vst v0  }
0x28: {  	[tilespmem:s29+$0x17C40] =	vst v0  }
0x29: {  	[tilespmem:s29+$0x17C50] =	vst v0  }
0x2a: {  	[tilespmem:s29+$0x17C60] =	vst v0  }
0x2b: {  	[tilespmem:s18], [sflag:$0x1] =	stream.indirect.gather [hbm4b:s1+s17], $0x80, s14, s17, $0xb8;
	[tilespmem:$0x1E400] =	vst v63  }
0x2c: {  	_ = 	snop  }
0x2d: {  	[spmem:s6] =	stream.linear.scatter [tilespmem:s19], [sflag:$0x5], $0x4000, $0x38;
	[tilespmem:$0x1E400] =	vst v63  }
0x2e: {  	_ =	swait.ge [sflag:s15], $0x4000  }
0x2f: {  	[sflag:s15] =	ssyncset.done $0x0  }
0x30: {  	[sflag:s15] =	ssyncadd.s32 $0xFFFFC000  }
0x31: {  	[spmem:s8] =	stream.linear.scatter [tilespmem:s19], [sflag:$0x5], $0x4000, $0x38;
	[tilespmem:$0x1E400] =	vst v63  }
0x32: {  	_ =	swait.ge [sflag:s15], $0x4000  }
0x33: {  	[sflag:s15] =	ssyncset.done $0x0  }
0x34: {  	[sflag:s15] =	ssyncadd.s32 $0xFFFFC000  }
0x35: {  	[spmem:s9] =	stream.linear.scatter [tilespmem:s19], [sflag:$0x5], $0x4000, $0x38;
	[tilespmem:$0x1E400] =	vst v63  }
0x36: {  	_ =	swait.ge [sflag:s15], $0x4000  }
0x37: {  	[sflag:s15] =	ssyncset.done $0x0  }
0x38: {  	[sflag:s15] =	ssyncadd.s32 $0xFFFFC000  }
0x39: {  	[spmem:s10] =	stream.linear.scatter [tilespmem:s19], [sflag:$0x5], $0x4000, $0x38;
	[tilespmem:$0x1E400] =	vst v63  }
0x3a: {  	_ =	swait.ge [sflag:s15], $0x4000  }
0x3b: {  	[sflag:s15] =	ssyncset.done $0x0  }
0x3c: {  	[sflag:s15] =	ssyncadd.s32 $0xFFFFC000  }
0x3d: {  	[spmem:s11] =	stream.linear.scatter [tilespmem:s19], [sflag:$0x5], $0x3C00, $0x38;
	[tilespmem:$0x1E400] =	vst v63  }
0x3e: {  	_ =	swait.ge [sflag:s15], $0x3C00  }
0x3f: {  	[sflag:s15] =	ssyncset.done $0x0  }
0x40: {  	[sflag:s15] =	ssyncadd.s32 $0xFFFFC400  }
0x41: {  	[tilespmem:s19], [sflag:$0x2] =	stream.indirect.gather [hbm4b:s1+s17], $0x80, s20, s17, $0xb8;
	[tilespmem:$0x1E400] =	vst v63  }
0x42: {  	[bflag:$0x0] =	sbarrier.arrive $0xFFFF  }
0x43: {  	_ =	swait.ge [sflag:s21], $0x4000  }
0x44: {  	[sflag:s21] =	ssyncset.done $0x0  }
0x45: {  	s29 =	simm.s32 $0x1D000;
	[sflag:s21] =	ssyncadd.s32 $0xFFFFC000  }
0x46: {  	[spmem:s3] =	stream.indirect.scatter.add.f32 [tilespmem:s18], [sflag:$0x3], $0x80, s29, s17, $0xb8;
	[tilespmem:$0x1E400] =	vst v63  }
0x47: {  	_ =	swait.ge [sflag:s22], $0x4000  }
0x48: {  	[sflag:s22] =	ssyncset.done $0x0  }
0x49: {  	s29 =	simm.s32 $0x1D080;
	[sflag:s22] =	ssyncadd.s32 $0xFFFFC000  }
0x4a: {  	[spmem:s3] =	stream.indirect.scatter.add.f32 [tilespmem:s19], [sflag:$0x4], $0x80, s29, s17, $0xb8;
	[tilespmem:$0x1E400] =	vst v63  }
0x4b: {  	_ =	swait.ge [sflag:s23], $0x4000  }
0x4c: {  	[sflag:s23] =	ssyncset.done $0x0  }
0x4d: {  	s29 =	simm.s32 $0x1BD00;
	[sflag:s23] =	ssyncadd.s32 $0xFFFFC000  }
0x4e: {  	[tilespmem:s18], [sflag:$0x1] =	stream.indirect.gather [hbm4b:s1+s17], $0x80, s29, s17, $0xb8;
	[tilespmem:$0x1E400] =	vst v63  }
0x4f: {  	_ =	swait.ge [sflag:s24], $0x4000  }
0x50: {  	[sflag:s24] =	ssyncset.done $0x0  }
0x51: {  	s30 =	simm.s32 $0x1BD80;
	s29 =	simm.s32 $0x400;
	[sflag:s24] =	ssyncadd.s32 $0xFFFFC000  }
.LBB2_4:
0x52: {  	[tilespmem:s19], [sflag:$0x2] =	stream.indirect.gather [hbm4b:s1+s17], $0x80, s30, s17, $0xb8;
	[tilespmem:$0x1E400] =	vst v63  }
0x53: {  	s30 =	smov.u32 s29  }
0x54: {  	p0 =	sne.s32 s29, $0x4800;
	s29 =	sadd.s32 $0x400, s29;
	_ =	swait.ge [sflag:s21], $0x4000  }
0x55: {  	s30 =	sshra.s32 s30, $0x2;
	[sflag:s21] =	ssyncset.done $0x0  }
0x56: {  	s31 =	sadd.s32 $0x1D000, s30;
	[sflag:s21] =	ssyncadd.s32 $0xFFFFC000  }
0x57: {  	[spmem:s3] =	stream.indirect.scatter.add.f32 [tilespmem:s18], [sflag:$0x3], $0x80, s31, s17, $0xb8;
	[tilespmem:$0x1E400] =	vst v63  }
0x58: {  	_ =	swait.ge [sflag:s22], $0x4000  }
0x59: {  	[sflag:s22] =	ssyncset.done $0x0  }
0x5a: {  	s31 =	sadd.s32 $0x1D080, s30;
	[sflag:s22] =	ssyncadd.s32 $0xFFFFC000  }
0x5b: {  	[spmem:s3] =	stream.indirect.scatter.add.f32 [tilespmem:s19], [sflag:$0x4], $0x80, s31, s17, $0xb8;
	[tilespmem:$0x1E400] =	vst v63  }
0x5c: {  	_ =	swait.ge [sflag:s23], $0x4000  }
0x5d: {  	[sflag:s23] =	ssyncset.done $0x0  }
.Ltmp1:
0x5e: {  	s31 =	sadd.s32 $0x1BD00, s30;
	[sflag:s23] =	ssyncadd.s32 $0xFFFFC000;
	(pc) =	sbr.rel @p0 .LBB2_4-.Ltmp1, $4  }
0x5f: {  	[tilespmem:s18], [sflag:$0x1] =	stream.indirect.gather [hbm4b:s1+s17], $0x80, s31, s17, $0xb8;
	[tilespmem:$0x1E400] =	vst v63  }
0x60: {  	_ =	swait.ge [sflag:s24], $0x4000  }
0x61: {  	[sflag:s24] =	ssyncset.done $0x0  }
0x62: {  	s30 =	sadd.s32 $0x1BD80, s30;
	[sflag:s24] =	ssyncadd.s32 $0xFFFFC000  }
0x63: {  	[tilespmem:s19], [sflag:$0x2] =	stream.indirect.gather [hbm4b:s1+s17], $0x80, s30, s17, $0xb8;
	[tilespmem:$0x1E400] =	vst v63  }
0x64: {  	_ =	swait.ge [sflag:s21], $0x4000  }
0x65: {  	[sflag:s21] =	ssyncset.done $0x0  }
0x66: {  	[sflag:s21] =	ssyncadd.s32 $0xFFFFC000  }
0x67: {  	[spmem:s3] =	stream.indirect.scatter.add.f32 [tilespmem:s18], [sflag:$0x3], $0x80, s25, s17, $0xb8;
	[tilespmem:$0x1E400] =	vst v63  }
0x68: {  	_ =	swait.ge [sflag:s22], $0x4000  }
0x69: {  	[sflag:s22] =	ssyncset.done $0x0  }
0x6a: {  	[sflag:s22] =	ssyncadd.s32 $0xFFFFC000  }
0x6b: {  	[spmem:s3] =	stream.indirect.scatter.add.f32 [tilespmem:s19], [sflag:$0x4], $0x80, s26, s17, $0xb8;
	[tilespmem:$0x1E400] =	vst v63  }
0x6c: {  	_ =	swait.ge [sflag:s23], $0x4000  }
0x6d: {  	[sflag:s23] =	ssyncset.done $0x0  }
0x6e: {  	[sflag:s23] =	ssyncadd.s32 $0xFFFFC000  }
0x6f: {  	_ =	swait.ge [sflag:s24], $0x4000  }
0x70: {  	s29 =	sshll.u32 s2, $0x6;
	s28 =	sadd.s32 $0x1, s28;
	[sflag:s24] =	ssyncset.done $0x0  }
0x71: {  	s31 =	sshrl.u32 s6, $0x3;
	p0 =	sne.s32 s28, s13;
	[sflag:s24] =	ssyncadd.s32 $0xFFFFC000  }
.Ltmp2:
0x72: {  	s29 =	sor.u32 $0x1C05, s29;
	[bflag:$0x0] =	sbarrier.arrive $0xFFFF;
	(pc) =	sbr.rel @p0 .LBB2_1-.Ltmp2, $4  }
0x73: {  	[hbm:s12], [sflag:s29] =	dma.local [spmem:s31], $0x2780  }
0x74: {  	_ =	swait.ge [sflag:s15], $0x2780  }
0x75: {  	[sflag:s15] =	ssyncset.done $0x0  }
0x76: {  	[sflag:s15] =	ssyncadd.s32 $0xFFFFD880  }
0x77: {  	_ =	sfence.sel $0x180000  }
0x78: {  	[bflag:$0x0] =	sbarrier.arrive $0xFFFF  }
0x79: {  	p0 =	sne.s32 s2, $0x0;
	_ =	strace $0x9000004D  }
0x7a: {  	s0 =	sadd.s32 @!p0 $0x100000, s0;
	[bflag:$0x2] =	sbarrier.arrive $0xFFFF  }
0x7b: {  	[sflag:s0] =	ssyncadd.tile.s32 @!p0 $0x1;
	_ =	shalt  }
.Lfunc_end2:
_tile_overlayer_lowered:
.L_overlay_start_2:
0x7c: {  	(tag) =	ssettag $0x2  }
0x7d: {  	s0 =	rddreg [dreg:$0x0];
	s2 =	stileid.u32  }
0x7e: {  	s1 =	rddreg [dreg:$0x1];
	p0 =	sne.s32 s2, $0x0  }
0x7f: {  	s3 =	rddreg [dreg:$0x2];
	[bflag:$0x3] =	sbarrier.arrive $0xFFFF;
	s2 =	simm.s32 @!p0 $0x1C05  }
0x80: {  	[timem:s3], [sflag:s2] =	dma.local @!p0 [hbm:s0], s1  }
0x81: {  	s0 =	simm.s32 @!p0 $0x5  }
0x82: {  	_ =	swait.ge @!p0 [sflag:s0], s1  }
0x83: {  	s1 =	ssub.s32 @!p0 $0x0, s1;
	[sflag:s0] =	ssyncset.done @!p0 $0x0  }
0x84: {  	[sflag:s0] =	ssyncadd.s32 @!p0 s1  }
0x85: {  	[bflag:$0x3] =	sbarrier.arrive $0xFFFF  }
0x86: {  	_ =	shalt  }

// kernel: kernel.9.cloned.1.call-start
scs
__scs_entry_jumppad:
0x0: {  	(pc) =	sbr.rel $0x88, $3  }
0x1: {  	(tag) =	ssettag $0x0;
	lr =	simm.s32 $0x1  }
0x2: {  	[smem:$0x3F98] =	sst lr;
	_ =	strace $0xD0000000  }
0x3: {  	_ = 	snop  }
0x4: {  	_ = 	snop  }
0x5: {  	_ = 	snop  }
0x6: {  	_ = 	snop  }
0x7: {  	_ = 	snop  }
__scs_overlays_trampoline_lowered:
0x8: {  	[smem:$0x3FA7] =	sst s0  }
0x9: {  	[smem:$0x3FA8] =	sst s1  }
0xa: {  	[smem:$0x3FA9] =	sst s2  }
0xb: {  	[smem:$0x3FAA] =	sst s3  }
0xc: {  	[smem:$0x3FAB] =	sst s4  }
0xd: {  	[smem:$0x3FAC] =	sst s5  }
0xe: {  	[smem:$0x3FAD] =	sst s6  }
0xf: {  	[smem:$0x3FAE] =	sst s7  }
0x10: {  	[smem:$0x3FAF] =	sst s8  }
0x11: {  	[smem:$0x3FB0] =	sst s9;
	s0 =	simm.s32 @!p0 $0x0  }
0x12: {  	s1 =	sld [smem:$0x3F96];
	s0 =	simm.s32 @p0 $0x1  }
0x13: {  	[smem:$0x3FB1] =	sst s0;
	s0 =	simm.s32 @!p1 $0x0  }
0x14: {  	s2 =	sld [smem:$0x3F95];
	s0 =	simm.s32 @p1 $0x1  }
0x15: {  	[smem:$0x3FB2] =	sst s0;
	s0 =	simm.s32 @!p2 $0x0  }
0x16: {  	s3 =	sld [smem:$0x3FDB];
	s0 =	simm.s32 @p2 $0x1  }
0x17: {  	s4 =	simm.s32 $0x1BF5;
	[smem:$0x3FB4] =	sst s0  }
0x18: {  	s0 =	sld [smem:$0x3F97];
	_ =	swait.ge [sflag:s4], $0x0  }
0x19: {  	s7 =	sld [smem:$0x3F98]  }
0x1a: {  	s8 =	sadd.s32 $0xFFFFE003, lr  }
0x1b: {  	s9 =	sadd.s32 $0xFFFFFEF7, lr;
	s5 =	simm.s32 $0xFFFFFFFF;
	p2 =	slt.u32 s8, $0xFFFFF086  }
0x1c: {  	p1 =	slt.u32 s9, $0xF7A;
	s5 =	simm.s32 @!p2 $0x0  }
0x1d: {  	s5 =	simm.s32 @p1 $0x1;
	p0 =	seq.s32 s7, s2  }
0x1e: {  	s7 =	smul.u32 @!p0 $0xF7A, s2;
	p2 =	seq.s32 @!p0 s5, $0x0  }
0x1f: {  	s9 =	smul.u32 $0xF7A, s1;
	s8 =	simm.s32 @!p0 $0x1BF5;
	p2 =	por !p2, p0  }
0x20: {  	[sflag:s8] =	ssyncset.s32 @!p0 $0xFFFFF086;
	s6 =	sadd.s32 @!p0 s3, s7;
	s7 =	simm.s32 @!p0 $0x108  }
0x21: {  	s3 =	sadd.s32 s3, s9;
	s6 =	sadd.s32 @!p0 $0x88, s6;
	s7 =	simm.s32 @p2 $0x1082  }
0x22: {  	[simem:s7], [sflag:s8] =	dma.local @!p0 [hbm:s6], $0xF7A  }
0x23: {  	s9 =	sor.u32 $0xD0000000, s2;
	s6 =	simm.s32 $0x108;
	_ =	swait.ge @!p0 [sflag:s8], $0x0  }
0x24: {  	s3 =	sadd.s32 $0x88, s3;
	s6 =	simm.s32 @!p1 $0x1082;
	[sflag:s4] =	ssyncset.s32 $0xFFFFF086  }
0x25: {  	[simem:s6], [sflag:s4] =	dma.local [hbm:s3], $0xF7A  }
0x26: {  	[smem:$0x3F98] =	sst s1;
	(tag) =	ssettag s2;
	_ =	strace s9  }
0x27: {  	s1 =	sld [smem:$0x3FA8]  }
0x28: {  	s2 =	sld [smem:$0x3FA9]  }
0x29: {  	s4 =	sld [smem:$0x3FAB]  }
0x2a: {  	p0 =	seq.s32 s5, $0x0;
	s5 =	sld [smem:$0x3FAC]  }
0x2b: {  	s6 =	sld [smem:$0x3FAD]  }
0x2c: {  	s7 =	sld [smem:$0x3FAE]  }
0x2d: {  	s3 =	simm.s32 $0x108;
	s8 =	sld [smem:$0x3FAF]  }
0x2e: {  	s3 =	simm.s32 @!p0 $0x1082;
	s9 =	sld [smem:$0x3FB0]  }
0x2f: {  	lr =	sadd.s32 s0, s3;
	s0 =	sld [smem:$0x3FA7]  }
0x30: {  	s3 =	sld [smem:$0x3FAA]  }
0x31: {  	[smem:$0x3FB3] =	sst s10  }
0x32: {  	s10 =	sld [smem:$0x3FB1];
	_ =	sdelay $0x3  }
0x33: {  	p0 =	seq.s32 s10, $0x1;
	s10 =	sld [smem:$0x3FB3];
	_ =	sdelay $0x3  }
0x34: {  	[smem:$0x3FB3] =	sst s10  }
0x35: {  	s10 =	sld [smem:$0x3FB2];
	_ =	sdelay $0x3  }
0x36: {  	p1 =	seq.s32 s10, $0x1;
	s10 =	sld [smem:$0x3FB3];
	_ =	sdelay $0x3  }
0x37: {  	[smem:$0x3FB3] =	sst s10  }
0x38: {  	s10 =	sld [smem:$0x3FB4]  }
0x39: {  	_ = 	snop;
	(pc) =	sbr.ind lr, $3  }
0x3a: {  	_ = 	snop  }
0x3b: {  	_ = 	snop  }
0x3c: {  	p2 =	seq.s32 s10, $0x1;
	s10 =	sld [smem:$0x3FB3]  }
0x3d: {  	_ =	shalt  }
0x3e: {  	_ =	shalt  }
0x3f: {  	_ =	shalt  }
0x40: {  	_ =	shalt  }
0x41: {  	_ =	shalt  }
0x42: {  	_ =	shalt  }
0x43: {  	_ =	shalt  }
0x44: {  	_ =	shalt  }
0x45: {  	_ =	shalt  }
0x46: {  	_ =	shalt  }
0x47: {  	_ =	shalt  }
0x48: {  	_ =	shalt  }
0x49: {  	_ =	shalt  }
0x4a: {  	_ =	shalt  }
0x4b: {  	_ =	shalt  }
0x4c: {  	_ =	shalt  }
0x4d: {  	_ =	shalt  }
0x4e: {  	_ =	shalt  }
0x4f: {  	_ =	shalt  }
0x50: {  	_ =	shalt  }
0x51: {  	_ =	shalt  }
0x52: {  	_ =	shalt  }
0x53: {  	_ =	shalt  }
0x54: {  	_ =	shalt  }
0x55: {  	_ =	shalt  }
0x56: {  	_ =	shalt  }
0x57: {  	_ =	shalt  }
0x58: {  	_ =	shalt  }
0x59: {  	_ =	shalt  }
0x5a: {  	_ =	shalt  }
0x5b: {  	_ =	shalt  }
0x5c: {  	_ =	shalt  }
0x5d: {  	_ =	shalt  }
0x5e: {  	_ =	shalt  }
0x5f: {  	_ =	shalt  }
0x60: {  	_ =	shalt  }
0x61: {  	_ =	shalt  }
0x62: {  	_ =	shalt  }
0x63: {  	_ =	shalt  }
0x64: {  	_ =	shalt  }
0x65: {  	_ =	shalt  }
0x66: {  	_ =	shalt  }
0x67: {  	_ =	shalt  }
0x68: {  	_ =	shalt  }
0x69: {  	_ =	shalt  }
0x6a: {  	_ =	shalt  }
0x6b: {  	_ =	shalt  }
0x6c: {  	_ =	shalt  }
0x6d: {  	_ =	shalt  }
0x6e: {  	_ =	shalt  }
0x6f: {  	_ =	shalt  }
0x70: {  	_ =	shalt  }
0x71: {  	_ =	shalt  }
0x72: {  	_ =	shalt  }
0x73: {  	_ =	shalt  }
0x74: {  	_ =	shalt  }
0x75: {  	_ =	shalt  }
0x76: {  	_ =	shalt  }
0x77: {  	_ =	shalt  }
0x78: {  	_ =	shalt  }
0x79: {  	_ =	shalt  }
0x7a: {  	_ =	shalt  }
0x7b: {  	_ =	shalt  }
0x7c: {  	_ =	shalt  }
0x7d: {  	_ =	shalt  }
0x7e: {  	_ =	shalt  }
0x7f: {  	_ =	shalt  }
0x80: {  	_ =	shalt  }
0x81: {  	_ =	shalt  }
0x82: {  	_ =	shalt  }
0x83: {  	_ =	shalt  }
0x84: {  	_ =	shalt  }
0x85: {  	_ =	shalt  }
0x86: {  	_ =	shalt  }
0x87: {  	_ =	shalt  }
.Lfunc_end0:
.L_simem_size_0:
called_computation_lowered:
.L_overlay_start_0:
0x88: {  	s2 =	sld [smem:$0x3FD9]  }
0x89: {  	s3 =	sld [smem:$0x3FFE];
	_ =	sdelay $0x1  }
0x8a: {  	s1 =	srdreg.scid  }
0x8b: {  	s0 =	sand.u32 $0x1, s1  }
0x8c: {  	s16 =	sshll.u32 s0, $0xA;
	s2 =	sadd.s32 s3, s2  }
0x8d: {  	s2 =	sadd.s32 s2, s16  }
0x8e: {  	[smem:$0x3FBF] =	sst s2  }
0x8f: {  	_ = 	snop  }
0x90: {  	(tm) =	ssettm $0x1  }
0x91: {  	s17 =	sld [smem:$0x3FFB];
	_ =	sdelay $0x3  }
0x92: {  	_ =	strace s17  }
0x93: {  	s2 =	sld [smem:$0x3FFC];
	_ =	sdelay $0x3  }
0x94: {  	_ =	strace s2  }
0x95: {  	s2 =	sld [smem:$0x3FFD];
	_ =	sdelay $0x3  }
0x96: {  	_ =	strace s2  }
0x97: {  	_ =	strace $0x8FFFFFFF  }
0x98: {  	s18 =	sld [smem:$0x3FDB];
	_ =	sdelay $0x1  }
0x99: {  	s19 =	simm.s32 $_scs_section_size  }
0x9a: {  	s4 =	simm.s32 $_size__tile_overlayer_lowered;
	s5 =	simm.s32 $_tile_overlayer_lowered  }
0x9b: {  	s22 =	simm.s32 $0x1BFF;
	s21 =	sshll.u32 s5, $0x1;
	s2 =	sadd.s32 s19, s18  }
0x9c: {  	s6 =	simm.s32 $0x0;
	s20 =	sshll.u32 s4, $0x1;
	s4 =	sadd.s32 s21, s2  }
0x9d: {  	[timem:s6], [sflag:s22] =	dma.local [hbm:s4], s20  }
0x9e: {  	_ =	swait.ge [sflag:s22], s20  }
0x9f: {  	s3 =	ssub.s32 $0x0, s20;
	[sflag:s22] =	ssyncset.done $0x0  }
0xa0: {  	[sflag:s22] =	ssyncadd.s32 s3;
	_ =	sdelay $0x1  }
0xa1: {  	s23 =	simm.s32 $0x1B8B  }
0xa2: {  	_ =	swait.ge [sflag:s23], $0x1  }
0xa3: {  	[sflag:s23] =	ssyncset.done $0x0  }
0xa4: {  	s25 =	simm.s32 $0x1B8E;
	s24 =	sld [smem:$0x3FFE];
	[sflag:s23] =	ssyncadd.s32 $0xFFFFFFFF  }
0xa5: {  	s26 =	simm.s32 $execute0_lowered;
	[smem:$0x3FD2] =	sst s25  }
0xa6: {  	s4 =	sshll.u32 s26, $0x1;
	_ =	strace $0x80000046;
	[dreg:$0x1] =	wrdreg $0xFFFFFFFF  }
0xa7: {  	s28 =	simm.s32 $_size_execute0_lowered;
	s2 =	sadd.s32 s2, s4;
	[dreg:$0x0] =	wrdreg $0x0  }
0xa8: {  	s4 =	sshll.u32 s28, $0x1;
	[dreg:$0x2] =	wrdreg s2  }
0xa9: {  	[dreg:$0x3] =	wrdreg s4  }
0xaa: {  	[dreg:$0x4] =	wrdreg $0xC0  }
0xab: {  	_ =	task [dreg:s6], $0x5FFFF  }
0xac: {  	[dreg:$0x1] =	wrdreg $0xFFFFFFFF  }
0xad: {  	[dreg:$0x0] =	wrdreg $0x60  }
0xae: {  	[dreg:$0x2] =	wrdreg s24  }
0xaf: {  	[dreg:$0x3] =	wrdreg $0x0  }
0xb0: {  	[dreg:$0x4] =	wrdreg $0x9  }
0xb1: {  	_ =	task.clear_ibuf [dreg:s6], $0x5FFFF;
	_ =	strace $0x90000046  }
0xb2: {  	s29 =	simm.s32 $0x9;
	_ =	strace $0x80000048  }
0xb3: {  	_ =	swait.ge [sflag:s29], $0x1  }
0xb4: {  	[sflag:s29] =	ssyncadd.s32 $0xFFFFFFFF  }
0xb5: {  	_ =	strace $0x90000048  }
0xb6: {  	_ =	sfence  }
0xb7: {  	s30 =	sld [smem:$0x0];
	_ =	sdelay $0x2  }
0xb8: {  	s31 =	sshll.u32 s1, $0xD;
	s1 =	sshrl.u32 s1, $0x2  }
0xb9: {  	s3 =	sand.u32 $0x4000, s31;
	s1 =	sadd.s32 s1, s30  }
0xba: {  	s0 =	sor.u32 s3, s0;
	s1 =	sshll.u32 s1, $0x11  }
0xbb: {  	s0 =	sor.u32 s1, s0  }
0xbc: {  	s0 =	sadd.s32 $0x8F2B, s0  }
0xbd: {  	[sflag:s0] =	ssyncadd.remote.s32 $0x1  }
0xbe: {  	_ =	sfence.sel $0xFFFF  }
0xbf: {  	[dreg:$0x0] =	wrdreg $0xFFFFFFFF;
	(pc) =	sbr.abs _section_cstart, $3  }
0xc0: {  	[dreg:$0x1] =	wrdreg $0xFFFFFFFF  }
0xc1: {  	_ =	task.clear_ibuf [dreg:s6], $0x2FFFF;
	_ =	strace $0x9FFFFFFF  }
0xc2: {  	(tm) =	ssettm $0x7FFFFFFF  }
0xc3: {  	_ =	shalt  }
tec
execute0_lowered:
.L_overlay_start_1:
0x0: {  	(tag) =	ssettag $0x1  }
0x1: {  	s0 =	srdreg.scid;
	s3 =	rddreg [dreg:$0x0]  }
0x2: {  	s6 =	stileid.u32;
	s2 =	rddreg [dreg:$0x1];
	s5 =	simm.s32 $0x0  }
0x3: {  	s12 =	simm.s32 $0x17C00;
	s13 =	simm.s32 $0x1;
	s14 =	simm.s32 $0x13C00  }
0x4: {  	s15 =	simm.s32 $0x80;
	s22 =	simm.s32 $0x18880;
	s23 =	simm.s32 $0x18900  }
0x5: {  	s24 =	simm.s32 $0x18980;
	s28 =	simm.s32 $0x18B00;
	s29 =	simm.s32 $0x18B80  }
0x6: {  	s30 =	simm.s32 $0x18C00;
	s31 =	simm.s32 $0x18C80;
	s16 =	simm.s32 $0x18E00  }
0x7: {  	s17 =	simm.s32 $0x18E80;
	s18 =	simm.s32 $0x18F80;
	s19 =	simm.s32 $0x0  }
0x8: {  	s0 =	sand.u32 $0x1, s0;
	[smem:$0x7FF] =	sst s5;
	s25 =	smul.u32 $0x13C00, s6  }
0x9: {  	s1 =	sshll.u32 s0, $0x4;
	s4 =	smul.u32 $0x13C000, s0;
	_ =	strace $0x80000047  }
0xa: {  	s0 =	ssub.s32 $0x2, s0;
	s1 =	sor.u32 s6, s1;
	s6 =	smul.u32 $0x4F000, s6  }
0xb: {  	s26 =	sshrl.u32 s0, $0x1;
	s1 =	smul.u32 $0x280, s1;
	s4 =	sadd.s32 s25, s4  }
0xc: {  	s0 =	ssub.s32 s0, s26;
	s25 =	simm.s32 $0x18A00;
	s26 =	simm.s32 $0x18A80  }
0xd: {  	s4 =	sshrl.u32 s4, $0x3;
	s6 =	sshrl.u32 s6, $0x2;
	s11 =	smax.u32 s0, $0x1  }
0xe: {  	s1 =	sadd.s32 s1, s3;
	s3 =	sadd.s32 s4, s3;
	s4 =	sadd.s32 s6, s2  }
0xf: {  	s0 =	simm.s32 $0x18F00;
	s5 =	sadd.s32 $0x3000, s1;
	s6 =	sadd.s32 $0x4000, s4  }
0x10: {  	s7 =	sadd.s32 $0x8000, s4;
	s8 =	sadd.s32 $0xC000, s4;
	s9 =	sadd.s32 $0x10000, s4  }
0x11: {  	v0 =	vimm.f32 $0.0e+00;
	v1 =	vimm.f32 $1.000000000e+00;
	s10 =	sadd.s32 $0xD000, s3;
	s1 =	simm.s32 $0x18D00;
	s3 =	simm.s32 $0x18D80  }
.LBB2_1:
0x12: {  	s20 =	simm.s32 $0x0  }
0x13: {  	[tilespmem:s12], [sflag:$0x1] =	stream.linear.gather [hbm4b:s5+s20], $0x1400, $0x38;
	[tilespmem:$0x19000] =	vst v63  }
0x14: {  	_ =	swait.ge [sflag:s13], $0x1400  }
0x15: {  	[sflag:s13] =	ssyncset.done $0x0  }
0x16: {  	s21 =	simm.s32 $0x200;
	s20 =	simm.s32 $0x0;
	[sflag:s13] =	ssyncadd.s32 $0xFFFFEC00  }
.LBB2_2:
0x17: {  	p0 =	sne.s32 s21, $0xFE00;
	[tilespmem:s20+$0x13C70] =	vst v0  }
0x18: {  	[tilespmem:s20+$0x13C00] =	vst v0  }
0x19: {  	[tilespmem:s20+$0x13C10] =	vst v0  }
.Ltmp0:
0x1a: {  	[tilespmem:s20+$0x13C20] =	vst v0;
	(pc) =	sbr.rel @p0 .LBB2_2-.Ltmp0, $4  }
0x1b: {  	[tilespmem:s20+$0x13C30] =	vst v0  }
0x1c: {  	[tilespmem:s20+$0x13C40] =	vst v0  }
0x1d: {  	[tilespmem:s20+$0x13C50] =	vst v0  }
0x1e: {  	[tilespmem:s20+$0x13C60] =	vst v0;
	s20 =	sshra.s32 s21, $0x2;
	s21 =	sadd.s32 $0x200, s21  }
0x1f: {  	[tilespmem:s20+$0x13C70] =	vst v0  }
0x20: {  	[tilespmem:s20+$0x13C00] =	vst v0  }
0x21: {  	[tilespmem:s20+$0x13C10] =	vst v0  }
0x22: {  	[tilespmem:s20+$0x13C20] =	vst v0  }
0x23: {  	[tilespmem:s20+$0x13C30] =	vst v0  }
0x24: {  	[tilespmem:s20+$0x13C40] =	vst v0  }
0x25: {  	[tilespmem:s20+$0x13C50] =	vst v0  }
0x26: {  	[tilespmem:s20+$0x13C60] =	vst v0  }
0x27: {  	[spmem:s4] =	stream.linear.scatter [tilespmem:s14], [sflag:$0x1], $0x4000, $0x38;
	[tilespmem:$0x19000] =	vst v63  }
0x28: {  	_ =	swait.ge [sflag:s13], $0x4000  }
0x29: {  	[sflag:s13] =	ssyncset.done $0x0  }
0x2a: {  	[sflag:s13] =	ssyncadd.s32 $0xFFFFC000  }
0x2b: {  	[spmem:s6] =	stream.linear.scatter [tilespmem:s14], [sflag:$0x1], $0x4000, $0x38;
	[tilespmem:$0x19000] =	vst v63  }
0x2c: {  	_ =	swait.ge [sflag:s13], $0x4000  }
0x2d: {  	[sflag:s13] =	ssyncset.done $0x0  }
0x2e: {  	[sflag:s13] =	ssyncadd.s32 $0xFFFFC000  }
0x2f: {  	[spmem:s7] =	stream.linear.scatter [tilespmem:s14], [sflag:$0x1], $0x4000, $0x38;
	[tilespmem:$0x19000] =	vst v63  }
0x30: {  	_ =	swait.ge [sflag:s13], $0x4000  }
0x31: {  	[sflag:s13] =	ssyncset.done $0x0  }
0x32: {  	[sflag:s13] =	ssyncadd.s32 $0xFFFFC000  }
0x33: {  	[spmem:s8] =	stream.linear.scatter [tilespmem:s14], [sflag:$0x1], $0x4000, $0x38;
	[tilespmem:$0x19000] =	vst v63  }
0x34: {  	_ =	swait.ge [sflag:s13], $0x4000  }
0x35: {  	[sflag:s13] =	ssyncset.done $0x0  }
0x36: {  	[sflag:s13] =	ssyncadd.s32 $0xFFFFC000  }
0x37: {  	[spmem:s9] =	stream.linear.scatter [tilespmem:s14], [sflag:$0x1], $0x3C00, $0x38;
	[tilespmem:$0x19000] =	vst v63  }
0x38: {  	_ =	swait.ge [sflag:s13], $0x3C00  }
0x39: {  	[sflag:s13] =	ssyncset.done $0x0  }
0x3a: {  	s20 =	simm.s32 $0x200;
	s21 =	simm.s32 $0x0;
	[sflag:s13] =	ssyncadd.s32 $0xFFFFC400  }
.LBB2_4:
0x3b: {  	p0 =	sne.s32 s20, $0xFE00;
	[tilespmem:s21+$0x13C00] =	vst v1;
	s21 =	smov.u32 s20;
	s20 =	sadd.s32 $0x200, s20  }
.Ltmp1:
0x3c: {  	(pc) =	sbr.rel @p0 .LBB2_4-.Ltmp1, $2  }
0x3d: {  	_ =	sdelay $0x2  }
0x3e: {  	s21 =	sshra.s32 s21, $0x2  }
0x3f: {  	[tilespmem:s21+$0x13C00] =	vst v1  }
0x40: {  	[bflag:$0x0] =	sbarrier.arrive $0xFFFF  }
0x41: {  	[spmem:s2] =	stream.indirect.scatter.add.f32 [tilespmem:s14], [sflag:$0x1], $0x80, s12, s15, $0xb8;
	[tilespmem:$0x19000] =	vst v63  }
0x42: {  	_ =	swait.ge [sflag:s13], $0x4000  }
0x43: {  	[sflag:s13] =	ssyncset.done $0x0  }
0x44: {  	s20 =	simm.s32 $0x17C80;
	[sflag:s13] =	ssyncadd.s32 $0xFFFFC000  }
0x45: {  	[spmem:s2] =	stream.indirect.scatter.add.f32 [tilespmem:s14], [sflag:$0x1], $0x80, s20, s15, $0xb8;
	[tilespmem:$0x19000] =	vst v63  }
0x46: {  	_ =	swait.ge [sflag:s13], $0x4000  }
0x47: {  	[sflag:s13] =	ssyncset.done $0x0  }
0x48: {  	s21 =	simm.s32 $0x17D00;
	[sflag:s13] =	ssyncadd.s32 $0xFFFFC000  }
0x49: {  	[spmem:s2] =	stream.indirect.scatter.add.f32 [tilespmem:s14], [sflag:$0x1], $0x80, s21, s15, $0xb8;
	[tilespmem:$0x19000] =	vst v63  }
0x4a: {  	_ =	swait.ge [sflag:s13], $0x4000  }
0x4b: {  	[sflag:s13] =	ssyncset.done $0x0  }
0x4c: {  	s21 =	simm.s32 $0x17D80;
	[sflag:s13] =	ssyncadd.s32 $0xFFFFC000  }
0x4d: {  	[spmem:s2] =	stream.indirect.scatter.add.f32 [tilespmem:s14], [sflag:$0x1], $0x80, s21, s15, $0xb8;
	[tilespmem:$0x19000] =	vst v63  }
0x4e: {  	_ =	swait.ge [sflag:s13], $0x4000  }
0x4f: {  	[sflag:s13] =	ssyncset.done $0x0  }
0x50: {  	s21 =	simm.s32 $0x17E00;
	[sflag:s13] =	ssyncadd.s32 $0xFFFFC000  }
0x51: {  	[spmem:s2] =	stream.indirect.scatter.add.f32 [tilespmem:s14], [sflag:$0x1], $0x80, s21, s15, $0xb8;
	[tilespmem:$0x19000] =	vst v63  }
0x52: {  	_ =	swait.ge [sflag:s13], $0x4000  }
0x53: {  	[sflag:s13] =	ssyncset.done $0x0  }
0x54: {  	s21 =	simm.s32 $0x17E80;
	[sflag:s13] =	ssyncadd.s32 $0xFFFFC000  }
0x55: {  	[spmem:s2] =	stream.indirect.scatter.add.f32 [tilespmem:s14], [sflag:$0x1], $0x80, s21, s15, $0xb8;
	[tilespmem:$0x19000] =	vst v63  }
0x56: {  	_ =	swait.ge [sflag:s13], $0x4000  }
0x57: {  	[sflag:s13] =	ssyncset.done $0x0  }
0x58: {  	s21 =	simm.s32 $0x17F00;
	[sflag:s13] =	ssyncadd.s32 $0xFFFFC000  }
0x59: {  	[spmem:s2] =	stream.indirect.scatter.add.f32 [tilespmem:s14], [sflag:$0x1], $0x80, s21, s15, $0xb8;
	[tilespmem:$0x19000] =	vst v63  }
0x5a: {  	_ =	swait.ge [sflag:s13], $0x4000  }
0x5b: {  	[sflag:s13] =	ssyncset.done $0x0  }
0x5c: {  	s21 =	simm.s32 $0x17F80;
	[sflag:s13] =	ssyncadd.s32 $0xFFFFC000  }
0x5d: {  	[spmem:s2] =	stream.indirect.scatter.add.f32 [tilespmem:s14], [sflag:$0x1], $0x80, s21, s15, $0xb8;
	[tilespmem:$0x19000] =	vst v63  }
0x5e: {  	_ =	swait.ge [sflag:s13], $0x4000  }
0x5f: {  	[sflag:s13] =	ssyncset.done $0x0  }
0x60: {  	s21 =	simm.s32 $0x18000;
	[sflag:s13] =	ssyncadd.s32 $0xFFFFC000  }
0x61: {  	[spmem:s2] =	stream.indirect.scatter.add.f32 [tilespmem:s14], [sflag:$0x1], $0x80, s21, s15, $0xb8;
	[tilespmem:$0x19000] =	vst v63  }
0x62: {  	_ =	swait.ge [sflag:s13], $0x4000  }
0x63: {  	[sflag:s13] =	ssyncset.done $0x0  }
0x64: {  	s21 =	simm.s32 $0x18080;
	[sflag:s13] =	ssyncadd.s32 $0xFFFFC000  }
0x65: {  	[spmem:s2] =	stream.indirect.scatter.add.f32 [tilespmem:s14], [sflag:$0x1], $0x80, s21, s15, $0xb8;
	[tilespmem:$0x19000] =	vst v63  }
0x66: {  	_ =	swait.ge [sflag:s13], $0x4000  }
0x67: {  	[sflag:s13] =	ssyncset.done $0x0  }
0x68: {  	s21 =	simm.s32 $0x18100;
	[sflag:s13] =	ssyncadd.s32 $0xFFFFC000  }
0x69: {  	[spmem:s2] =	stream.indirect.scatter.add.f32 [tilespmem:s14], [sflag:$0x1], $0x80, s21, s15, $0xb8;
	[tilespmem:$0x19000] =	vst v63  }
0x6a: {  	_ =	swait.ge [sflag:s13], $0x4000  }
0x6b: {  	[sflag:s13] =	ssyncset.done $0x0  }
0x6c: {  	s21 =	simm.s32 $0x18180;
	[sflag:s13] =	ssyncadd.s32 $0xFFFFC000  }
0x6d: {  	[spmem:s2] =	stream.indirect.scatter.add.f32 [tilespmem:s14], [sflag:$0x1], $0x80, s21, s15, $0xb8;
	[tilespmem:$0x19000] =	vst v63  }
0x6e: {  	_ =	swait.ge [sflag:s13], $0x4000  }
0x6f: {  	[sflag:s13] =	ssyncset.done $0x0  }
0x70: {  	s21 =	simm.s32 $0x18200;
	[sflag:s13] =	ssyncadd.s32 $0xFFFFC000  }
0x71: {  	[spmem:s2] =	stream.indirect.scatter.add.f32 [tilespmem:s14], [sflag:$0x1], $0x80, s21, s15, $0xb8;
	[tilespmem:$0x19000] =	vst v63  }
0x72: {  	_ =	swait.ge [sflag:s13], $0x4000  }
0x73: {  	[sflag:s13] =	ssyncset.done $0x0  }
0x74: {  	s21 =	simm.s32 $0x18280;
	[sflag:s13] =	ssyncadd.s32 $0xFFFFC000  }
0x75: {  	[spmem:s2] =	stream.indirect.scatter.add.f32 [tilespmem:s14], [sflag:$0x1], $0x80, s21, s15, $0xb8;
	[tilespmem:$0x19000] =	vst v63  }
0x76: {  	_ =	swait.ge [sflag:s13], $0x4000  }
0x77: {  	[sflag:s13] =	ssyncset.done $0x0  }
0x78: {  	s21 =	simm.s32 $0x18300;
	[sflag:s13] =	ssyncadd.s32 $0xFFFFC000  }
0x79: {  	[spmem:s2] =	stream.indirect.scatter.add.f32 [tilespmem:s14], [sflag:$0x1], $0x80, s21, s15, $0xb8;
	[tilespmem:$0x19000] =	vst v63  }
0x7a: {  	_ =	swait.ge [sflag:s13], $0x4000  }
0x7b: {  	[sflag:s13] =	ssyncset.done $0x0  }
0x7c: {  	s21 =	simm.s32 $0x18380;
	[sflag:s13] =	ssyncadd.s32 $0xFFFFC000  }
0x7d: {  	[spmem:s2] =	stream.indirect.scatter.add.f32 [tilespmem:s14], [sflag:$0x1], $0x80, s21, s15, $0xb8;
	[tilespmem:$0x19000] =	vst v63  }
0x7e: {  	_ =	swait.ge [sflag:s13], $0x4000  }
0x7f: {  	[sflag:s13] =	ssyncset.done $0x0  }
0x80: {  	s21 =	simm.s32 $0x18400;
	[sflag:s13] =	ssyncadd.s32 $0xFFFFC000  }
0x81: {  	[spmem:s2] =	stream.indirect.scatter.add.f32 [tilespmem:s14], [sflag:$0x1], $0x80, s21, s15, $0xb8;
	[tilespmem:$0x19000] =	vst v63  }
0x82: {  	_ =	swait.ge [sflag:s13], $0x4000  }
0x83: {  	[sflag:s13] =	ssyncset.done $0x0  }
0x84: {  	s21 =	simm.s32 $0x18480;
	[sflag:s13] =	ssyncadd.s32 $0xFFFFC000  }
0x85: {  	[spmem:s2] =	stream.indirect.scatter.add.f32 [tilespmem:s14], [sflag:$0x1], $0x80, s21, s15, $0xb8;
	[tilespmem:$0x19000] =	vst v63  }
0x86: {  	_ =	swait.ge [sflag:s13], $0x4000  }
0x87: {  	[sflag:s13] =	ssyncset.done $0x0  }
0x88: {  	s21 =	simm.s32 $0x18500;
	[sflag:s13] =	ssyncadd.s32 $0xFFFFC000  }
0x89: {  	[spmem:s2] =	stream.indirect.scatter.add.f32 [tilespmem:s14], [sflag:$0x1], $0x80, s21, s15, $0xb8;
	[tilespmem:$0x19000] =	vst v63  }
0x8a: {  	_ =	swait.ge [sflag:s13], $0x4000  }
0x8b: {  	[sflag:s13] =	ssyncset.done $0x0  }
0x8c: {  	s21 =	simm.s32 $0x18580;
	[sflag:s13] =	ssyncadd.s32 $0xFFFFC000  }
0x8d: {  	[spmem:s2] =	stream.indirect.scatter.add.f32 [tilespmem:s14], [sflag:$0x1], $0x80, s21, s15, $0xb8;
	[tilespmem:$0x19000] =	vst v63  }
0x8e: {  	_ =	swait.ge [sflag:s13], $0x4000  }
0x8f: {  	[sflag:s13] =	ssyncset.done $0x0  }
0x90: {  	s21 =	simm.s32 $0x18600;
	[sflag:s13] =	ssyncadd.s32 $0xFFFFC000  }
0x91: {  	[spmem:s2] =	stream.indirect.scatter.add.f32 [tilespmem:s14], [sflag:$0x1], $0x80, s21, s15, $0xb8;
	[tilespmem:$0x19000] =	vst v63  }
0x92: {  	_ =	swait.ge [sflag:s13], $0x4000  }
0x93: {  	[sflag:s13] =	ssyncset.done $0x0  }
0x94: {  	s21 =	simm.s32 $0x18680;
	[sflag:s13] =	ssyncadd.s32 $0xFFFFC000  }
0x95: {  	[spmem:s2] =	stream.indirect.scatter.add.f32 [tilespmem:s14], [sflag:$0x1], $0x80, s21, s15, $0xb8;
	[tilespmem:$0x19000] =	vst v63  }
0x96: {  	_ =	swait.ge [sflag:s13], $0x4000  }
0x97: {  	[sflag:s13] =	ssyncset.done $0x0  }
0x98: {  	s21 =	simm.s32 $0x18700;
	[sflag:s13] =	ssyncadd.s32 $0xFFFFC000  }
0x99: {  	[spmem:s2] =	stream.indirect.scatter.add.f32 [tilespmem:s14], [sflag:$0x1], $0x80, s21, s15, $0xb8;
	[tilespmem:$0x19000] =	vst v63  }
0x9a: {  	_ =	swait.ge [sflag:s13], $0x4000  }
0x9b: {  	[sflag:s13] =	ssyncset.done $0x0  }
0x9c: {  	s21 =	simm.s32 $0x18780;
	[sflag:s13] =	ssyncadd.s32 $0xFFFFC000  }
0x9d: {  	[spmem:s2] =	stream.indirect.scatter.add.f32 [tilespmem:s14], [sflag:$0x1], $0x80, s21, s15, $0xb8;
	[tilespmem:$0x19000] =	vst v63  }
0x9e: {  	_ =	swait.ge [sflag:s13], $0x4000  }
0x9f: {  	[sflag:s13] =	ssyncset.done $0x0  }
0xa0: {  	s21 =	simm.s32 $0x18800;
	[sflag:s13] =	ssyncadd.s32 $0xFFFFC000  }
0xa1: {  	[spmem:s2] =	stream.indirect.scatter.add.f32 [tilespmem:s14], [sflag:$0x1], $0x80, s21, s15, $0xb8;
	[tilespmem:$0x19000] =	vst v63  }
0xa2: {  	_ =	swait.ge [sflag:s13], $0x4000  }
0xa3: {  	[sflag:s13] =	ssyncset.done $0x0  }
0xa4: {  	[sflag:s13] =	ssyncadd.s32 $0xFFFFC000  }
0xa5: {  	[spmem:s2] =	stream.indirect.scatter.add.f32 [tilespmem:s14], [sflag:$0x1], $0x80, s22, s15, $0xb8;
	[tilespmem:$0x19000] =	vst v63  }
0xa6: {  	_ =	swait.ge [sflag:s13], $0x4000  }
0xa7: {  	[sflag:s13] =	ssyncset.done $0x0  }
0xa8: {  	[sflag:s13] =	ssyncadd.s32 $0xFFFFC000  }
0xa9: {  	[spmem:s2] =	stream.indirect.scatter.add.f32 [tilespmem:s14], [sflag:$0x1], $0x80, s23, s15, $0xb8;
	[tilespmem:$0x19000] =	vst v63  }
0xaa: {  	_ =	swait.ge [sflag:s13], $0x4000  }
0xab: {  	[sflag:s13] =	ssyncset.done $0x0  }
0xac: {  	[sflag:s13] =	ssyncadd.s32 $0xFFFFC000  }
0xad: {  	[spmem:s2] =	stream.indirect.scatter.add.f32 [tilespmem:s14], [sflag:$0x1], $0x80, s24, s15, $0xb8;
	[tilespmem:$0x19000] =	vst v63  }
0xae: {  	_ =	swait.ge [sflag:s13], $0x4000  }
0xaf: {  	[sflag:s13] =	ssyncset.done $0x0  }
0xb0: {  	[sflag:s13] =	ssyncadd.s32 $0xFFFFC000  }
0xb1: {  	[spmem:s2] =	stream.indirect.scatter.add.f32 [tilespmem:s14], [sflag:$0x1], $0x80, s25, s15, $0xb8;
	[tilespmem:$0x19000] =	vst v63  }
0xb2: {  	_ =	swait.ge [sflag:s13], $0x4000  }
0xb3: {  	[sflag:s13] =	ssyncset.done $0x0  }
0xb4: {  	[sflag:s13] =	ssyncadd.s32 $0xFFFFC000  }
0xb5: {  	[spmem:s2] =	stream.indirect.scatter.add.f32 [tilespmem:s14], [sflag:$0x1], $0x80, s26, s15, $0xb8;
	[tilespmem:$0x19000] =	vst v63  }
0xb6: {  	_ =	swait.ge [sflag:s13], $0x4000  }
0xb7: {  	[sflag:s13] =	ssyncset.done $0x0  }
0xb8: {  	[sflag:s13] =	ssyncadd.s32 $0xFFFFC000  }
0xb9: {  	[spmem:s2] =	stream.indirect.scatter.add.f32 [tilespmem:s14], [sflag:$0x1], $0x80, s28, s15, $0xb8;
	[tilespmem:$0x19000] =	vst v63  }
0xba: {  	_ =	swait.ge [sflag:s13], $0x4000  }
0xbb: {  	[sflag:s13] =	ssyncset.done $0x0  }
0xbc: {  	[sflag:s13] =	ssyncadd.s32 $0xFFFFC000  }
0xbd: {  	[spmem:s2] =	stream.indirect.scatter.add.f32 [tilespmem:s14], [sflag:$0x1], $0x80, s29, s15, $0xb8;
	[tilespmem:$0x19000] =	vst v63  }
0xbe: {  	_ =	swait.ge [sflag:s13], $0x4000  }
0xbf: {  	[sflag:s13] =	ssyncset.done $0x0  }
0xc0: {  	[sflag:s13] =	ssyncadd.s32 $0xFFFFC000  }
0xc1: {  	[spmem:s2] =	stream.indirect.scatter.add.f32 [tilespmem:s14], [sflag:$0x1], $0x80, s30, s15, $0xb8;
	[tilespmem:$0x19000] =	vst v63  }
0xc2: {  	_ =	swait.ge [sflag:s13], $0x4000  }
0xc3: {  	[sflag:s13] =	ssyncset.done $0x0  }
0xc4: {  	[sflag:s13] =	ssyncadd.s32 $0xFFFFC000  }
0xc5: {  	[spmem:s2] =	stream.indirect.scatter.add.f32 [tilespmem:s14], [sflag:$0x1], $0x80, s31, s15, $0xb8;
	[tilespmem:$0x19000] =	vst v63  }
0xc6: {  	_ =	swait.ge [sflag:s13], $0x4000  }
0xc7: {  	[sflag:s13] =	ssyncset.done $0x0  }
0xc8: {  	[sflag:s13] =	ssyncadd.s32 $0xFFFFC000  }
0xc9: {  	[spmem:s2] =	stream.indirect.scatter.add.f32 [tilespmem:s14], [sflag:$0x1], $0x80, s1, s15, $0xb8;
	[tilespmem:$0x19000] =	vst v63  }
0xca: {  	_ =	swait.ge [sflag:s13], $0x4000  }
0xcb: {  	[sflag:s13] =	ssyncset.done $0x0  }
0xcc: {  	[sflag:s13] =	ssyncadd.s32 $0xFFFFC000  }
0xcd: {  	[spmem:s2] =	stream.indirect.scatter.add.f32 [tilespmem:s14], [sflag:$0x1], $0x80, s3, s15, $0xb8;
	[tilespmem:$0x19000] =	vst v63  }
0xce: {  	_ =	swait.ge [sflag:s13], $0x4000  }
0xcf: {  	[sflag:s13] =	ssyncset.done $0x0  }
0xd0: {  	[sflag:s13] =	ssyncadd.s32 $0xFFFFC000  }
0xd1: {  	[spmem:s2] =	stream.indirect.scatter.add.f32 [tilespmem:s14], [sflag:$0x1], $0x80, s16, s15, $0xb8;
	[tilespmem:$0x19000] =	vst v63  }
0xd2: {  	_ =	swait.ge [sflag:s13], $0x4000  }
0xd3: {  	[sflag:s13] =	ssyncset.done $0x0  }
0xd4: {  	[sflag:s13] =	ssyncadd.s32 $0xFFFFC000  }
0xd5: {  	[spmem:s2] =	stream.indirect.scatter.add.f32 [tilespmem:s14], [sflag:$0x1], $0x80, s17, s15, $0xb8;
	[tilespmem:$0x19000] =	vst v63  }
0xd6: {  	_ =	swait.ge [sflag:s13], $0x4000  }
0xd7: {  	[sflag:s13] =	ssyncset.done $0x0  }
0xd8: {  	[sflag:s13] =	ssyncadd.s32 $0xFFFFC000  }
0xd9: {  	[spmem:s2] =	stream.indirect.scatter.add.f32 [tilespmem:s14], [sflag:$0x1], $0x80, s0, s15, $0xb8;
	[tilespmem:$0x19000] =	vst v63  }
0xda: {  	_ =	swait.ge [sflag:s13], $0x4000  }
0xdb: {  	[sflag:s13] =	ssyncset.done $0x0  }
0xdc: {  	[sflag:s13] =	ssyncadd.s32 $0xFFFFC000  }
0xdd: {  	[spmem:s2] =	stream.indirect.scatter.add.f32 [tilespmem:s14], [sflag:$0x1], $0x80, s18, s15, $0xb8;
	[tilespmem:$0x19000] =	vst v63  }
0xde: {  	s19 =	sadd.s32 $0x1, s19;
	_ =	swait.ge [sflag:s13], $0x4000  }
0xdf: {  	p0 =	sne.s32 s19, s11;
	s21 =	stileid.u32;
	[sflag:s13] =	ssyncset.done $0x0  }
0xe0: {  	s20 =	sshll.u32 s21, $0x6;
	s21 =	sshrl.u32 s4, $0x3;
	[sflag:s13] =	ssyncadd.s32 $0xFFFFC000  }
.Ltmp2:
0xe1: {  	s20 =	sor.u32 $0x1C01, s20;
	[bflag:$0x0] =	sbarrier.arrive $0xFFFF;
	(pc) =	sbr.rel @p0 .LBB2_1-.Ltmp2, $4  }
0xe2: {  	[hbm:s10], [sflag:s20] =	dma.local [spmem:s21], $0x2780  }
0xe3: {  	_ =	swait.ge [sflag:s13], $0x2780  }
0xe4: {  	[sflag:s13] =	ssyncset.done $0x0  }
0xe5: {  	[sflag:s13] =	ssyncadd.s32 $0xFFFFD880  }
0xe6: {  	_ =	sfence.sel $0x180000  }
0xe7: {  	[bflag:$0x0] =	sbarrier.arrive $0xFFFF  }
0xe8: {  	_ =	strace $0x90000047  }
0xe9: {  	s0 =	stileid.u32;
	[bflag:$0x2] =	sbarrier.arrive $0xFFFF  }
0xea: {  	p0 =	sne.s32 s0, $0x0;
	s0 =	rddreg [dreg:$0x2]  }
0xeb: {  	s0 =	sadd.s32 @!p0 $0x100000, s0  }
0xec: {  	[sflag:s0] =	ssyncadd.tile.s32 @!p0 $0x1;
	_ =	shalt  }
.Lfunc_end2:
_tile_overlayer_lowered:
.L_overlay_start_2:
0xed: {  	(tag) =	ssettag $0x2  }
0xee: {  	s0 =	rddreg [dreg:$0x0];
	s2 =	stileid.u32  }
0xef: {  	s1 =	rddreg [dreg:$0x1];
	p0 =	sne.s32 s2, $0x0  }
0xf0: {  	s3 =	rddreg [dreg:$0x2];
	[bflag:$0x3] =	sbarrier.arrive $0xFFFF;
	s2 =	simm.s32 @!p0 $0x1C01  }
0xf1: {  	[timem:s3], [sflag:s2] =	dma.local @!p0 [hbm:s0], s1  }
0xf2: {  	s0 =	simm.s32 @!p0 $0x1  }
0xf3: {  	_ =	swait.ge @!p0 [sflag:s0], s1  }
0xf4: {  	s1 =	ssub.s32 @!p0 $0x0, s1;
	[sflag:s0] =	ssyncset.done @!p0 $0x0  }
0xf5: {  	[sflag:s0] =	ssyncadd.s32 @!p0 s1  }
0xf6: {  	[bflag:$0x3] =	sbarrier.arrive $0xFFFF  }
0xf7: {  	_ =	shalt  }

</sc_bundles>
